<compile_context>
chip_gen: v7x
topology: tpu7x:2x2x1
jax: 0.10.2.dev20260603
libtpu: 0.0.44.dev20260713+nightly
codegen_flags: <defaults>
</compile_context>

<pallas_src>
import functools

import jax
import jax.numpy as jnp
from jax import lax
from jax.experimental import pallas as pl
from jax.experimental.pallas import tpu as pltpu
from jax.experimental.pallas import tpu_sc as plsc

NC = 2
NS = 16
L = 16

BB = 4
NP = 4096
NW_PER_B = 8
RPW = NP // NW_PER_B
RG = 8
NG = RPW // RG
NJ = NP // L
NWORK = NC * NS


def _chamfer_body(x1_hbm, x2_hbm, out1_hbm, out2_hbm,
                  x1x, x1y, x1z, a1,
                  x2x, x2y, x2z, e2,
                  umin, comb, iob, part):
    c = lax.axis_index("c")
    s = lax.axis_index("s")
    b = c * 2 + s // NW_PER_B
    bl = s // NW_PER_B
    k = s % NW_PER_B
    wid = c * NS + s
    rbase = k * RPW

    b2 = b * 3 * NP
    pltpu.sync_copy(x2_hbm.at[pl.ds(b2, NP)], x2x)
    pltpu.sync_copy(x2_hbm.at[pl.ds(b2 + NP, NP)], x2y)
    pltpu.sync_copy(x2_hbm.at[pl.ds(b2 + 2 * NP, NP)], x2z)
    pltpu.sync_copy(x1_hbm.at[pl.ds(b2 + rbase, RPW)], x1x)
    pltpu.sync_copy(x1_hbm.at[pl.ds(b2 + NP + rbase, RPW)], x1y)
    pltpu.sync_copy(x1_hbm.at[pl.ds(b2 + 2 * NP + rbase, RPW)], x1z)

    inf16 = jnp.full((L,), jnp.inf, jnp.float32)

    def bf16_round(v):
        u = lax.bitcast_convert_type(v, jnp.uint32)
        u = u + jnp.uint32(0x7FFF) + ((u >> 16) & jnp.uint32(1))
        u = u & jnp.uint32(0xFFFF0000)
        return lax.bitcast_convert_type(u, jnp.float32)

    def pre2(j, _):
        sl = pl.ds(j * L, L)
        xx = x2x[sl]
        yy = x2y[sl]
        zz = x2z[sl]
        e2[sl] = 0.5 * (xx * xx + yy * yy + zz * zz)
        x2x[sl] = bf16_round(xx)
        x2y[sl] = bf16_round(yy)
        x2z[sl] = bf16_round(zz)
        umin[sl] = inf16
        return 0
    lax.fori_loop(0, NJ, pre2, 0)

    def pre1(i, _):
        sl = pl.ds(i * L, L)
        xx = x1x[sl]
        yy = x1y[sl]
        zz = x1z[sl]
        a1[sl] = 0.5 * (xx * xx + yy * yy + zz * zz)
        x1x[sl] = -bf16_round(xx)
        x1y[sl] = -bf16_round(yy)
        x1z[sl] = -bf16_round(zz)
        return 0
    lax.fori_loop(0, RPW // L, pre1, 0)

    def group_body(g, s1):
        gsl = pl.ds(g * L, L)
        vx = x1x[gsl]
        vy = x1y[gsl]
        vz = x1z[gsl]
        va = a1[gsl]
        for half in range(L // RG):
            nbx = []
            nby = []
            nbz = []
            av = []
            for r in range(RG):
                i = half * RG + r
                nbx.append(jnp.full((L,), vx[i]))
                nby.append(jnp.full((L,), vy[i]))
                nbz.append(jnp.full((L,), vz[i]))
                av.append(jnp.full((L,), va[i]))

            def col_body(j, tmins):
                sl = pl.ds(j * L, L)
                xx = x2x[sl]
                yy = x2y[sl]
                zz = x2z[sl]
                e = e2[sl]
                new_t = []
                ucand = None
                for r in range(RG):
                    h = av[r] + e
                    h = h + xx * nbx[r]
                    h = h + yy * nby[r]
                    h = h + zz * nbz[r]
                    new_t.append(jnp.minimum(tmins[r], h))
                    ucand = h if ucand is None else jnp.minimum(ucand, h)
                umin[sl] = jnp.minimum(umin[sl], ucand)
                return tuple(new_t)

            tmins = plsc.parallel_loop(
                0, NJ, unroll=4, carry=(inf16,) * RG)(col_body)
            for r in range(RG):
                m = jnp.min(tmins[r])
                s1 = s1 + jnp.maximum(m + m, 0.0)
        return s1

    s1 = lax.fori_loop(0, RPW // L, group_body, jnp.float32(0.0))

    lane = lax.iota(jnp.int32, L)
    iob[:] = jnp.where(lane == 0, s1, 0.0)
    pltpu.sync_copy(iob, out1_hbm.at[pl.ds(wid * L, L)])

    pltpu.sync_copy(umin, part.at[pl.ds((bl * NW_PER_B + k) * NP, NP)])
    plsc.subcore_barrier()
    cbase = k * RPW
    for i in range(NW_PER_B):
        pltpu.sync_copy(
            part.at[pl.ds((bl * NW_PER_B + i) * NP + cbase, RPW)],
            comb.at[i],
        )

    def col_sum(j, s2):
        sl = pl.ds(j * L, L)
        u = comb[0, sl]
        for i in range(1, NW_PER_B):
            u = jnp.minimum(u, comb[i, sl])
        return s2 + jnp.maximum(u + u, 0.0)

    s2v = lax.fori_loop(0, RPW // L, col_sum, jnp.zeros((L,), jnp.float32))
    iob[:] = s2v
    pltpu.sync_copy(iob, out2_hbm.at[pl.ds(wid * L, L)])


@jax.jit
def _chamfer_sc(x1t, x2t):
    f32 = jnp.float32
    run = pl.kernel(
        _chamfer_body,
        out_type=[
            jax.ShapeDtypeStruct((NWORK * L,), f32),
            jax.ShapeDtypeStruct((NWORK * L,), f32),
        ],
        mesh=plsc.VectorSubcoreMesh(
            core_axis_name="c", subcore_axis_name="s",
            num_cores=NC, num_subcores=NS,
        ),
        compiler_params=pltpu.CompilerParams(needs_layout_passes=False),
        scratch_types=[
            pltpu.VMEM((RPW,), f32),
            pltpu.VMEM((RPW,), f32),
            pltpu.VMEM((RPW,), f32),
            pltpu.VMEM((RPW,), f32),
            pltpu.VMEM((NP,), f32),
            pltpu.VMEM((NP,), f32),
            pltpu.VMEM((NP,), f32),
            pltpu.VMEM((NP,), f32),
            pltpu.VMEM((NP,), f32),
            pltpu.VMEM((NW_PER_B, RPW), f32),
            pltpu.VMEM((L,), f32),
            pltpu.VMEM_SHARED((2 * NW_PER_B * NP,), f32),
        ],
    )
    return run(x1t, x2t)


def kernel(xyz1, xyz2):
    x1t = jnp.transpose(xyz1, (0, 2, 1)).reshape(-1)
    x2t = jnp.transpose(xyz2, (0, 2, 1)).reshape(-1)
    o1, o2 = _chamfer_sc(x1t, x2t)
    return jnp.sum(o1) / (BB * NP) + jnp.sum(o2) / (BB * NP)

# --- scband reference (transcript-rebuilt; emitter-appended) ---
"""Pipeline reference for scband-chamfer-distance-27058293965199 (READ-ONLY COPY).

The authoritative reference and input builder live on the scoring server;
editing this copy changes nothing except your own understanding.
"""

import jax, jax.numpy as jnp
import numpy as np


def setup_inputs(seed: int = 0) -> dict:
    key = jax.random.key(seed)
    k1, k2 = jax.random.split(key)
    xyz1 = jax.random.normal(k1, (4, 4096, 3), dtype=jnp.float32)
    xyz2 = jax.random.normal(k2, (4, 4096, 3), dtype=jnp.float32)
    return {"xyz1": xyz1, "xyz2": xyz2}


def reference(xyz1, xyz2):
    # ChamferDistance with norm='L2', ignore_zeros=False, batch_size > 1
    # chamfer.forward returns squared nearest-neighbor distances in both directions.
    # Pairwise squared distances via the expansion ||a||^2 + ||b||^2 - 2 a.b
    sq1 = jnp.sum(xyz1 * xyz1, axis=-1)  # [B, N]
    sq2 = jnp.sum(xyz2 * xyz2, axis=-1)  # [B, M]
    inner = jnp.einsum('bnd,bmd->bnm', xyz1, xyz2)  # [B, N, M]
    d = sq1[:, :, None] + sq2[:, None, :] - 2.0 * inner
    d = jnp.maximum(d, 0.0)  # guard tiny negatives from fp error
    dist1 = jnp.min(d, axis=2)  # [B, N] squared dist to nearest in xyz2
    dist2 = jnp.min(d, axis=1)  # [B, M] squared dist to nearest in xyz1
    # norm == 'L2' branch
    return jnp.mean(dist1) + jnp.mean(dist2)

if __name__ == "__main__":
    import jax
    _d = setup_inputs()
    print(jax.jit(kernel)(*tuple(_d.values())))

</pallas_src>

<mosaic_0001>
#map = affine_map<(d0, d1) -> (0)>
module attributes {stable_mosaic.version = 14 : i64} {
  func.func @_chamfer_body(%arg0: i32, %arg1: i32, %arg2: memref<49152xf32, #tpu.memory_space<hbm>>, %arg3: memref<49152xf32, #tpu.memory_space<hbm>>, %arg4: memref<512xf32, #tpu.memory_space<hbm>>, %arg5: memref<512xf32, #tpu.memory_space<hbm>>, %arg6: memref<512xf32, #tpu.memory_space<vmem>>, %arg7: memref<512xf32, #tpu.memory_space<vmem>>, %arg8: memref<512xf32, #tpu.memory_space<vmem>>, %arg9: memref<512xf32, #tpu.memory_space<vmem>>, %arg10: memref<4096xf32, #tpu.memory_space<vmem>>, %arg11: memref<4096xf32, #tpu.memory_space<vmem>>, %arg12: memref<4096xf32, #tpu.memory_space<vmem>>, %arg13: memref<4096xf32, #tpu.memory_space<vmem>>, %arg14: memref<4096xf32, #tpu.memory_space<vmem>>, %arg15: memref<8x512xf32, #tpu.memory_space<vmem>>, %arg16: memref<16xf32, #tpu.memory_space<vmem>>, %arg17: memref<65536xf32, #tpu.memory_space<vmem_shared>>) attributes {dimension_semantics = [#tpu.dimension_semantics<core_parallel>, #tpu.dimension_semantics<subcore_parallel>], iteration_bounds = array<i64: 2, 16>, scalar_prefetch = 0 : i64, scratch_operands = 12 : i64, tpu.core_type = #tpu.core_type<sc_vector_subcore>, window_params = [{transform_indices = #map}, {transform_indices = #map}, {transform_indices = #map}, {transform_indices = #map}]} {
    %mul3A = arith.constant 2 : i32
    %mul3A_0 = arith.muli %arg0, %mul3A : i32
    %jit3A = arith.constant 8 : i32
    %div3A = arith.divsi %arg1, %jit3A : i32
    %sign3A = arith.constant 0 : i32
    %sign3A_1 = arith.cmpi sgt, %arg1, %sign3A : i32
    %sign3A_2 = arith.extui %sign3A_1 : i1 to i32
    %sign3A_3 = arith.constant 0 : i32
    %sign3A_4 = arith.cmpi slt, %arg1, %sign3A_3 : i32
    %sign3A_5 = arith.extui %sign3A_4 : i1 to i32
    %sign3A_6 = arith.subi %sign3A_2, %sign3A_5 : i32
    %sign3A_7 = arith.constant 0 : i32
    %sign3A_8 = arith.cmpi sgt, %jit3A, %sign3A_7 : i32
    %sign3A_9 = arith.extui %sign3A_8 : i1 to i32
    %sign3A_10 = arith.constant 0 : i32
    %sign3A_11 = arith.cmpi slt, %jit3A, %sign3A_10 : i32
    %sign3A_12 = arith.extui %sign3A_11 : i1 to i32
    %sign3A_13 = arith.subi %sign3A_9, %sign3A_12 : i32
    %ne3A = arith.cmpi ne, %sign3A_6, %sign3A_13 : i32
    %rem3A = arith.remsi %arg1, %jit3A : i32
    %ne3A_14 = arith.constant 0 : i32
    %ne3A_15 = arith.cmpi ne, %rem3A, %ne3A_14 : i32
    %and3A = arith.andi %ne3A, %ne3A_15 : i1
    %sub3A = arith.constant 1 : i32
    %sub3A_16 = arith.subi %div3A, %sub3A : i32
    %select_n3A = arith.select %and3A, %sub3A_16, %div3A : i32
    %add3A = arith.addi %mul3A_0, %select_n3A : i32
    %jit3A_17 = arith.constant 8 : i32
    %div3A_18 = arith.divsi %arg1, %jit3A_17 : i32
    %sign3A_19 = arith.constant 0 : i32
    %sign3A_20 = arith.cmpi sgt, %arg1, %sign3A_19 : i32
    %sign3A_21 = arith.extui %sign3A_20 : i1 to i32
    %sign3A_22 = arith.constant 0 : i32
    %sign3A_23 = arith.cmpi slt, %arg1, %sign3A_22 : i32
    %sign3A_24 = arith.extui %sign3A_23 : i1 to i32
    %sign3A_25 = arith.subi %sign3A_21, %sign3A_24 : i32
    %sign3A_26 = arith.constant 0 : i32
    %sign3A_27 = arith.cmpi sgt, %jit3A_17, %sign3A_26 : i32
    %sign3A_28 = arith.extui %sign3A_27 : i1 to i32
    %sign3A_29 = arith.constant 0 : i32
    %sign3A_30 = arith.cmpi slt, %jit3A_17, %sign3A_29 : i32
    %sign3A_31 = arith.extui %sign3A_30 : i1 to i32
    %sign3A_32 = arith.subi %sign3A_28, %sign3A_31 : i32
    %ne3A_33 = arith.cmpi ne, %sign3A_25, %sign3A_32 : i32
    %rem3A_34 = arith.remsi %arg1, %jit3A_17 : i32
    %ne3A_35 = arith.constant 0 : i32
    %ne3A_36 = arith.cmpi ne, %rem3A_34, %ne3A_35 : i32
    %and3A_37 = arith.andi %ne3A_33, %ne3A_36 : i1
    %sub3A_38 = arith.constant 1 : i32
    %sub3A_39 = arith.subi %div3A_18, %sub3A_38 : i32
    %select_n3A_40 = arith.select %and3A_37, %sub3A_39, %div3A_18 : i32
    %jit3A_41 = arith.constant 8 : i32
    %eq3A = arith.constant 0 : i32
    %eq3A_42 = arith.cmpi eq, %jit3A_41, %eq3A : i32
    %jit3A_43 = arith.constant 1 : i32
    %select_n3A_44 = arith.select %eq3A_42, %jit3A_43, %jit3A_41 : i32
    %rem3A_45 = arith.remsi %arg1, %select_n3A_44 : i32
    %ne3A_46 = arith.constant 0 : i32
    %ne3A_47 = arith.cmpi ne, %rem3A_45, %ne3A_46 : i32
    %lt3A = arith.constant 0 : i32
    %lt3A_48 = arith.cmpi slt, %rem3A_45, %lt3A : i32
    %lt3A_49 = arith.constant 0 : i32
    %lt3A_50 = arith.cmpi slt, %select_n3A_44, %lt3A_49 : i32
    %ne3A_51 = arith.xori %lt3A_48, %lt3A_50 : i1
    %and3A_52 = arith.andi %ne3A_51, %ne3A_47 : i1
    %add3A_53 = arith.addi %rem3A_45, %select_n3A_44 : i32
    %select_n3A_54 = arith.select %and3A_52, %add3A_53, %rem3A_45 : i32
    %mul3A_55 = arith.constant 16 : i32
    %mul3A_56 = arith.muli %arg0, %mul3A_55 : i32
    %add3A_57 = arith.addi %mul3A_56, %arg1 : i32
    %mul3A_58 = arith.constant 512 : i32
    %mul3A_59 = arith.muli %select_n3A_54, %mul3A_58 : i32
    %mul3A_60 = arith.constant 3 : i32
    %mul3A_61 = arith.muli %add3A, %mul3A_60 : i32
    %mul3A_62 = arith.constant 4096 : i32
    %mul3A_63 = arith.muli %mul3A_61, %mul3A_62 : i32
    "tpu.region"() ({
      %run_scoped3A_188 = tpu.sem_alloc : memref<!tpu.dma_semaphore, #tpu.memory_space<semaphore_mem>>
      %dma_start3A = tpu.memref_slice %arg3[%mul3A_63] : memref<49152xf32, #tpu.memory_space<hbm>> -> memref<4096xf32, #tpu.memory_space<hbm>>
      %dma_start3A_189 = tpu.memref_slice %arg3[%mul3A_63] : memref<49152xf32, #tpu.memory_space<hbm>> -> memref<4096xf32, #tpu.memory_space<hbm>>
      tpu.enqueue_dma source(%dma_start3A_189 : memref<4096xf32, #tpu.memory_space<hbm>>) target(%arg10 : memref<4096xf32, #tpu.memory_space<vmem>>) target_semaphore(%run_scoped3A_188 : memref<!tpu.dma_semaphore, #tpu.memory_space<semaphore_mem>>)
      %dma_wait3A = tpu.memref_slice %arg3[%mul3A_63] : memref<49152xf32, #tpu.memory_space<hbm>> -> memref<4096xf32, #tpu.memory_space<hbm>>
      %dma_wait3A_190 = tpu.memref_slice %arg3[%mul3A_63] : memref<49152xf32, #tpu.memory_space<hbm>> -> memref<4096xf32, #tpu.memory_space<hbm>>
      tpu.wait_dma2 semaphore(%run_scoped3A_188 : memref<!tpu.dma_semaphore, #tpu.memory_space<semaphore_mem>>) src(%dma_wait3A_190 : memref<4096xf32, #tpu.memory_space<hbm>>) dst(%arg10 : memref<4096xf32, #tpu.memory_space<vmem>>)
      tpu.yield
    }) : () -> ()
    %add3A_64 = arith.constant 4096 : i32
    %add3A_65 = arith.addi %mul3A_63, %add3A_64 : i32
    "tpu.region"() ({
      %run_scoped3A_188 = tpu.sem_alloc : memref<!tpu.dma_semaphore, #tpu.memory_space<semaphore_mem>>
      %dma_start3A = tpu.memref_slice %arg3[%add3A_65] : memref<49152xf32, #tpu.memory_space<hbm>> -> memref<4096xf32, #tpu.memory_space<hbm>>
      %dma_start3A_189 = tpu.memref_slice %arg3[%add3A_65] : memref<49152xf32, #tpu.memory_space<hbm>> -> memref<4096xf32, #tpu.memory_space<hbm>>
      tpu.enqueue_dma source(%dma_start3A_189 : memref<4096xf32, #tpu.memory_space<hbm>>) target(%arg11 : memref<4096xf32, #tpu.memory_space<vmem>>) target_semaphore(%run_scoped3A_188 : memref<!tpu.dma_semaphore, #tpu.memory_space<semaphore_mem>>)
      %dma_wait3A = tpu.memref_slice %arg3[%add3A_65] : memref<49152xf32, #tpu.memory_space<hbm>> -> memref<4096xf32, #tpu.memory_space<hbm>>
      %dma_wait3A_190 = tpu.memref_slice %arg3[%add3A_65] : memref<49152xf32, #tpu.memory_space<hbm>> -> memref<4096xf32, #tpu.memory_space<hbm>>
      tpu.wait_dma2 semaphore(%run_scoped3A_188 : memref<!tpu.dma_semaphore, #tpu.memory_space<semaphore_mem>>) src(%dma_wait3A_190 : memref<4096xf32, #tpu.memory_space<hbm>>) dst(%arg11 : memref<4096xf32, #tpu.memory_space<vmem>>)
      tpu.yield
    }) : () -> ()
    %add3A_66 = arith.constant 8192 : i32
    %add3A_67 = arith.addi %mul3A_63, %add3A_66 : i32
    "tpu.region"() ({
      %run_scoped3A_188 = tpu.sem_alloc : memref<!tpu.dma_semaphore, #tpu.memory_space<semaphore_mem>>
      %dma_start3A = tpu.memref_slice %arg3[%add3A_67] : memref<49152xf32, #tpu.memory_space<hbm>> -> memref<4096xf32, #tpu.memory_space<hbm>>
      %dma_start3A_189 = tpu.memref_slice %arg3[%add3A_67] : memref<49152xf32, #tpu.memory_space<hbm>> -> memref<4096xf32, #tpu.memory_space<hbm>>
      tpu.enqueue_dma source(%dma_start3A_189 : memref<4096xf32, #tpu.memory_space<hbm>>) target(%arg12 : memref<4096xf32, #tpu.memory_space<vmem>>) target_semaphore(%run_scoped3A_188 : memref<!tpu.dma_semaphore, #tpu.memory_space<semaphore_mem>>)
      %dma_wait3A = tpu.memref_slice %arg3[%add3A_67] : memref<49152xf32, #tpu.memory_space<hbm>> -> memref<4096xf32, #tpu.memory_space<hbm>>
      %dma_wait3A_190 = tpu.memref_slice %arg3[%add3A_67] : memref<49152xf32, #tpu.memory_space<hbm>> -> memref<4096xf32, #tpu.memory_space<hbm>>
      tpu.wait_dma2 semaphore(%run_scoped3A_188 : memref<!tpu.dma_semaphore, #tpu.memory_space<semaphore_mem>>) src(%dma_wait3A_190 : memref<4096xf32, #tpu.memory_space<hbm>>) dst(%arg12 : memref<4096xf32, #tpu.memory_space<vmem>>)
      tpu.yield
    }) : () -> ()
    %add3A_68 = arith.addi %mul3A_63, %mul3A_59 : i32
    "tpu.region"() ({
      %run_scoped3A_188 = tpu.sem_alloc : memref<!tpu.dma_semaphore, #tpu.memory_space<semaphore_mem>>
      %dma_start3A = tpu.memref_slice %arg2[%add3A_68] : memref<49152xf32, #tpu.memory_space<hbm>> -> memref<512xf32, #tpu.memory_space<hbm>>
      %dma_start3A_189 = tpu.memref_slice %arg2[%add3A_68] : memref<49152xf32, #tpu.memory_space<hbm>> -> memref<512xf32, #tpu.memory_space<hbm>>
      tpu.enqueue_dma source(%dma_start3A_189 : memref<512xf32, #tpu.memory_space<hbm>>) target(%arg6 : memref<512xf32, #tpu.memory_space<vmem>>) target_semaphore(%run_scoped3A_188 : memref<!tpu.dma_semaphore, #tpu.memory_space<semaphore_mem>>)
      %dma_wait3A = tpu.memref_slice %arg2[%add3A_68] : memref<49152xf32, #tpu.memory_space<hbm>> -> memref<512xf32, #tpu.memory_space<hbm>>
      %dma_wait3A_190 = tpu.memref_slice %arg2[%add3A_68] : memref<49152xf32, #tpu.memory_space<hbm>> -> memref<512xf32, #tpu.memory_space<hbm>>
      tpu.wait_dma2 semaphore(%run_scoped3A_188 : memref<!tpu.dma_semaphore, #tpu.memory_space<semaphore_mem>>) src(%dma_wait3A_190 : memref<512xf32, #tpu.memory_space<hbm>>) dst(%arg6 : memref<512xf32, #tpu.memory_space<vmem>>)
      tpu.yield
    }) : () -> ()
    %add3A_69 = arith.constant 4096 : i32
    %add3A_70 = arith.addi %mul3A_63, %add3A_69 : i32
    %add3A_71 = arith.addi %add3A_70, %mul3A_59 : i32
    "tpu.region"() ({
      %run_scoped3A_188 = tpu.sem_alloc : memref<!tpu.dma_semaphore, #tpu.memory_space<semaphore_mem>>
      %dma_start3A = tpu.memref_slice %arg2[%add3A_71] : memref<49152xf32, #tpu.memory_space<hbm>> -> memref<512xf32, #tpu.memory_space<hbm>>
      %dma_start3A_189 = tpu.memref_slice %arg2[%add3A_71] : memref<49152xf32, #tpu.memory_space<hbm>> -> memref<512xf32, #tpu.memory_space<hbm>>
      tpu.enqueue_dma source(%dma_start3A_189 : memref<512xf32, #tpu.memory_space<hbm>>) target(%arg7 : memref<512xf32, #tpu.memory_space<vmem>>) target_semaphore(%run_scoped3A_188 : memref<!tpu.dma_semaphore, #tpu.memory_space<semaphore_mem>>)
      %dma_wait3A = tpu.memref_slice %arg2[%add3A_71] : memref<49152xf32, #tpu.memory_space<hbm>> -> memref<512xf32, #tpu.memory_space<hbm>>
      %dma_wait3A_190 = tpu.memref_slice %arg2[%add3A_71] : memref<49152xf32, #tpu.memory_space<hbm>> -> memref<512xf32, #tpu.memory_space<hbm>>
      tpu.wait_dma2 semaphore(%run_scoped3A_188 : memref<!tpu.dma_semaphore, #tpu.memory_space<semaphore_mem>>) src(%dma_wait3A_190 : memref<512xf32, #tpu.memory_space<hbm>>) dst(%arg7 : memref<512xf32, #tpu.memory_space<vmem>>)
      tpu.yield
    }) : () -> ()
    %add3A_72 = arith.constant 8192 : i32
    %add3A_73 = arith.addi %mul3A_63, %add3A_72 : i32
    %add3A_74 = arith.addi %add3A_73, %mul3A_59 : i32
    "tpu.region"() ({
      %run_scoped3A_188 = tpu.sem_alloc : memref<!tpu.dma_semaphore, #tpu.memory_space<semaphore_mem>>
      %dma_start3A = tpu.memref_slice %arg2[%add3A_74] : memref<49152xf32, #tpu.memory_space<hbm>> -> memref<512xf32, #tpu.memory_space<hbm>>
      %dma_start3A_189 = tpu.memref_slice %arg2[%add3A_74] : memref<49152xf32, #tpu.memory_space<hbm>> -> memref<512xf32, #tpu.memory_space<hbm>>
      tpu.enqueue_dma source(%dma_start3A_189 : memref<512xf32, #tpu.memory_space<hbm>>) target(%arg8 : memref<512xf32, #tpu.memory_space<vmem>>) target_semaphore(%run_scoped3A_188 : memref<!tpu.dma_semaphore, #tpu.memory_space<semaphore_mem>>)
      %dma_wait3A = tpu.memref_slice %arg2[%add3A_74] : memref<49152xf32, #tpu.memory_space<hbm>> -> memref<512xf32, #tpu.memory_space<hbm>>
      %dma_wait3A_190 = tpu.memref_slice %arg2[%add3A_74] : memref<49152xf32, #tpu.memory_space<hbm>> -> memref<512xf32, #tpu.memory_space<hbm>>
      tpu.wait_dma2 semaphore(%run_scoped3A_188 : memref<!tpu.dma_semaphore, #tpu.memory_space<semaphore_mem>>) src(%dma_wait3A_190 : memref<512xf32, #tpu.memory_space<hbm>>) dst(%arg8 : memref<512xf32, #tpu.memory_space<vmem>>)
      tpu.yield
    }) : () -> ()
    %broadcast_in_dim3A = arith.constant 0x7F800000 : f32
    %broadcast_in_dim3A_75 = vector.broadcast %broadcast_in_dim3A : f32 to vector<16xf32>
    %scan3A = arith.constant 0 : i32
    %scan3A_76 = arith.constant 0 : i32
    %scan3A_77 = arith.constant 256 : i32
    %scan3A_78 = arith.addi %scan3A_76, %scan3A_77 : i32
    %scan3A_79 = arith.constant 1 : i32
    %scan3A_80 = scf.for %scan3A_188 = %scan3A_76 to %scan3A_78 step %scan3A_79 iter_args(%scan3A_189 = %scan3A) -> (i32)  : i32 {
      %mul3A_190 = arith.constant 16 : i32
      %mul3A_191 = arith.muli %scan3A_188, %mul3A_190 : i32
      %get3A = arith.index_cast %mul3A_191 : i32 to index
      %get3A_192 = tpu.vector_load %arg10[%get3A] {strides = array<i32>} : memref<4096xf32, #tpu.memory_space<vmem>>, vector<16xf32>,
      %get3A_193 = arith.index_cast %mul3A_191 : i32 to index
      %get3A_194 = tpu.vector_load %arg11[%get3A_193] {strides = array<i32>} : memref<4096xf32, #tpu.memory_space<vmem>>, vector<16xf32>,
      %get3A_195 = arith.index_cast %mul3A_191 : i32 to index
      %get3A_196 = tpu.vector_load %arg12[%get3A_195] {strides = array<i32>} : memref<4096xf32, #tpu.memory_space<vmem>>, vector<16xf32>,
      %mul3A_197 = arith.mulf %get3A_192, %get3A_192 : vector<16xf32>
      %mul3A_198 = arith.mulf %get3A_194, %get3A_194 : vector<16xf32>
      %add3A_199 = arith.addf %mul3A_197, %mul3A_198 : vector<16xf32>
      %mul3A_200 = arith.mulf %get3A_196, %get3A_196 : vector<16xf32>
      %add3A_201 = arith.addf %add3A_199, %mul3A_200 : vector<16xf32>
      %mul3A_202 = arith.constant 5.000000e-01 : f32
      %mul3A_203 = vector.broadcast %mul3A_202 : f32 to vector<16xf32>
      %mul3A_204 = arith.mulf %mul3A_203, %add3A_201 : vector<16xf32>
      %swap3A_205 = arith.index_cast %mul3A_191 : i32 to index
      %swap3A_206 = tpu.vector_load %arg13[%swap3A_205] {strides = array<i32>} : memref<4096xf32, #tpu.memory_space<vmem>>, vector<16xf32>,
      tpu.vector_store %arg13[%swap3A_205], %mul3A_204 {strides = array<i32>} : memref<4096xf32, #tpu.memory_space<vmem>>, vector<16xf32>,
      %bitcast_convert_type3A = tpu.bitcast %get3A_192 : vector<16xf32> -> vector<16xi32>
      %add3A_207 = arith.constant 32767 : i32
      %add3A_208 = vector.broadcast %add3A_207 : i32 to vector<16xi32>
      %add3A_209 = arith.addi %bitcast_convert_type3A, %add3A_208 : vector<16xi32>
      %shift_right_logical3A = arith.constant 16 : i32
      %shift_right_logical3A_210 = vector.broadcast %shift_right_logical3A : i32 to vector<16xi32>
      %shift_right_logical3A_211 = arith.shrui %bitcast_convert_type3A, %shift_right_logical3A_210 : vector<16xi32>
      %and3A_212 = arith.constant 1 : i32
      %and3A_213 = vector.broadcast %and3A_212 : i32 to vector<16xi32>
      %and3A_214 = arith.andi %shift_right_logical3A_211, %and3A_213 : vector<16xi32>
      %add3A_215 = arith.addi %add3A_209, %and3A_214 : vector<16xi32>
      %and3A_216 = arith.constant -65536 : i32
      %and3A_217 = vector.broadcast %and3A_216 : i32 to vector<16xi32>
      %and3A_218 = arith.andi %add3A_215, %and3A_217 : vector<16xi32>
      %bitcast_convert_type3A_219 = tpu.bitcast %and3A_218 : vector<16xi32> -> vector<16xf32>
      %swap3A_220 = arith.index_cast %mul3A_191 : i32 to index
      %swap3A_221 = tpu.vector_load %arg10[%swap3A_220] {strides = array<i32>} : memref<4096xf32, #tpu.memory_space<vmem>>, vector<16xf32>,
      tpu.vector_store %arg10[%swap3A_220], %bitcast_convert_type3A_219 {strides = array<i32>} : memref<4096xf32, #tpu.memory_space<vmem>>, vector<16xf32>,
      %bitcast_convert_type3A_222 = tpu.bitcast %get3A_194 : vector<16xf32> -> vector<16xi32>
      %add3A_223 = arith.constant 32767 : i32
      %add3A_224 = vector.broadcast %add3A_223 : i32 to vector<16xi32>
      %add3A_225 = arith.addi %bitcast_convert_type3A_222, %add3A_224 : vector<16xi32>
      %shift_right_logical3A_226 = arith.constant 16 : i32
      %shift_right_logical3A_227 = vector.broadcast %shift_right_logical3A_226 : i32 to vector<16xi32>
      %shift_right_logical3A_228 = arith.shrui %bitcast_convert_type3A_222, %shift_right_logical3A_227 : vector<16xi32>
      %and3A_229 = arith.constant 1 : i32
      %and3A_230 = vector.broadcast %and3A_229 : i32 to vector<16xi32>
      %and3A_231 = arith.andi %shift_right_logical3A_228, %and3A_230 : vector<16xi32>
      %add3A_232 = arith.addi %add3A_225, %and3A_231 : vector<16xi32>
      %and3A_233 = arith.constant -65536 : i32
      %and3A_234 = vector.broadcast %and3A_233 : i32 to vector<16xi32>
      %and3A_235 = arith.andi %add3A_232, %and3A_234 : vector<16xi32>
      %bitcast_convert_type3A_236 = tpu.bitcast %and3A_235 : vector<16xi32> -> vector<16xf32>
      %swap3A_237 = arith.index_cast %mul3A_191 : i32 to index
      %swap3A_238 = tpu.vector_load %arg11[%swap3A_237] {strides = array<i32>} : memref<4096xf32, #tpu.memory_space<vmem>>, vector<16xf32>,
      tpu.vector_store %arg11[%swap3A_237], %bitcast_convert_type3A_236 {strides = array<i32>} : memref<4096xf32, #tpu.memory_space<vmem>>, vector<16xf32>,
      %bitcast_convert_type3A_239 = tpu.bitcast %get3A_196 : vector<16xf32> -> vector<16xi32>
      %add3A_240 = arith.constant 32767 : i32
      %add3A_241 = vector.broadcast %add3A_240 : i32 to vector<16xi32>
      %add3A_242 = arith.addi %bitcast_convert_type3A_239, %add3A_241 : vector<16xi32>
      %shift_right_logical3A_243 = arith.constant 16 : i32
      %shift_right_logical3A_244 = vector.broadcast %shift_right_logical3A_243 : i32 to vector<16xi32>
      %shift_right_logical3A_245 = arith.shrui %bitcast_convert_type3A_239, %shift_right_logical3A_244 : vector<16xi32>
      %and3A_246 = arith.constant 1 : i32
      %and3A_247 = vector.broadcast %and3A_246 : i32 to vector<16xi32>
      %and3A_248 = arith.andi %shift_right_logical3A_245, %and3A_247 : vector<16xi32>
      %add3A_249 = arith.addi %add3A_242, %and3A_248 : vector<16xi32>
      %and3A_250 = arith.constant -65536 : i32
      %and3A_251 = vector.broadcast %and3A_250 : i32 to vector<16xi32>
      %and3A_252 = arith.andi %add3A_249, %and3A_251 : vector<16xi32>
      %bitcast_convert_type3A_253 = tpu.bitcast %and3A_252 : vector<16xi32> -> vector<16xf32>
      %swap3A_254 = arith.index_cast %mul3A_191 : i32 to index
      %swap3A_255 = tpu.vector_load %arg12[%swap3A_254] {strides = array<i32>} : memref<4096xf32, #tpu.memory_space<vmem>>, vector<16xf32>,
      tpu.vector_store %arg12[%swap3A_254], %bitcast_convert_type3A_253 {strides = array<i32>} : memref<4096xf32, #tpu.memory_space<vmem>>, vector<16xf32>,
      %swap3A_256 = arith.index_cast %mul3A_191 : i32 to index
      %swap3A_257 = tpu.vector_load %arg14[%swap3A_256] {strides = array<i32>} : memref<4096xf32, #tpu.memory_space<vmem>>, vector<16xf32>,
      tpu.vector_store %arg14[%swap3A_256], %broadcast_in_dim3A_75 {strides = array<i32>} : memref<4096xf32, #tpu.memory_space<vmem>>, vector<16xf32>,
      %scan3A_258 = arith.constant 0 : i32
      scf.yield %scan3A_258 : i32
    }
    %scan3A_81 = arith.constant 256 : i32
    %scan3A_82 = arith.constant 0 : i32
    %scan3A_83 = arith.constant 0 : i32
    %scan3A_84 = arith.constant 32 : i32
    %scan3A_85 = arith.addi %scan3A_83, %scan3A_84 : i32
    %scan3A_86 = arith.constant 1 : i32
    %scan3A_87 = scf.for %scan3A_188 = %scan3A_83 to %scan3A_85 step %scan3A_86 iter_args(%scan3A_189 = %scan3A_82) -> (i32)  : i32 {
      %mul3A_190 = arith.constant 16 : i32
      %mul3A_191 = arith.muli %scan3A_188, %mul3A_190 : i32
      %get3A = arith.index_cast %mul3A_191 : i32 to index
      %get3A_192 = tpu.vector_load %arg6[%get3A] {strides = array<i32>} : memref<512xf32, #tpu.memory_space<vmem>>, vector<16xf32>,
      %get3A_193 = arith.index_cast %mul3A_191 : i32 to index
      %get3A_194 = tpu.vector_load %arg7[%get3A_193] {strides = array<i32>} : memref<512xf32, #tpu.memory_space<vmem>>, vector<16xf32>,
      %get3A_195 = arith.index_cast %mul3A_191 : i32 to index
      %get3A_196 = tpu.vector_load %arg8[%get3A_195] {strides = array<i32>} : memref<512xf32, #tpu.memory_space<vmem>>, vector<16xf32>,
      %mul3A_197 = arith.mulf %get3A_192, %get3A_192 : vector<16xf32>
      %mul3A_198 = arith.mulf %get3A_194, %get3A_194 : vector<16xf32>
      %add3A_199 = arith.addf %mul3A_197, %mul3A_198 : vector<16xf32>
      %mul3A_200 = arith.mulf %get3A_196, %get3A_196 : vector<16xf32>
      %add3A_201 = arith.addf %add3A_199, %mul3A_200 : vector<16xf32>
      %mul3A_202 = arith.constant 5.000000e-01 : f32
      %mul3A_203 = vector.broadcast %mul3A_202 : f32 to vector<16xf32>
      %mul3A_204 = arith.mulf %mul3A_203, %add3A_201 : vector<16xf32>
      %swap3A_205 = arith.index_cast %mul3A_191 : i32 to index
      %swap3A_206 = tpu.vector_load %arg9[%swap3A_205] {strides = array<i32>} : memref<512xf32, #tpu.memory_space<vmem>>, vector<16xf32>,
      tpu.vector_store %arg9[%swap3A_205], %mul3A_204 {strides = array<i32>} : memref<512xf32, #tpu.memory_space<vmem>>, vector<16xf32>,
      %bitcast_convert_type3A = tpu.bitcast %get3A_192 : vector<16xf32> -> vector<16xi32>
      %add3A_207 = arith.constant 32767 : i32
      %add3A_208 = vector.broadcast %add3A_207 : i32 to vector<16xi32>
      %add3A_209 = arith.addi %bitcast_convert_type3A, %add3A_208 : vector<16xi32>
      %shift_right_logical3A = arith.constant 16 : i32
      %shift_right_logical3A_210 = vector.broadcast %shift_right_logical3A : i32 to vector<16xi32>
      %shift_right_logical3A_211 = arith.shrui %bitcast_convert_type3A, %shift_right_logical3A_210 : vector<16xi32>
      %and3A_212 = arith.constant 1 : i32
      %and3A_213 = vector.broadcast %and3A_212 : i32 to vector<16xi32>
      %and3A_214 = arith.andi %shift_right_logical3A_211, %and3A_213 : vector<16xi32>
      %add3A_215 = arith.addi %add3A_209, %and3A_214 : vector<16xi32>
      %and3A_216 = arith.constant -65536 : i32
      %and3A_217 = vector.broadcast %and3A_216 : i32 to vector<16xi32>
      %and3A_218 = arith.andi %add3A_215, %and3A_217 : vector<16xi32>
      %bitcast_convert_type3A_219 = tpu.bitcast %and3A_218 : vector<16xi32> -> vector<16xf32>
      %neg3A = arith.constant 0.000000e+00 : f32
      %neg3A_220 = vector.broadcast %neg3A : f32 to vector<16xf32>
      %neg3A_221 = arith.subf %neg3A_220, %bitcast_convert_type3A_219 : vector<16xf32>
      %swap3A_222 = arith.index_cast %mul3A_191 : i32 to index
      %swap3A_223 = tpu.vector_load %arg6[%swap3A_222] {strides = array<i32>} : memref<512xf32, #tpu.memory_space<vmem>>, vector<16xf32>,
      tpu.vector_store %arg6[%swap3A_222], %neg3A_221 {strides = array<i32>} : memref<512xf32, #tpu.memory_space<vmem>>, vector<16xf32>,
      %bitcast_convert_type3A_224 = tpu.bitcast %get3A_194 : vector<16xf32> -> vector<16xi32>
      %add3A_225 = arith.constant 32767 : i32
      %add3A_226 = vector.broadcast %add3A_225 : i32 to vector<16xi32>
      %add3A_227 = arith.addi %bitcast_convert_type3A_224, %add3A_226 : vector<16xi32>
      %shift_right_logical3A_228 = arith.constant 16 : i32
      %shift_right_logical3A_229 = vector.broadcast %shift_right_logical3A_228 : i32 to vector<16xi32>
      %shift_right_logical3A_230 = arith.shrui %bitcast_convert_type3A_224, %shift_right_logical3A_229 : vector<16xi32>
      %and3A_231 = arith.constant 1 : i32
      %and3A_232 = vector.broadcast %and3A_231 : i32 to vector<16xi32>
      %and3A_233 = arith.andi %shift_right_logical3A_230, %and3A_232 : vector<16xi32>
      %add3A_234 = arith.addi %add3A_227, %and3A_233 : vector<16xi32>
      %and3A_235 = arith.constant -65536 : i32
      %and3A_236 = vector.broadcast %and3A_235 : i32 to vector<16xi32>
      %and3A_237 = arith.andi %add3A_234, %and3A_236 : vector<16xi32>
      %bitcast_convert_type3A_238 = tpu.bitcast %and3A_237 : vector<16xi32> -> vector<16xf32>
      %neg3A_239 = arith.constant 0.000000e+00 : f32
      %neg3A_240 = vector.broadcast %neg3A_239 : f32 to vector<16xf32>
      %neg3A_241 = arith.subf %neg3A_240, %bitcast_convert_type3A_238 : vector<16xf32>
      %swap3A_242 = arith.index_cast %mul3A_191 : i32 to index
      %swap3A_243 = tpu.vector_load %arg7[%swap3A_242] {strides = array<i32>} : memref<512xf32, #tpu.memory_space<vmem>>, vector<16xf32>,
      tpu.vector_store %arg7[%swap3A_242], %neg3A_241 {strides = array<i32>} : memref<512xf32, #tpu.memory_space<vmem>>, vector<16xf32>,
      %bitcast_convert_type3A_244 = tpu.bitcast %get3A_196 : vector<16xf32> -> vector<16xi32>
      %add3A_245 = arith.constant 32767 : i32
      %add3A_246 = vector.broadcast %add3A_245 : i32 to vector<16xi32>
      %add3A_247 = arith.addi %bitcast_convert_type3A_244, %add3A_246 : vector<16xi32>
      %shift_right_logical3A_248 = arith.constant 16 : i32
      %shift_right_logical3A_249 = vector.broadcast %shift_right_logical3A_248 : i32 to vector<16xi32>
      %shift_right_logical3A_250 = arith.shrui %bitcast_convert_type3A_244, %shift_right_logical3A_249 : vector<16xi32>
      %and3A_251 = arith.constant 1 : i32
      %and3A_252 = vector.broadcast %and3A_251 : i32 to vector<16xi32>
      %and3A_253 = arith.andi %shift_right_logical3A_250, %and3A_252 : vector<16xi32>
      %add3A_254 = arith.addi %add3A_247, %and3A_253 : vector<16xi32>
      %and3A_255 = arith.constant -65536 : i32
      %and3A_256 = vector.broadcast %and3A_255 : i32 to vector<16xi32>
      %and3A_257 = arith.andi %add3A_254, %and3A_256 : vector<16xi32>
      %bitcast_convert_type3A_258 = tpu.bitcast %and3A_257 : vector<16xi32> -> vector<16xf32>
      %neg3A_259 = arith.constant 0.000000e+00 : f32
      %neg3A_260 = vector.broadcast %neg3A_259 : f32 to vector<16xf32>
      %neg3A_261 = arith.subf %neg3A_260, %bitcast_convert_type3A_258 : vector<16xf32>
      %swap3A_262 = arith.index_cast %mul3A_191 : i32 to index
      %swap3A_263 = tpu.vector_load %arg8[%swap3A_262] {strides = array<i32>} : memref<512xf32, #tpu.memory_space<vmem>>, vector<16xf32>,
      tpu.vector_store %arg8[%swap3A_262], %neg3A_261 {strides = array<i32>} : memref<512xf32, #tpu.memory_space<vmem>>, vector<16xf32>,
      %scan3A_264 = arith.constant 0 : i32
      scf.yield %scan3A_264 : i32
    }
    %scan3A_88 = arith.constant 32 : i32
    %scan3A_89 = arith.constant 0.000000e+00 : f32
    %scan3A_90 = arith.constant 0 : i32
    %scan3A_91 = arith.constant 32 : i32
    %scan3A_92 = arith.addi %scan3A_90, %scan3A_91 : i32
    %scan3A_93 = arith.constant 1 : i32
    %scan3A_94 = scf.for %scan3A_188 = %scan3A_90 to %scan3A_92 step %scan3A_93 iter_args(%scan3A_189 = %scan3A_89) -> (f32)  : i32 {
      %mul3A_190 = arith.constant 16 : i32
      %mul3A_191 = arith.muli %scan3A_188, %mul3A_190 : i32
      %get3A = arith.index_cast %mul3A_191 : i32 to index
      %get3A_192 = tpu.vector_load %arg6[%get3A] {strides = array<i32>} : memref<512xf32, #tpu.memory_space<vmem>>, vector<16xf32>,
      %get3A_193 = arith.index_cast %mul3A_191 : i32 to index
      %get3A_194 = tpu.vector_load %arg7[%get3A_193] {strides = array<i32>} : memref<512xf32, #tpu.memory_space<vmem>>, vector<16xf32>,
      %get3A_195 = arith.index_cast %mul3A_191 : i32 to index
      %get3A_196 = tpu.vector_load %arg8[%get3A_195] {strides = array<i32>} : memref<512xf32, #tpu.memory_space<vmem>>, vector<16xf32>,
      %get3A_197 = arith.index_cast %mul3A_191 : i32 to index
      %get3A_198 = tpu.vector_load %arg9[%get3A_197] {strides = array<i32>} : memref<512xf32, #tpu.memory_space<vmem>>, vector<16xf32>,
      %slice3A = vector.extract_strided_slice %get3A_192 {offsets = [0], sizes = [1], strides = [1]} : vector<16xf32> to vector<1xf32>
      %squeeze3A = vector.extract %slice3A[0] : f32 from vector<1xf32>
      %broadcast_in_dim3A_199 = vector.broadcast %squeeze3A : f32 to vector<16xf32>
      %slice3A_200 = vector.extract_strided_slice %get3A_194 {offsets = [0], sizes = [1], strides = [1]} : vector<16xf32> to vector<1xf32>
      %squeeze3A_201 = vector.extract %slice3A_200[0] : f32 from vector<1xf32>
      %broadcast_in_dim3A_202 = vector.broadcast %squeeze3A_201 : f32 to vector<16xf32>
      %slice3A_203 = vector.extract_strided_slice %get3A_196 {offsets = [0], sizes = [1], strides = [1]} : vector<16xf32> to vector<1xf32>
      %squeeze3A_204 = vector.extract %slice3A_203[0] : f32 from vector<1xf32>
      %broadcast_in_dim3A_205 = vector.broadcast %squeeze3A_204 : f32 to vector<16xf32>
      %slice3A_206 = vector.extract_strided_slice %get3A_198 {offsets = [0], sizes = [1], strides = [1]} : vector<16xf32> to vector<1xf32>
      %squeeze3A_207 = vector.extract %slice3A_206[0] : f32 from vector<1xf32>
      %broadcast_in_dim3A_208 = vector.broadcast %squeeze3A_207 : f32 to vector<16xf32>
      %slice3A_209 = vector.extract_strided_slice %get3A_192 {offsets = [1], sizes = [1], strides = [1]} : vector<16xf32> to vector<1xf32>
      %squeeze3A_210 = vector.extract %slice3A_209[0] : f32 from vector<1xf32>
      %broadcast_in_dim3A_211 = vector.broadcast %squeeze3A_210 : f32 to vector<16xf32>
      %slice3A_212 = vector.extract_strided_slice %get3A_194 {offsets = [1], sizes = [1], strides = [1]} : vector<16xf32> to vector<1xf32>
      %squeeze3A_213 = vector.extract %slice3A_212[0] : f32 from vector<1xf32>
      %broadcast_in_dim3A_214 = vector.broadcast %squeeze3A_213 : f32 to vector<16xf32>
      %slice3A_215 = vector.extract_strided_slice %get3A_196 {offsets = [1], sizes = [1], strides = [1]} : vector<16xf32> to vector<1xf32>
      %squeeze3A_216 = vector.extract %slice3A_215[0] : f32 from vector<1xf32>
      %broadcast_in_dim3A_217 = vector.broadcast %squeeze3A_216 : f32 to vector<16xf32>
      %slice3A_218 = vector.extract_strided_slice %get3A_198 {offsets = [1], sizes = [1], strides = [1]} : vector<16xf32> to vector<1xf32>
      %squeeze3A_219 = vector.extract %slice3A_218[0] : f32 from vector<1xf32>
      %broadcast_in_dim3A_220 = vector.broadcast %squeeze3A_219 : f32 to vector<16xf32>
      %slice3A_221 = vector.extract_strided_slice %get3A_192 {offsets = [2], sizes = [1], strides = [1]} : vector<16xf32> to vector<1xf32>
      %squeeze3A_222 = vector.extract %slice3A_221[0] : f32 from vector<1xf32>
      %broadcast_in_dim3A_223 = vector.broadcast %squeeze3A_222 : f32 to vector<16xf32>
      %slice3A_224 = vector.extract_strided_slice %get3A_194 {offsets = [2], sizes = [1], strides = [1]} : vector<16xf32> to vector<1xf32>
      %squeeze3A_225 = vector.extract %slice3A_224[0] : f32 from vector<1xf32>
      %broadcast_in_dim3A_226 = vector.broadcast %squeeze3A_225 : f32 to vector<16xf32>
      %slice3A_227 = vector.extract_strided_slice %get3A_196 {offsets = [2], sizes = [1], strides = [1]} : vector<16xf32> to vector<1xf32>
      %squeeze3A_228 = vector.extract %slice3A_227[0] : f32 from vector<1xf32>
      %broadcast_in_dim3A_229 = vector.broadcast %squeeze3A_228 : f32 to vector<16xf32>
      %slice3A_230 = vector.extract_strided_slice %get3A_198 {offsets = [2], sizes = [1], strides = [1]} : vector<16xf32> to vector<1xf32>
      %squeeze3A_231 = vector.extract %slice3A_230[0] : f32 from vector<1xf32>
      %broadcast_in_dim3A_232 = vector.broadcast %squeeze3A_231 : f32 to vector<16xf32>
      %slice3A_233 = vector.extract_strided_slice %get3A_192 {offsets = [3], sizes = [1], strides = [1]} : vector<16xf32> to vector<1xf32>
      %squeeze3A_234 = vector.extract %slice3A_233[0] : f32 from vector<1xf32>
      %broadcast_in_dim3A_235 = vector.broadcast %squeeze3A_234 : f32 to vector<16xf32>
      %slice3A_236 = vector.extract_strided_slice %get3A_194 {offsets = [3], sizes = [1], strides = [1]} : vector<16xf32> to vector<1xf32>
      %squeeze3A_237 = vector.extract %slice3A_236[0] : f32 from vector<1xf32>
      %broadcast_in_dim3A_238 = vector.broadcast %squeeze3A_237 : f32 to vector<16xf32>
      %slice3A_239 = vector.extract_strided_slice %get3A_196 {offsets = [3], sizes = [1], strides = [1]} : vector<16xf32> to vector<1xf32>
      %squeeze3A_240 = vector.extract %slice3A_239[0] : f32 from vector<1xf32>
      %broadcast_in_dim3A_241 = vector.broadcast %squeeze3A_240 : f32 to vector<16xf32>
      %slice3A_242 = vector.extract_strided_slice %get3A_198 {offsets = [3], sizes = [1], strides = [1]} : vector<16xf32> to vector<1xf32>
      %squeeze3A_243 = vector.extract %slice3A_242[0] : f32 from vector<1xf32>
      %broadcast_in_dim3A_244 = vector.broadcast %squeeze3A_243 : f32 to vector<16xf32>
      %slice3A_245 = vector.extract_strided_slice %get3A_192 {offsets = [4], sizes = [1], strides = [1]} : vector<16xf32> to vector<1xf32>
      %squeeze3A_246 = vector.extract %slice3A_245[0] : f32 from vector<1xf32>
      %broadcast_in_dim3A_247 = vector.broadcast %squeeze3A_246 : f32 to vector<16xf32>
      %slice3A_248 = vector.extract_strided_slice %get3A_194 {offsets = [4], sizes = [1], strides = [1]} : vector<16xf32> to vector<1xf32>
      %squeeze3A_249 = vector.extract %slice3A_248[0] : f32 from vector<1xf32>
      %broadcast_in_dim3A_250 = vector.broadcast %squeeze3A_249 : f32 to vector<16xf32>
      %slice3A_251 = vector.extract_strided_slice %get3A_196 {offsets = [4], sizes = [1], strides = [1]} : vector<16xf32> to vector<1xf32>
      %squeeze3A_252 = vector.extract %slice3A_251[0] : f32 from vector<1xf32>
      %broadcast_in_dim3A_253 = vector.broadcast %squeeze3A_252 : f32 to vector<16xf32>
      %slice3A_254 = vector.extract_strided_slice %get3A_198 {offsets = [4], sizes = [1], strides = [1]} : vector<16xf32> to vector<1xf32>
      %squeeze3A_255 = vector.extract %slice3A_254[0] : f32 from vector<1xf32>
      %broadcast_in_dim3A_256 = vector.broadcast %squeeze3A_255 : f32 to vector<16xf32>
      %slice3A_257 = vector.extract_strided_slice %get3A_192 {offsets = [5], sizes = [1], strides = [1]} : vector<16xf32> to vector<1xf32>
      %squeeze3A_258 = vector.extract %slice3A_257[0] : f32 from vector<1xf32>
      %broadcast_in_dim3A_259 = vector.broadcast %squeeze3A_258 : f32 to vector<16xf32>
      %slice3A_260 = vector.extract_strided_slice %get3A_194 {offsets = [5], sizes = [1], strides = [1]} : vector<16xf32> to vector<1xf32>
      %squeeze3A_261 = vector.extract %slice3A_260[0] : f32 from vector<1xf32>
      %broadcast_in_dim3A_262 = vector.broadcast %squeeze3A_261 : f32 to vector<16xf32>
      %slice3A_263 = vector.extract_strided_slice %get3A_196 {offsets = [5], sizes = [1], strides = [1]} : vector<16xf32> to vector<1xf32>
      %squeeze3A_264 = vector.extract %slice3A_263[0] : f32 from vector<1xf32>
      %broadcast_in_dim3A_265 = vector.broadcast %squeeze3A_264 : f32 to vector<16xf32>
      %slice3A_266 = vector.extract_strided_slice %get3A_198 {offsets = [5], sizes = [1], strides = [1]} : vector<16xf32> to vector<1xf32>
      %squeeze3A_267 = vector.extract %slice3A_266[0] : f32 from vector<1xf32>
      %broadcast_in_dim3A_268 = vector.broadcast %squeeze3A_267 : f32 to vector<16xf32>
      %slice3A_269 = vector.extract_strided_slice %get3A_192 {offsets = [6], sizes = [1], strides = [1]} : vector<16xf32> to vector<1xf32>
      %squeeze3A_270 = vector.extract %slice3A_269[0] : f32 from vector<1xf32>
      %broadcast_in_dim3A_271 = vector.broadcast %squeeze3A_270 : f32 to vector<16xf32>
      %slice3A_272 = vector.extract_strided_slice %get3A_194 {offsets = [6], sizes = [1], strides = [1]} : vector<16xf32> to vector<1xf32>
      %squeeze3A_273 = vector.extract %slice3A_272[0] : f32 from vector<1xf32>
      %broadcast_in_dim3A_274 = vector.broadcast %squeeze3A_273 : f32 to vector<16xf32>
      %slice3A_275 = vector.extract_strided_slice %get3A_196 {offsets = [6], sizes = [1], strides = [1]} : vector<16xf32> to vector<1xf32>
      %squeeze3A_276 = vector.extract %slice3A_275[0] : f32 from vector<1xf32>
      %broadcast_in_dim3A_277 = vector.broadcast %squeeze3A_276 : f32 to vector<16xf32>
      %slice3A_278 = vector.extract_strided_slice %get3A_198 {offsets = [6], sizes = [1], strides = [1]} : vector<16xf32> to vector<1xf32>
      %squeeze3A_279 = vector.extract %slice3A_278[0] : f32 from vector<1xf32>
      %broadcast_in_dim3A_280 = vector.broadcast %squeeze3A_279 : f32 to vector<16xf32>
      %slice3A_281 = vector.extract_strided_slice %get3A_192 {offsets = [7], sizes = [1], strides = [1]} : vector<16xf32> to vector<1xf32>
      %squeeze3A_282 = vector.extract %slice3A_281[0] : f32 from vector<1xf32>
      %broadcast_in_dim3A_283 = vector.broadcast %squeeze3A_282 : f32 to vector<16xf32>
      %slice3A_284 = vector.extract_strided_slice %get3A_194 {offsets = [7], sizes = [1], strides = [1]} : vector<16xf32> to vector<1xf32>
      %squeeze3A_285 = vector.extract %slice3A_284[0] : f32 from vector<1xf32>
      %broadcast_in_dim3A_286 = vector.broadcast %squeeze3A_285 : f32 to vector<16xf32>
      %slice3A_287 = vector.extract_strided_slice %get3A_196 {offsets = [7], sizes = [1], strides = [1]} : vector<16xf32> to vector<1xf32>
      %squeeze3A_288 = vector.extract %slice3A_287[0] : f32 from vector<1xf32>
      %broadcast_in_dim3A_289 = vector.broadcast %squeeze3A_288 : f32 to vector<16xf32>
      %slice3A_290 = vector.extract_strided_slice %get3A_198 {offsets = [7], sizes = [1], strides = [1]} : vector<16xf32> to vector<1xf32>
      %squeeze3A_291 = vector.extract %slice3A_290[0] : f32 from vector<1xf32>
      %broadcast_in_dim3A_292 = vector.broadcast %squeeze3A_291 : f32 to vector<16xf32>
      %parallel_loop3A = arith.constant 0 : i32
      %parallel_loop3A_293 = arith.constant 256 : i32
      %parallel_loop3A_294 = arith.constant 1 : i32
      %parallel_loop3A_295:8 = scf.for %parallel_loop3A_522 = %parallel_loop3A to %parallel_loop3A_293 step %parallel_loop3A_294 iter_args(%parallel_loop3A_523 = %broadcast_in_dim3A_75, %parallel_loop3A_524 = %broadcast_in_dim3A_75, %parallel_loop3A_525 = %broadcast_in_dim3A_75, %parallel_loop3A_526 = %broadcast_in_dim3A_75, %parallel_loop3A_527 = %broadcast_in_dim3A_75, %parallel_loop3A_528 = %broadcast_in_dim3A_75, %parallel_loop3A_529 = %broadcast_in_dim3A_75, %parallel_loop3A_530 = %broadcast_in_dim3A_75) -> (vector<16xf32>, vector<16xf32>, vector<16xf32>, vector<16xf32>, vector<16xf32>, vector<16xf32>, vector<16xf32>, vector<16xf32>)  : i32 {
        %parallel_loop3A_531 = arith.constant 16 : i32
        %parallel_loop3A_532 = arith.muli %parallel_loop3A_522, %parallel_loop3A_531 : i32
        %parallel_loop3A_533 = arith.index_cast %parallel_loop3A_532 : i32 to index
        %parallel_loop3A_534 = tpu.vector_load %arg10[%parallel_loop3A_533] {strides = array<i32>} : memref<4096xf32, #tpu.memory_space<vmem>>, vector<16xf32>,
        %parallel_loop3A_535 = arith.index_cast %parallel_loop3A_532 : i32 to index
        %parallel_loop3A_536 = tpu.vector_load %arg11[%parallel_loop3A_535] {strides = array<i32>} : memref<4096xf32, #tpu.memory_space<vmem>>, vector<16xf32>,
        %parallel_loop3A_537 = arith.index_cast %parallel_loop3A_532 : i32 to index
        %parallel_loop3A_538 = tpu.vector_load %arg12[%parallel_loop3A_537] {strides = array<i32>} : memref<4096xf32, #tpu.memory_space<vmem>>, vector<16xf32>,
        %parallel_loop3A_539 = arith.index_cast %parallel_loop3A_532 : i32 to index
        %parallel_loop3A_540 = tpu.vector_load %arg13[%parallel_loop3A_539] {strides = array<i32>} : memref<4096xf32, #tpu.memory_space<vmem>>, vector<16xf32>,
        %parallel_loop3A_541 = arith.addf %broadcast_in_dim3A_208, %parallel_loop3A_540 : vector<16xf32>
        %parallel_loop3A_542 = arith.mulf %parallel_loop3A_534, %broadcast_in_dim3A_199 : vector<16xf32>
        %parallel_loop3A_543 = arith.addf %parallel_loop3A_541, %parallel_loop3A_542 : vector<16xf32>
        %parallel_loop3A_544 = arith.mulf %parallel_loop3A_536, %broadcast_in_dim3A_202 : vector<16xf32>
        %parallel_loop3A_545 = arith.addf %parallel_loop3A_543, %parallel_loop3A_544 : vector<16xf32>
        %parallel_loop3A_546 = arith.mulf %parallel_loop3A_538, %broadcast_in_dim3A_205 : vector<16xf32>
        %parallel_loop3A_547 = arith.addf %parallel_loop3A_545, %parallel_loop3A_546 : vector<16xf32>
        %parallel_loop3A_548 = arith.minimumf %parallel_loop3A_523, %parallel_loop3A_547 : vector<16xf32>
        %parallel_loop3A_549 = arith.addf %broadcast_in_dim3A_220, %parallel_loop3A_540 : vector<16xf32>
        %parallel_loop3A_550 = arith.mulf %parallel_loop3A_534, %broadcast_in_dim3A_211 : vector<16xf32>
        %parallel_loop3A_551 = arith.addf %parallel_loop3A_549, %parallel_loop3A_550 : vector<16xf32>
        %parallel_loop3A_552 = arith.mulf %parallel_loop3A_536, %broadcast_in_dim3A_214 : vector<16xf32>
        %parallel_loop3A_553 = arith.addf %parallel_loop3A_551, %parallel_loop3A_552 : vector<16xf32>
        %parallel_loop3A_554 = arith.mulf %parallel_loop3A_538, %broadcast_in_dim3A_217 : vector<16xf32>
        %parallel_loop3A_555 = arith.addf %parallel_loop3A_553, %parallel_loop3A_554 : vector<16xf32>
        %parallel_loop3A_556 = arith.minimumf %parallel_loop3A_524, %parallel_loop3A_555 : vector<16xf32>
        %parallel_loop3A_557 = arith.minimumf %parallel_loop3A_547, %parallel_loop3A_555 : vector<16xf32>
        %parallel_loop3A_558 = arith.addf %broadcast_in_dim3A_232, %parallel_loop3A_540 : vector<16xf32>
        %parallel_loop3A_559 = arith.mulf %parallel_loop3A_534, %broadcast_in_dim3A_223 : vector<16xf32>
        %parallel_loop3A_560 = arith.addf %parallel_loop3A_558, %parallel_loop3A_559 : vector<16xf32>
        %parallel_loop3A_561 = arith.mulf %parallel_loop3A_536, %broadcast_in_dim3A_226 : vector<16xf32>
        %parallel_loop3A_562 = arith.addf %parallel_loop3A_560, %parallel_loop3A_561 : vector<16xf32>
        %parallel_loop3A_563 = arith.mulf %parallel_loop3A_538, %broadcast_in_dim3A_229 : vector<16xf32>
        %parallel_loop3A_564 = arith.addf %parallel_loop3A_562, %parallel_loop3A_563 : vector<16xf32>
        %parallel_loop3A_565 = arith.minimumf %parallel_loop3A_525, %parallel_loop3A_564 : vector<16xf32>
        %parallel_loop3A_566 = arith.minimumf %parallel_loop3A_557, %parallel_loop3A_564 : vector<16xf32>
        %parallel_loop3A_567 = arith.addf %broadcast_in_dim3A_244, %parallel_loop3A_540 : vector<16xf32>
        %parallel_loop3A_568 = arith.mulf %parallel_loop3A_534, %broadcast_in_dim3A_235 : vector<16xf32>
        %parallel_loop3A_569 = arith.addf %parallel_loop3A_567, %parallel_loop3A_568 : vector<16xf32>
        %parallel_loop3A_570 = arith.mulf %parallel_loop3A_536, %broadcast_in_dim3A_238 : vector<16xf32>
        %parallel_loop3A_571 = arith.addf %parallel_loop3A_569, %parallel_loop3A_570 : vector<16xf32>
        %parallel_loop3A_572 = arith.mulf %parallel_loop3A_538, %broadcast_in_dim3A_241 : vector<16xf32>
        %parallel_loop3A_573 = arith.addf %parallel_loop3A_571, %parallel_loop3A_572 : vector<16xf32>
        %parallel_loop3A_574 = arith.minimumf %parallel_loop3A_526, %parallel_loop3A_573 : vector<16xf32>
        %parallel_loop3A_575 = arith.minimumf %parallel_loop3A_566, %parallel_loop3A_573 : vector<16xf32>
        %parallel_loop3A_576 = arith.addf %broadcast_in_dim3A_256, %parallel_loop3A_540 : vector<16xf32>
        %parallel_loop3A_577 = arith.mulf %parallel_loop3A_534, %broadcast_in_dim3A_247 : vector<16xf32>
        %parallel_loop3A_578 = arith.addf %parallel_loop3A_576, %parallel_loop3A_577 : vector<16xf32>
        %parallel_loop3A_579 = arith.mulf %parallel_loop3A_536, %broadcast_in_dim3A_250 : vector<16xf32>
        %parallel_loop3A_580 = arith.addf %parallel_loop3A_578, %parallel_loop3A_579 : vector<16xf32>
        %parallel_loop3A_581 = arith.mulf %parallel_loop3A_538, %broadcast_in_dim3A_253 : vector<16xf32>
        %parallel_loop3A_582 = arith.addf %parallel_loop3A_580, %parallel_loop3A_581 : vector<16xf32>
        %parallel_loop3A_583 = arith.minimumf %parallel_loop3A_527, %parallel_loop3A_582 : vector<16xf32>
        %parallel_loop3A_584 = arith.minimumf %parallel_loop3A_575, %parallel_loop3A_582 : vector<16xf32>
        %parallel_loop3A_585 = arith.addf %broadcast_in_dim3A_268, %parallel_loop3A_540 : vector<16xf32>
        %parallel_loop3A_586 = arith.mulf %parallel_loop3A_534, %broadcast_in_dim3A_259 : vector<16xf32>
        %parallel_loop3A_587 = arith.addf %parallel_loop3A_585, %parallel_loop3A_586 : vector<16xf32>
        %parallel_loop3A_588 = arith.mulf %parallel_loop3A_536, %broadcast_in_dim3A_262 : vector<16xf32>
        %parallel_loop3A_589 = arith.addf %parallel_loop3A_587, %parallel_loop3A_588 : vector<16xf32>
        %parallel_loop3A_590 = arith.mulf %parallel_loop3A_538, %broadcast_in_dim3A_265 : vector<16xf32>
        %parallel_loop3A_591 = arith.addf %parallel_loop3A_589, %parallel_loop3A_590 : vector<16xf32>
        %parallel_loop3A_592 = arith.minimumf %parallel_loop3A_528, %parallel_loop3A_591 : vector<16xf32>
        %parallel_loop3A_593 = arith.minimumf %parallel_loop3A_584, %parallel_loop3A_591 : vector<16xf32>
        %parallel_loop3A_594 = arith.addf %broadcast_in_dim3A_280, %parallel_loop3A_540 : vector<16xf32>
        %parallel_loop3A_595 = arith.mulf %parallel_loop3A_534, %broadcast_in_dim3A_271 : vector<16xf32>
        %parallel_loop3A_596 = arith.addf %parallel_loop3A_594, %parallel_loop3A_595 : vector<16xf32>
        %parallel_loop3A_597 = arith.mulf %parallel_loop3A_536, %broadcast_in_dim3A_274 : vector<16xf32>
        %parallel_loop3A_598 = arith.addf %parallel_loop3A_596, %parallel_loop3A_597 : vector<16xf32>
        %parallel_loop3A_599 = arith.mulf %parallel_loop3A_538, %broadcast_in_dim3A_277 : vector<16xf32>
        %parallel_loop3A_600 = arith.addf %parallel_loop3A_598, %parallel_loop3A_599 : vector<16xf32>
        %parallel_loop3A_601 = arith.minimumf %parallel_loop3A_529, %parallel_loop3A_600 : vector<16xf32>
        %parallel_loop3A_602 = arith.minimumf %parallel_loop3A_593, %parallel_loop3A_600 : vector<16xf32>
        %parallel_loop3A_603 = arith.addf %broadcast_in_dim3A_292, %parallel_loop3A_540 : vector<16xf32>
        %parallel_loop3A_604 = arith.mulf %parallel_loop3A_534, %broadcast_in_dim3A_283 : vector<16xf32>
        %parallel_loop3A_605 = arith.addf %parallel_loop3A_603, %parallel_loop3A_604 : vector<16xf32>
        %parallel_loop3A_606 = arith.mulf %parallel_loop3A_536, %broadcast_in_dim3A_286 : vector<16xf32>
        %parallel_loop3A_607 = arith.addf %parallel_loop3A_605, %parallel_loop3A_606 : vector<16xf32>
        %parallel_loop3A_608 = arith.mulf %parallel_loop3A_538, %broadcast_in_dim3A_289 : vector<16xf32>
        %parallel_loop3A_609 = arith.addf %parallel_loop3A_607, %parallel_loop3A_608 : vector<16xf32>
        %parallel_loop3A_610 = arith.minimumf %parallel_loop3A_530, %parallel_loop3A_609 : vector<16xf32>
        %parallel_loop3A_611 = arith.minimumf %parallel_loop3A_602, %parallel_loop3A_609 : vector<16xf32>
        %parallel_loop3A_612 = arith.index_cast %parallel_loop3A_532 : i32 to index
        %parallel_loop3A_613 = tpu.vector_load %arg14[%parallel_loop3A_612] {strides = array<i32>} : memref<4096xf32, #tpu.memory_space<vmem>>, vector<16xf32>,
        %parallel_loop3A_614 = arith.minimumf %parallel_loop3A_613, %parallel_loop3A_611 : vector<16xf32>
        %parallel_loop3A_615 = arith.index_cast %parallel_loop3A_532 : i32 to index
        %parallel_loop3A_616 = tpu.vector_load %arg14[%parallel_loop3A_615] {strides = array<i32>} : memref<4096xf32, #tpu.memory_space<vmem>>, vector<16xf32>,
        tpu.vector_store %arg14[%parallel_loop3A_615], %parallel_loop3A_614 {strides = array<i32>} : memref<4096xf32, #tpu.memory_space<vmem>>, vector<16xf32>,
        scf.yield %parallel_loop3A_548, %parallel_loop3A_556, %parallel_loop3A_565, %parallel_loop3A_574, %parallel_loop3A_583, %parallel_loop3A_592, %parallel_loop3A_601, %parallel_loop3A_610 : vector<16xf32>, vector<16xf32>, vector<16xf32>, vector<16xf32>, vector<16xf32>, vector<16xf32>, vector<16xf32>, vector<16xf32>
      } {sc.loop_unroll_factor = 4 : i64, sc.parallel_access}
      %reduce_min3A = arith.constant true
      %reduce_min3A_296 = vector.broadcast %reduce_min3A : i1 to vector<16xi1>
      %reduce_min3A_297 = tpu.scan <min>, %parallel_loop3A_295#0 masked %reduce_min3A_296 : vector<16xf32>, vector<16xi1> -> vector<16xf32>
      %reduce_min3A_298 = vector.extract %reduce_min3A_297[15] : f32 from vector<16xf32>
      %add3A_299 = arith.addf %reduce_min3A_298, %reduce_min3A_298 : f32
      %max3A = arith.constant 0.000000e+00 : f32
      %max3A_300 = arith.maximumf %add3A_299, %max3A : f32
      %add3A_301 = arith.addf %scan3A_189, %max3A_300 : f32
      %reduce_min3A_302 = arith.constant true
      %reduce_min3A_303 = vector.broadcast %reduce_min3A_302 : i1 to vector<16xi1>
      %reduce_min3A_304 = tpu.scan <min>, %parallel_loop3A_295#1 masked %reduce_min3A_303 : vector<16xf32>, vector<16xi1> -> vector<16xf32>
      %reduce_min3A_305 = vector.extract %reduce_min3A_304[15] : f32 from vector<16xf32>
      %add3A_306 = arith.addf %reduce_min3A_305, %reduce_min3A_305 : f32
      %max3A_307 = arith.constant 0.000000e+00 : f32
      %max3A_308 = arith.maximumf %add3A_306, %max3A_307 : f32
      %add3A_309 = arith.addf %add3A_301, %max3A_308 : f32
      %reduce_min3A_310 = arith.constant true
      %reduce_min3A_311 = vector.broadcast %reduce_min3A_310 : i1 to vector<16xi1>
      %reduce_min3A_312 = tpu.scan <min>, %parallel_loop3A_295#2 masked %reduce_min3A_311 : vector<16xf32>, vector<16xi1> -> vector<16xf32>
      %reduce_min3A_313 = vector.extract %reduce_min3A_312[15] : f32 from vector<16xf32>
      %add3A_314 = arith.addf %reduce_min3A_313, %reduce_min3A_313 : f32
      %max3A_315 = arith.constant 0.000000e+00 : f32
      %max3A_316 = arith.maximumf %add3A_314, %max3A_315 : f32
      %add3A_317 = arith.addf %add3A_309, %max3A_316 : f32
      %reduce_min3A_318 = arith.constant true
      %reduce_min3A_319 = vector.broadcast %reduce_min3A_318 : i1 to vector<16xi1>
      %reduce_min3A_320 = tpu.scan <min>, %parallel_loop3A_295#3 masked %reduce_min3A_319 : vector<16xf32>, vector<16xi1> -> vector<16xf32>
      %reduce_min3A_321 = vector.extract %reduce_min3A_320[15] : f32 from vector<16xf32>
      %add3A_322 = arith.addf %reduce_min3A_321, %reduce_min3A_321 : f32
      %max3A_323 = arith.constant 0.000000e+00 : f32
      %max3A_324 = arith.maximumf %add3A_322, %max3A_323 : f32
      %add3A_325 = arith.addf %add3A_317, %max3A_324 : f32
      %reduce_min3A_326 = arith.constant true
      %reduce_min3A_327 = vector.broadcast %reduce_min3A_326 : i1 to vector<16xi1>
      %reduce_min3A_328 = tpu.scan <min>, %parallel_loop3A_295#4 masked %reduce_min3A_327 : vector<16xf32>, vector<16xi1> -> vector<16xf32>
      %reduce_min3A_329 = vector.extract %reduce_min3A_328[15] : f32 from vector<16xf32>
      %add3A_330 = arith.addf %reduce_min3A_329, %reduce_min3A_329 : f32
      %max3A_331 = arith.constant 0.000000e+00 : f32
      %max3A_332 = arith.maximumf %add3A_330, %max3A_331 : f32
      %add3A_333 = arith.addf %add3A_325, %max3A_332 : f32
      %reduce_min3A_334 = arith.constant true
      %reduce_min3A_335 = vector.broadcast %reduce_min3A_334 : i1 to vector<16xi1>
      %reduce_min3A_336 = tpu.scan <min>, %parallel_loop3A_295#5 masked %reduce_min3A_335 : vector<16xf32>, vector<16xi1> -> vector<16xf32>
      %reduce_min3A_337 = vector.extract %reduce_min3A_336[15] : f32 from vector<16xf32>
      %add3A_338 = arith.addf %reduce_min3A_337, %reduce_min3A_337 : f32
      %max3A_339 = arith.constant 0.000000e+00 : f32
      %max3A_340 = arith.maximumf %add3A_338, %max3A_339 : f32
      %add3A_341 = arith.addf %add3A_333, %max3A_340 : f32
      %reduce_min3A_342 = arith.constant true
      %reduce_min3A_343 = vector.broadcast %reduce_min3A_342 : i1 to vector<16xi1>
      %reduce_min3A_344 = tpu.scan <min>, %parallel_loop3A_295#6 masked %reduce_min3A_343 : vector<16xf32>, vector<16xi1> -> vector<16xf32>
      %reduce_min3A_345 = vector.extract %reduce_min3A_344[15] : f32 from vector<16xf32>
      %add3A_346 = arith.addf %reduce_min3A_345, %reduce_min3A_345 : f32
      %max3A_347 = arith.constant 0.000000e+00 : f32
      %max3A_348 = arith.maximumf %add3A_346, %max3A_347 : f32
      %add3A_349 = arith.addf %add3A_341, %max3A_348 : f32
      %reduce_min3A_350 = arith.constant true
      %reduce_min3A_351 = vector.broadcast %reduce_min3A_350 : i1 to vector<16xi1>
      %reduce_min3A_352 = tpu.scan <min>, %parallel_loop3A_295#7 masked %reduce_min3A_351 : vector<16xf32>, vector<16xi1> -> vector<16xf32>
      %reduce_min3A_353 = vector.extract %reduce_min3A_352[15] : f32 from vector<16xf32>
      %add3A_354 = arith.addf %reduce_min3A_353, %reduce_min3A_353 : f32
      %max3A_355 = arith.constant 0.000000e+00 : f32
      %max3A_356 = arith.maximumf %add3A_354, %max3A_355 : f32
      %add3A_357 = arith.addf %add3A_349, %max3A_356 : f32
      %slice3A_358 = vector.extract_strided_slice %get3A_192 {offsets = [8], sizes = [1], strides = [1]} : vector<16xf32> to vector<1xf32>
      %squeeze3A_359 = vector.extract %slice3A_358[0] : f32 from vector<1xf32>
      %broadcast_in_dim3A_360 = vector.broadcast %squeeze3A_359 : f32 to vector<16xf32>
      %slice3A_361 = vector.extract_strided_slice %get3A_194 {offsets = [8], sizes = [1], strides = [1]} : vector<16xf32> to vector<1xf32>
      %squeeze3A_362 = vector.extract %slice3A_361[0] : f32 from vector<1xf32>
      %broadcast_in_dim3A_363 = vector.broadcast %squeeze3A_362 : f32 to vector<16xf32>
      %slice3A_364 = vector.extract_strided_slice %get3A_196 {offsets = [8], sizes = [1], strides = [1]} : vector<16xf32> to vector<1xf32>
      %squeeze3A_365 = vector.extract %slice3A_364[0] : f32 from vector<1xf32>
      %broadcast_in_dim3A_366 = vector.broadcast %squeeze3A_365 : f32 to vector<16xf32>
      %slice3A_367 = vector.extract_strided_slice %get3A_198 {offsets = [8], sizes = [1], strides = [1]} : vector<16xf32> to vector<1xf32>
      %squeeze3A_368 = vector.extract %slice3A_367[0] : f32 from vector<1xf32>
      %broadcast_in_dim3A_369 = vector.broadcast %squeeze3A_368 : f32 to vector<16xf32>
      %slice3A_370 = vector.extract_strided_slice %get3A_192 {offsets = [9], sizes = [1], strides = [1]} : vector<16xf32> to vector<1xf32>
      %squeeze3A_371 = vector.extract %slice3A_370[0] : f32 from vector<1xf32>
      %broadcast_in_dim3A_372 = vector.broadcast %squeeze3A_371 : f32 to vector<16xf32>
      %slice3A_373 = vector.extract_strided_slice %get3A_194 {offsets = [9], sizes = [1], strides = [1]} : vector<16xf32> to vector<1xf32>
      %squeeze3A_374 = vector.extract %slice3A_373[0] : f32 from vector<1xf32>
      %broadcast_in_dim3A_375 = vector.broadcast %squeeze3A_374 : f32 to vector<16xf32>
      %slice3A_376 = vector.extract_strided_slice %get3A_196 {offsets = [9], sizes = [1], strides = [1]} : vector<16xf32> to vector<1xf32>
      %squeeze3A_377 = vector.extract %slice3A_376[0] : f32 from vector<1xf32>
      %broadcast_in_dim3A_378 = vector.broadcast %squeeze3A_377 : f32 to vector<16xf32>
      %slice3A_379 = vector.extract_strided_slice %get3A_198 {offsets = [9], sizes = [1], strides = [1]} : vector<16xf32> to vector<1xf32>
      %squeeze3A_380 = vector.extract %slice3A_379[0] : f32 from vector<1xf32>
      %broadcast_in_dim3A_381 = vector.broadcast %squeeze3A_380 : f32 to vector<16xf32>
      %slice3A_382 = vector.extract_strided_slice %get3A_192 {offsets = [10], sizes = [1], strides = [1]} : vector<16xf32> to vector<1xf32>
      %squeeze3A_383 = vector.extract %slice3A_382[0] : f32 from vector<1xf32>
      %broadcast_in_dim3A_384 = vector.broadcast %squeeze3A_383 : f32 to vector<16xf32>
      %slice3A_385 = vector.extract_strided_slice %get3A_194 {offsets = [10], sizes = [1], strides = [1]} : vector<16xf32> to vector<1xf32>
      %squeeze3A_386 = vector.extract %slice3A_385[0] : f32 from vector<1xf32>
      %broadcast_in_dim3A_387 = vector.broadcast %squeeze3A_386 : f32 to vector<16xf32>
      %slice3A_388 = vector.extract_strided_slice %get3A_196 {offsets = [10], sizes = [1], strides = [1]} : vector<16xf32> to vector<1xf32>
      %squeeze3A_389 = vector.extract %slice3A_388[0] : f32 from vector<1xf32>
      %broadcast_in_dim3A_390 = vector.broadcast %squeeze3A_389 : f32 to vector<16xf32>
      %slice3A_391 = vector.extract_strided_slice %get3A_198 {offsets = [10], sizes = [1], strides = [1]} : vector<16xf32> to vector<1xf32>
      %squeeze3A_392 = vector.extract %slice3A_391[0] : f32 from vector<1xf32>
      %broadcast_in_dim3A_393 = vector.broadcast %squeeze3A_392 : f32 to vector<16xf32>
      %slice3A_394 = vector.extract_strided_slice %get3A_192 {offsets = [11], sizes = [1], strides = [1]} : vector<16xf32> to vector<1xf32>
      %squeeze3A_395 = vector.extract %slice3A_394[0] : f32 from vector<1xf32>
      %broadcast_in_dim3A_396 = vector.broadcast %squeeze3A_395 : f32 to vector<16xf32>
      %slice3A_397 = vector.extract_strided_slice %get3A_194 {offsets = [11], sizes = [1], strides = [1]} : vector<16xf32> to vector<1xf32>
      %squeeze3A_398 = vector.extract %slice3A_397[0] : f32 from vector<1xf32>
      %broadcast_in_dim3A_399 = vector.broadcast %squeeze3A_398 : f32 to vector<16xf32>
      %slice3A_400 = vector.extract_strided_slice %get3A_196 {offsets = [11], sizes = [1], strides = [1]} : vector<16xf32> to vector<1xf32>
      %squeeze3A_401 = vector.extract %slice3A_400[0] : f32 from vector<1xf32>
      %broadcast_in_dim3A_402 = vector.broadcast %squeeze3A_401 : f32 to vector<16xf32>
      %slice3A_403 = vector.extract_strided_slice %get3A_198 {offsets = [11], sizes = [1], strides = [1]} : vector<16xf32> to vector<1xf32>
      %squeeze3A_404 = vector.extract %slice3A_403[0] : f32 from vector<1xf32>
      %broadcast_in_dim3A_405 = vector.broadcast %squeeze3A_404 : f32 to vector<16xf32>
      %slice3A_406 = vector.extract_strided_slice %get3A_192 {offsets = [12], sizes = [1], strides = [1]} : vector<16xf32> to vector<1xf32>
      %squeeze3A_407 = vector.extract %slice3A_406[0] : f32 from vector<1xf32>
      %broadcast_in_dim3A_408 = vector.broadcast %squeeze3A_407 : f32 to vector<16xf32>
      %slice3A_409 = vector.extract_strided_slice %get3A_194 {offsets = [12], sizes = [1], strides = [1]} : vector<16xf32> to vector<1xf32>
      %squeeze3A_410 = vector.extract %slice3A_409[0] : f32 from vector<1xf32>
      %broadcast_in_dim3A_411 = vector.broadcast %squeeze3A_410 : f32 to vector<16xf32>
      %slice3A_412 = vector.extract_strided_slice %get3A_196 {offsets = [12], sizes = [1], strides = [1]} : vector<16xf32> to vector<1xf32>
      %squeeze3A_413 = vector.extract %slice3A_412[0] : f32 from vector<1xf32>
      %broadcast_in_dim3A_414 = vector.broadcast %squeeze3A_413 : f32 to vector<16xf32>
      %slice3A_415 = vector.extract_strided_slice %get3A_198 {offsets = [12], sizes = [1], strides = [1]} : vector<16xf32> to vector<1xf32>
      %squeeze3A_416 = vector.extract %slice3A_415[0] : f32 from vector<1xf32>
      %broadcast_in_dim3A_417 = vector.broadcast %squeeze3A_416 : f32 to vector<16xf32>
      %slice3A_418 = vector.extract_strided_slice %get3A_192 {offsets = [13], sizes = [1], strides = [1]} : vector<16xf32> to vector<1xf32>
      %squeeze3A_419 = vector.extract %slice3A_418[0] : f32 from vector<1xf32>
      %broadcast_in_dim3A_420 = vector.broadcast %squeeze3A_419 : f32 to vector<16xf32>
      %slice3A_421 = vector.extract_strided_slice %get3A_194 {offsets = [13], sizes = [1], strides = [1]} : vector<16xf32> to vector<1xf32>
      %squeeze3A_422 = vector.extract %slice3A_421[0] : f32 from vector<1xf32>
      %broadcast_in_dim3A_423 = vector.broadcast %squeeze3A_422 : f32 to vector<16xf32>
      %slice3A_424 = vector.extract_strided_slice %get3A_196 {offsets = [13], sizes = [1], strides = [1]} : vector<16xf32> to vector<1xf32>
      %squeeze3A_425 = vector.extract %slice3A_424[0] : f32 from vector<1xf32>
      %broadcast_in_dim3A_426 = vector.broadcast %squeeze3A_425 : f32 to vector<16xf32>
      %slice3A_427 = vector.extract_strided_slice %get3A_198 {offsets = [13], sizes = [1], strides = [1]} : vector<16xf32> to vector<1xf32>
      %squeeze3A_428 = vector.extract %slice3A_427[0] : f32 from vector<1xf32>
      %broadcast_in_dim3A_429 = vector.broadcast %squeeze3A_428 : f32 to vector<16xf32>
      %slice3A_430 = vector.extract_strided_slice %get3A_192 {offsets = [14], sizes = [1], strides = [1]} : vector<16xf32> to vector<1xf32>
      %squeeze3A_431 = vector.extract %slice3A_430[0] : f32 from vector<1xf32>
      %broadcast_in_dim3A_432 = vector.broadcast %squeeze3A_431 : f32 to vector<16xf32>
      %slice3A_433 = vector.extract_strided_slice %get3A_194 {offsets = [14], sizes = [1], strides = [1]} : vector<16xf32> to vector<1xf32>
      %squeeze3A_434 = vector.extract %slice3A_433[0] : f32 from vector<1xf32>
      %broadcast_in_dim3A_435 = vector.broadcast %squeeze3A_434 : f32 to vector<16xf32>
      %slice3A_436 = vector.extract_strided_slice %get3A_196 {offsets = [14], sizes = [1], strides = [1]} : vector<16xf32> to vector<1xf32>
      %squeeze3A_437 = vector.extract %slice3A_436[0] : f32 from vector<1xf32>
      %broadcast_in_dim3A_438 = vector.broadcast %squeeze3A_437 : f32 to vector<16xf32>
      %slice3A_439 = vector.extract_strided_slice %get3A_198 {offsets = [14], sizes = [1], strides = [1]} : vector<16xf32> to vector<1xf32>
      %squeeze3A_440 = vector.extract %slice3A_439[0] : f32 from vector<1xf32>
      %broadcast_in_dim3A_441 = vector.broadcast %squeeze3A_440 : f32 to vector<16xf32>
      %slice3A_442 = vector.extract_strided_slice %get3A_192 {offsets = [15], sizes = [1], strides = [1]} : vector<16xf32> to vector<1xf32>
      %squeeze3A_443 = vector.extract %slice3A_442[0] : f32 from vector<1xf32>
      %broadcast_in_dim3A_444 = vector.broadcast %squeeze3A_443 : f32 to vector<16xf32>
      %slice3A_445 = vector.extract_strided_slice %get3A_194 {offsets = [15], sizes = [1], strides = [1]} : vector<16xf32> to vector<1xf32>
      %squeeze3A_446 = vector.extract %slice3A_445[0] : f32 from vector<1xf32>
      %broadcast_in_dim3A_447 = vector.broadcast %squeeze3A_446 : f32 to vector<16xf32>
      %slice3A_448 = vector.extract_strided_slice %get3A_196 {offsets = [15], sizes = [1], strides = [1]} : vector<16xf32> to vector<1xf32>
      %squeeze3A_449 = vector.extract %slice3A_448[0] : f32 from vector<1xf32>
      %broadcast_in_dim3A_450 = vector.broadcast %squeeze3A_449 : f32 to vector<16xf32>
      %slice3A_451 = vector.extract_strided_slice %get3A_198 {offsets = [15], sizes = [1], strides = [1]} : vector<16xf32> to vector<1xf32>
      %squeeze3A_452 = vector.extract %slice3A_451[0] : f32 from vector<1xf32>
      %broadcast_in_dim3A_453 = vector.broadcast %squeeze3A_452 : f32 to vector<16xf32>
      %parallel_loop3A_454 = arith.constant 0 : i32
      %parallel_loop3A_455 = arith.constant 256 : i32
      %parallel_loop3A_456 = arith.constant 1 : i32
      %parallel_loop3A_457:8 = scf.for %parallel_loop3A_522 = %parallel_loop3A_454 to %parallel_loop3A_455 step %parallel_loop3A_456 iter_args(%parallel_loop3A_523 = %broadcast_in_dim3A_75, %parallel_loop3A_524 = %broadcast_in_dim3A_75, %parallel_loop3A_525 = %broadcast_in_dim3A_75, %parallel_loop3A_526 = %broadcast_in_dim3A_75, %parallel_loop3A_527 = %broadcast_in_dim3A_75, %parallel_loop3A_528 = %broadcast_in_dim3A_75, %parallel_loop3A_529 = %broadcast_in_dim3A_75, %parallel_loop3A_530 = %broadcast_in_dim3A_75) -> (vector<16xf32>, vector<16xf32>, vector<16xf32>, vector<16xf32>, vector<16xf32>, vector<16xf32>, vector<16xf32>, vector<16xf32>)  : i32 {
        %parallel_loop3A_531 = arith.constant 16 : i32
        %parallel_loop3A_532 = arith.muli %parallel_loop3A_522, %parallel_loop3A_531 : i32
        %parallel_loop3A_533 = arith.index_cast %parallel_loop3A_532 : i32 to index
        %parallel_loop3A_534 = tpu.vector_load %arg10[%parallel_loop3A_533] {strides = array<i32>} : memref<4096xf32, #tpu.memory_space<vmem>>, vector<16xf32>,
        %parallel_loop3A_535 = arith.index_cast %parallel_loop3A_532 : i32 to index
        %parallel_loop3A_536 = tpu.vector_load %arg11[%parallel_loop3A_535] {strides = array<i32>} : memref<4096xf32, #tpu.memory_space<vmem>>, vector<16xf32>,
        %parallel_loop3A_537 = arith.index_cast %parallel_loop3A_532 : i32 to index
        %parallel_loop3A_538 = tpu.vector_load %arg12[%parallel_loop3A_537] {strides = array<i32>} : memref<4096xf32, #tpu.memory_space<vmem>>, vector<16xf32>,
        %parallel_loop3A_539 = arith.index_cast %parallel_loop3A_532 : i32 to index
        %parallel_loop3A_540 = tpu.vector_load %arg13[%parallel_loop3A_539] {strides = array<i32>} : memref<4096xf32, #tpu.memory_space<vmem>>, vector<16xf32>,
        %parallel_loop3A_541 = arith.addf %broadcast_in_dim3A_369, %parallel_loop3A_540 : vector<16xf32>
        %parallel_loop3A_542 = arith.mulf %parallel_loop3A_534, %broadcast_in_dim3A_360 : vector<16xf32>
        %parallel_loop3A_543 = arith.addf %parallel_loop3A_541, %parallel_loop3A_542 : vector<16xf32>
        %parallel_loop3A_544 = arith.mulf %parallel_loop3A_536, %broadcast_in_dim3A_363 : vector<16xf32>
        %parallel_loop3A_545 = arith.addf %parallel_loop3A_543, %parallel_loop3A_544 : vector<16xf32>
        %parallel_loop3A_546 = arith.mulf %parallel_loop3A_538, %broadcast_in_dim3A_366 : vector<16xf32>
        %parallel_loop3A_547 = arith.addf %parallel_loop3A_545, %parallel_loop3A_546 : vector<16xf32>
        %parallel_loop3A_548 = arith.minimumf %parallel_loop3A_523, %parallel_loop3A_547 : vector<16xf32>
        %parallel_loop3A_549 = arith.addf %broadcast_in_dim3A_381, %parallel_loop3A_540 : vector<16xf32>
        %parallel_loop3A_550 = arith.mulf %parallel_loop3A_534, %broadcast_in_dim3A_372 : vector<16xf32>
        %parallel_loop3A_551 = arith.addf %parallel_loop3A_549, %parallel_loop3A_550 : vector<16xf32>
        %parallel_loop3A_552 = arith.mulf %parallel_loop3A_536, %broadcast_in_dim3A_375 : vector<16xf32>
        %parallel_loop3A_553 = arith.addf %parallel_loop3A_551, %parallel_loop3A_552 : vector<16xf32>
        %parallel_loop3A_554 = arith.mulf %parallel_loop3A_538, %broadcast_in_dim3A_378 : vector<16xf32>
        %parallel_loop3A_555 = arith.addf %parallel_loop3A_553, %parallel_loop3A_554 : vector<16xf32>
        %parallel_loop3A_556 = arith.minimumf %parallel_loop3A_524, %parallel_loop3A_555 : vector<16xf32>
        %parallel_loop3A_557 = arith.minimumf %parallel_loop3A_547, %parallel_loop3A_555 : vector<16xf32>
        %parallel_loop3A_558 = arith.addf %broadcast_in_dim3A_393, %parallel_loop3A_540 : vector<16xf32>
        %parallel_loop3A_559 = arith.mulf %parallel_loop3A_534, %broadcast_in_dim3A_384 : vector<16xf32>
        %parallel_loop3A_560 = arith.addf %parallel_loop3A_558, %parallel_loop3A_559 : vector<16xf32>
        %parallel_loop3A_561 = arith.mulf %parallel_loop3A_536, %broadcast_in_dim3A_387 : vector<16xf32>
        %parallel_loop3A_562 = arith.addf %parallel_loop3A_560, %parallel_loop3A_561 : vector<16xf32>
        %parallel_loop3A_563 = arith.mulf %parallel_loop3A_538, %broadcast_in_dim3A_390 : vector<16xf32>
        %parallel_loop3A_564 = arith.addf %parallel_loop3A_562, %parallel_loop3A_563 : vector<16xf32>
        %parallel_loop3A_565 = arith.minimumf %parallel_loop3A_525, %parallel_loop3A_564 : vector<16xf32>
        %parallel_loop3A_566 = arith.minimumf %parallel_loop3A_557, %parallel_loop3A_564 : vector<16xf32>
        %parallel_loop3A_567 = arith.addf %broadcast_in_dim3A_405, %parallel_loop3A_540 : vector<16xf32>
        %parallel_loop3A_568 = arith.mulf %parallel_loop3A_534, %broadcast_in_dim3A_396 : vector<16xf32>
        %parallel_loop3A_569 = arith.addf %parallel_loop3A_567, %parallel_loop3A_568 : vector<16xf32>
        %parallel_loop3A_570 = arith.mulf %parallel_loop3A_536, %broadcast_in_dim3A_399 : vector<16xf32>
        %parallel_loop3A_571 = arith.addf %parallel_loop3A_569, %parallel_loop3A_570 : vector<16xf32>
        %parallel_loop3A_572 = arith.mulf %parallel_loop3A_538, %broadcast_in_dim3A_402 : vector<16xf32>
        %parallel_loop3A_573 = arith.addf %parallel_loop3A_571, %parallel_loop3A_572 : vector<16xf32>
        %parallel_loop3A_574 = arith.minimumf %parallel_loop3A_526, %parallel_loop3A_573 : vector<16xf32>
        %parallel_loop3A_575 = arith.minimumf %parallel_loop3A_566, %parallel_loop3A_573 : vector<16xf32>
        %parallel_loop3A_576 = arith.addf %broadcast_in_dim3A_417, %parallel_loop3A_540 : vector<16xf32>
        %parallel_loop3A_577 = arith.mulf %parallel_loop3A_534, %broadcast_in_dim3A_408 : vector<16xf32>
        %parallel_loop3A_578 = arith.addf %parallel_loop3A_576, %parallel_loop3A_577 : vector<16xf32>
        %parallel_loop3A_579 = arith.mulf %parallel_loop3A_536, %broadcast_in_dim3A_411 : vector<16xf32>
        %parallel_loop3A_580 = arith.addf %parallel_loop3A_578, %parallel_loop3A_579 : vector<16xf32>
        %parallel_loop3A_581 = arith.mulf %parallel_loop3A_538, %broadcast_in_dim3A_414 : vector<16xf32>
        %parallel_loop3A_582 = arith.addf %parallel_loop3A_580, %parallel_loop3A_581 : vector<16xf32>
        %parallel_loop3A_583 = arith.minimumf %parallel_loop3A_527, %parallel_loop3A_582 : vector<16xf32>
        %parallel_loop3A_584 = arith.minimumf %parallel_loop3A_575, %parallel_loop3A_582 : vector<16xf32>
        %parallel_loop3A_585 = arith.addf %broadcast_in_dim3A_429, %parallel_loop3A_540 : vector<16xf32>
        %parallel_loop3A_586 = arith.mulf %parallel_loop3A_534, %broadcast_in_dim3A_420 : vector<16xf32>
        %parallel_loop3A_587 = arith.addf %parallel_loop3A_585, %parallel_loop3A_586 : vector<16xf32>
        %parallel_loop3A_588 = arith.mulf %parallel_loop3A_536, %broadcast_in_dim3A_423 : vector<16xf32>
        %parallel_loop3A_589 = arith.addf %parallel_loop3A_587, %parallel_loop3A_588 : vector<16xf32>
        %parallel_loop3A_590 = arith.mulf %parallel_loop3A_538, %broadcast_in_dim3A_426 : vector<16xf32>
        %parallel_loop3A_591 = arith.addf %parallel_loop3A_589, %parallel_loop3A_590 : vector<16xf32>
        %parallel_loop3A_592 = arith.minimumf %parallel_loop3A_528, %parallel_loop3A_591 : vector<16xf32>
        %parallel_loop3A_593 = arith.minimumf %parallel_loop3A_584, %parallel_loop3A_591 : vector<16xf32>
        %parallel_loop3A_594 = arith.addf %broadcast_in_dim3A_441, %parallel_loop3A_540 : vector<16xf32>
        %parallel_loop3A_595 = arith.mulf %parallel_loop3A_534, %broadcast_in_dim3A_432 : vector<16xf32>
        %parallel_loop3A_596 = arith.addf %parallel_loop3A_594, %parallel_loop3A_595 : vector<16xf32>
        %parallel_loop3A_597 = arith.mulf %parallel_loop3A_536, %broadcast_in_dim3A_435 : vector<16xf32>
        %parallel_loop3A_598 = arith.addf %parallel_loop3A_596, %parallel_loop3A_597 : vector<16xf32>
        %parallel_loop3A_599 = arith.mulf %parallel_loop3A_538, %broadcast_in_dim3A_438 : vector<16xf32>
        %parallel_loop3A_600 = arith.addf %parallel_loop3A_598, %parallel_loop3A_599 : vector<16xf32>
        %parallel_loop3A_601 = arith.minimumf %parallel_loop3A_529, %parallel_loop3A_600 : vector<16xf32>
        %parallel_loop3A_602 = arith.minimumf %parallel_loop3A_593, %parallel_loop3A_600 : vector<16xf32>
        %parallel_loop3A_603 = arith.addf %broadcast_in_dim3A_453, %parallel_loop3A_540 : vector<16xf32>
        %parallel_loop3A_604 = arith.mulf %parallel_loop3A_534, %broadcast_in_dim3A_444 : vector<16xf32>
        %parallel_loop3A_605 = arith.addf %parallel_loop3A_603, %parallel_loop3A_604 : vector<16xf32>
        %parallel_loop3A_606 = arith.mulf %parallel_loop3A_536, %broadcast_in_dim3A_447 : vector<16xf32>
        %parallel_loop3A_607 = arith.addf %parallel_loop3A_605, %parallel_loop3A_606 : vector<16xf32>
        %parallel_loop3A_608 = arith.mulf %parallel_loop3A_538, %broadcast_in_dim3A_450 : vector<16xf32>
        %parallel_loop3A_609 = arith.addf %parallel_loop3A_607, %parallel_loop3A_608 : vector<16xf32>
        %parallel_loop3A_610 = arith.minimumf %parallel_loop3A_530, %parallel_loop3A_609 : vector<16xf32>
        %parallel_loop3A_611 = arith.minimumf %parallel_loop3A_602, %parallel_loop3A_609 : vector<16xf32>
        %parallel_loop3A_612 = arith.index_cast %parallel_loop3A_532 : i32 to index
        %parallel_loop3A_613 = tpu.vector_load %arg14[%parallel_loop3A_612] {strides = array<i32>} : memref<4096xf32, #tpu.memory_space<vmem>>, vector<16xf32>,
        %parallel_loop3A_614 = arith.minimumf %parallel_loop3A_613, %parallel_loop3A_611 : vector<16xf32>
        %parallel_loop3A_615 = arith.index_cast %parallel_loop3A_532 : i32 to index
        %parallel_loop3A_616 = tpu.vector_load %arg14[%parallel_loop3A_615] {strides = array<i32>} : memref<4096xf32, #tpu.memory_space<vmem>>, vector<16xf32>,
        tpu.vector_store %arg14[%parallel_loop3A_615], %parallel_loop3A_614 {strides = array<i32>} : memref<4096xf32, #tpu.memory_space<vmem>>, vector<16xf32>,
        scf.yield %parallel_loop3A_548, %parallel_loop3A_556, %parallel_loop3A_565, %parallel_loop3A_574, %parallel_loop3A_583, %parallel_loop3A_592, %parallel_loop3A_601, %parallel_loop3A_610 : vector<16xf32>, vector<16xf32>, vector<16xf32>, vector<16xf32>, vector<16xf32>, vector<16xf32>, vector<16xf32>, vector<16xf32>
      } {sc.loop_unroll_factor = 4 : i64, sc.parallel_access}
      %reduce_min3A_458 = arith.constant true
      %reduce_min3A_459 = vector.broadcast %reduce_min3A_458 : i1 to vector<16xi1>
      %reduce_min3A_460 = tpu.scan <min>, %parallel_loop3A_457#0 masked %reduce_min3A_459 : vector<16xf32>, vector<16xi1> -> vector<16xf32>
      %reduce_min3A_461 = vector.extract %reduce_min3A_460[15] : f32 from vector<16xf32>
      %add3A_462 = arith.addf %reduce_min3A_461, %reduce_min3A_461 : f32
      %max3A_463 = arith.constant 0.000000e+00 : f32
      %max3A_464 = arith.maximumf %add3A_462, %max3A_463 : f32
      %add3A_465 = arith.addf %add3A_357, %max3A_464 : f32
      %reduce_min3A_466 = arith.constant true
      %reduce_min3A_467 = vector.broadcast %reduce_min3A_466 : i1 to vector<16xi1>
      %reduce_min3A_468 = tpu.scan <min>, %parallel_loop3A_457#1 masked %reduce_min3A_467 : vector<16xf32>, vector<16xi1> -> vector<16xf32>
      %reduce_min3A_469 = vector.extract %reduce_min3A_468[15] : f32 from vector<16xf32>
      %add3A_470 = arith.addf %reduce_min3A_469, %reduce_min3A_469 : f32
      %max3A_471 = arith.constant 0.000000e+00 : f32
      %max3A_472 = arith.maximumf %add3A_470, %max3A_471 : f32
      %add3A_473 = arith.addf %add3A_465, %max3A_472 : f32
      %reduce_min3A_474 = arith.constant true
      %reduce_min3A_475 = vector.broadcast %reduce_min3A_474 : i1 to vector<16xi1>
      %reduce_min3A_476 = tpu.scan <min>, %parallel_loop3A_457#2 masked %reduce_min3A_475 : vector<16xf32>, vector<16xi1> -> vector<16xf32>
      %reduce_min3A_477 = vector.extract %reduce_min3A_476[15] : f32 from vector<16xf32>
      %add3A_478 = arith.addf %reduce_min3A_477, %reduce_min3A_477 : f32
      %max3A_479 = arith.constant 0.000000e+00 : f32
      %max3A_480 = arith.maximumf %add3A_478, %max3A_479 : f32
      %add3A_481 = arith.addf %add3A_473, %max3A_480 : f32
      %reduce_min3A_482 = arith.constant true
      %reduce_min3A_483 = vector.broadcast %reduce_min3A_482 : i1 to vector<16xi1>
      %reduce_min3A_484 = tpu.scan <min>, %parallel_loop3A_457#3 masked %reduce_min3A_483 : vector<16xf32>, vector<16xi1> -> vector<16xf32>
      %reduce_min3A_485 = vector.extract %reduce_min3A_484[15] : f32 from vector<16xf32>
      %add3A_486 = arith.addf %reduce_min3A_485, %reduce_min3A_485 : f32
      %max3A_487 = arith.constant 0.000000e+00 : f32
      %max3A_488 = arith.maximumf %add3A_486, %max3A_487 : f32
      %add3A_489 = arith.addf %add3A_481, %max3A_488 : f32
      %reduce_min3A_490 = arith.constant true
      %reduce_min3A_491 = vector.broadcast %reduce_min3A_490 : i1 to vector<16xi1>
      %reduce_min3A_492 = tpu.scan <min>, %parallel_loop3A_457#4 masked %reduce_min3A_491 : vector<16xf32>, vector<16xi1> -> vector<16xf32>
      %reduce_min3A_493 = vector.extract %reduce_min3A_492[15] : f32 from vector<16xf32>
      %add3A_494 = arith.addf %reduce_min3A_493, %reduce_min3A_493 : f32
      %max3A_495 = arith.constant 0.000000e+00 : f32
      %max3A_496 = arith.maximumf %add3A_494, %max3A_495 : f32
      %add3A_497 = arith.addf %add3A_489, %max3A_496 : f32
      %reduce_min3A_498 = arith.constant true
      %reduce_min3A_499 = vector.broadcast %reduce_min3A_498 : i1 to vector<16xi1>
      %reduce_min3A_500 = tpu.scan <min>, %parallel_loop3A_457#5 masked %reduce_min3A_499 : vector<16xf32>, vector<16xi1> -> vector<16xf32>
      %reduce_min3A_501 = vector.extract %reduce_min3A_500[15] : f32 from vector<16xf32>
      %add3A_502 = arith.addf %reduce_min3A_501, %reduce_min3A_501 : f32
      %max3A_503 = arith.constant 0.000000e+00 : f32
      %max3A_504 = arith.maximumf %add3A_502, %max3A_503 : f32
      %add3A_505 = arith.addf %add3A_497, %max3A_504 : f32
      %reduce_min3A_506 = arith.constant true
      %reduce_min3A_507 = vector.broadcast %reduce_min3A_506 : i1 to vector<16xi1>
      %reduce_min3A_508 = tpu.scan <min>, %parallel_loop3A_457#6 masked %reduce_min3A_507 : vector<16xf32>, vector<16xi1> -> vector<16xf32>
      %reduce_min3A_509 = vector.extract %reduce_min3A_508[15] : f32 from vector<16xf32>
      %add3A_510 = arith.addf %reduce_min3A_509, %reduce_min3A_509 : f32
      %max3A_511 = arith.constant 0.000000e+00 : f32
      %max3A_512 = arith.maximumf %add3A_510, %max3A_511 : f32
      %add3A_513 = arith.addf %add3A_505, %max3A_512 : f32
      %reduce_min3A_514 = arith.constant true
      %reduce_min3A_515 = vector.broadcast %reduce_min3A_514 : i1 to vector<16xi1>
      %reduce_min3A_516 = tpu.scan <min>, %parallel_loop3A_457#7 masked %reduce_min3A_515 : vector<16xf32>, vector<16xi1> -> vector<16xf32>
      %reduce_min3A_517 = vector.extract %reduce_min3A_516[15] : f32 from vector<16xf32>
      %add3A_518 = arith.addf %reduce_min3A_517, %reduce_min3A_517 : f32
      %max3A_519 = arith.constant 0.000000e+00 : f32
      %max3A_520 = arith.maximumf %add3A_518, %max3A_519 : f32
      %add3A_521 = arith.addf %add3A_513, %max3A_520 : f32
      scf.yield %add3A_521 : f32
    }
    %scan3A_95 = arith.constant 32 : i32
    %iota3A = tpu.iota {dimensions = array<i32: 0>} : vector<16xi32>
    %eq3A_96 = arith.constant 0 : i32
    %eq3A_97 = vector.broadcast %eq3A_96 : i32 to vector<16xi32>
    %eq3A_98 = arith.cmpi eq, %iota3A, %eq3A_97 : vector<16xi32>
    %jit3A_99 = arith.constant 0.000000e+00 : f32
    %broadcast_in_dim3A_100 = vector.broadcast %scan3A_94 : f32 to vector<16xf32>
    %broadcast_in_dim3A_101 = vector.broadcast %jit3A_99 : f32 to vector<16xf32>
    %select_n3A_102 = arith.select %eq3A_98, %broadcast_in_dim3A_100, %broadcast_in_dim3A_101 : vector<16xi1>, vector<16xf32>
    %swap3A = arith.constant 0 : index
    %swap3A_103 = tpu.vector_load %arg16[%swap3A] {strides = array<i32>} : memref<16xf32, #tpu.memory_space<vmem>>, vector<16xf32>,
    tpu.vector_store %arg16[%swap3A], %select_n3A_102 {strides = array<i32>} : memref<16xf32, #tpu.memory_space<vmem>>, vector<16xf32>,
    %mul3A_104 = arith.constant 16 : i32
    %mul3A_105 = arith.muli %add3A_57, %mul3A_104 : i32
    "tpu.region"() ({
      %run_scoped3A_188 = tpu.sem_alloc : memref<!tpu.dma_semaphore, #tpu.memory_space<semaphore_mem>>
      %dma_start3A = tpu.memref_slice %arg4[%mul3A_105] : memref<512xf32, #tpu.memory_space<hbm>> -> memref<16xf32, #tpu.memory_space<hbm>>
      %dma_start3A_189 = tpu.memref_slice %arg4[%mul3A_105] : memref<512xf32, #tpu.memory_space<hbm>> -> memref<16xf32, #tpu.memory_space<hbm>>
      tpu.enqueue_dma source(%arg16 : memref<16xf32, #tpu.memory_space<vmem>>) target(%dma_start3A_189 : memref<16xf32, #tpu.memory_space<hbm>>) target_semaphore(%run_scoped3A_188 : memref<!tpu.dma_semaphore, #tpu.memory_space<semaphore_mem>>)
      %dma_wait3A = tpu.memref_slice %arg4[%mul3A_105] : memref<512xf32, #tpu.memory_space<hbm>> -> memref<16xf32, #tpu.memory_space<hbm>>
      %dma_wait3A_190 = tpu.memref_slice %arg4[%mul3A_105] : memref<512xf32, #tpu.memory_space<hbm>> -> memref<16xf32, #tpu.memory_space<hbm>>
      tpu.wait_dma2 semaphore(%run_scoped3A_188 : memref<!tpu.dma_semaphore, #tpu.memory_space<semaphore_mem>>) src(%arg16 : memref<16xf32, #tpu.memory_space<vmem>>) dst(%dma_wait3A_190 : memref<16xf32, #tpu.memory_space<hbm>>)
      tpu.yield
    }) : () -> ()
    %mul3A_106 = arith.constant 8 : i32
    %mul3A_107 = arith.muli %select_n3A_40, %mul3A_106 : i32
    %add3A_108 = arith.addi %mul3A_107, %select_n3A_54 : i32
    %mul3A_109 = arith.constant 4096 : i32
    %mul3A_110 = arith.muli %add3A_108, %mul3A_109 : i32
    "tpu.region"() ({
      %run_scoped3A_188 = tpu.sem_alloc : memref<!tpu.dma_semaphore, #tpu.memory_space<semaphore_mem>>
      %dma_start3A = tpu.memref_slice %arg17[%mul3A_110] : memref<65536xf32, #tpu.memory_space<vmem_shared>> -> memref<4096xf32, #tpu.memory_space<vmem_shared>>
      %dma_start3A_189 = tpu.memref_slice %arg17[%mul3A_110] : memref<65536xf32, #tpu.memory_space<vmem_shared>> -> memref<4096xf32, #tpu.memory_space<vmem_shared>>
      tpu.enqueue_dma source(%arg14 : memref<4096xf32, #tpu.memory_space<vmem>>) target(%dma_start3A_189 : memref<4096xf32, #tpu.memory_space<vmem_shared>>) target_semaphore(%run_scoped3A_188 : memref<!tpu.dma_semaphore, #tpu.memory_space<semaphore_mem>>)
      %dma_wait3A = tpu.memref_slice %arg17[%mul3A_110] : memref<65536xf32, #tpu.memory_space<vmem_shared>> -> memref<4096xf32, #tpu.memory_space<vmem_shared>>
      %dma_wait3A_190 = tpu.memref_slice %arg17[%mul3A_110] : memref<65536xf32, #tpu.memory_space<vmem_shared>> -> memref<4096xf32, #tpu.memory_space<vmem_shared>>
      tpu.wait_dma2 semaphore(%run_scoped3A_188 : memref<!tpu.dma_semaphore, #tpu.memory_space<semaphore_mem>>) src(%arg14 : memref<4096xf32, #tpu.memory_space<vmem>>) dst(%dma_wait3A_190 : memref<4096xf32, #tpu.memory_space<vmem_shared>>)
      tpu.yield
    }) : () -> ()
    %barrier3A = arith.constant 0 : index
    tpu.barrier barrier_id(%barrier3A)
    %mul3A_111 = arith.constant 512 : i32
    %mul3A_112 = arith.muli %select_n3A_54, %mul3A_111 : i32
    %mul3A_113 = arith.constant 8 : i32
    %mul3A_114 = arith.muli %select_n3A_40, %mul3A_113 : i32
    %add3A_115 = arith.constant 0 : i32
    %add3A_116 = arith.addi %mul3A_114, %add3A_115 : i32
    %mul3A_117 = arith.constant 4096 : i32
    %mul3A_118 = arith.muli %add3A_116, %mul3A_117 : i32
    %add3A_119 = arith.addi %mul3A_118, %mul3A_112 : i32
    %run_scoped3A = arith.constant 0 : i32
    "tpu.region"() ({
      %run_scoped3A_188 = tpu.sem_alloc : memref<!tpu.dma_semaphore, #tpu.memory_space<semaphore_mem>>
      %dma_start3A = arith.constant 0 : i32
      %dma_start3A_189 = tpu.memref_slice %arg15[%run_scoped3A, %dma_start3A] : memref<8x512xf32, #tpu.memory_space<vmem>> -> memref<1x512xf32, #tpu.memory_space<vmem>>
      %dma_start3A_190 = tpu.memref_squeeze %dma_start3A_189 : memref<1x512xf32, #tpu.memory_space<vmem>> -> memref<512xf32, #tpu.memory_space<vmem>>
      %dma_start3A_191 = tpu.memref_slice %arg17[%add3A_119] : memref<65536xf32, #tpu.memory_space<vmem_shared>> -> memref<512xf32, #tpu.memory_space<vmem_shared>>
      %dma_start3A_192 = arith.constant 0 : i32
      %dma_start3A_193 = tpu.memref_slice %arg15[%run_scoped3A, %dma_start3A_192] : memref<8x512xf32, #tpu.memory_space<vmem>> -> memref<1x512xf32, #tpu.memory_space<vmem>>
      %dma_start3A_194 = tpu.memref_squeeze %dma_start3A_193 : memref<1x512xf32, #tpu.memory_space<vmem>> -> memref<512xf32, #tpu.memory_space<vmem>>
      %dma_start3A_195 = tpu.memref_slice %arg17[%add3A_119] : memref<65536xf32, #tpu.memory_space<vmem_shared>> -> memref<512xf32, #tpu.memory_space<vmem_shared>>
      tpu.enqueue_dma source(%dma_start3A_195 : memref<512xf32, #tpu.memory_space<vmem_shared>>) target(%dma_start3A_194 : memref<512xf32, #tpu.memory_space<vmem>>) target_semaphore(%run_scoped3A_188 : memref<!tpu.dma_semaphore, #tpu.memory_space<semaphore_mem>>)
      %dma_wait3A = arith.constant 0 : i32
      %dma_wait3A_196 = tpu.memref_slice %arg15[%run_scoped3A, %dma_wait3A] : memref<8x512xf32, #tpu.memory_space<vmem>> -> memref<1x512xf32, #tpu.memory_space<vmem>>
      %dma_wait3A_197 = tpu.memref_squeeze %dma_wait3A_196 : memref<1x512xf32, #tpu.memory_space<vmem>> -> memref<512xf32, #tpu.memory_space<vmem>>
      %dma_wait3A_198 = tpu.memref_slice %arg17[%add3A_119] : memref<65536xf32, #tpu.memory_space<vmem_shared>> -> memref<512xf32, #tpu.memory_space<vmem_shared>>
      %dma_wait3A_199 = arith.constant 0 : i32
      %dma_wait3A_200 = tpu.memref_slice %arg15[%run_scoped3A, %dma_wait3A_199] : memref<8x512xf32, #tpu.memory_space<vmem>> -> memref<1x512xf32, #tpu.memory_space<vmem>>
      %dma_wait3A_201 = tpu.memref_squeeze %dma_wait3A_200 : memref<1x512xf32, #tpu.memory_space<vmem>> -> memref<512xf32, #tpu.memory_space<vmem>>
      %dma_wait3A_202 = tpu.memref_slice %arg17[%add3A_119] : memref<65536xf32, #tpu.memory_space<vmem_shared>> -> memref<512xf32, #tpu.memory_space<vmem_shared>>
      tpu.wait_dma2 semaphore(%run_scoped3A_188 : memref<!tpu.dma_semaphore, #tpu.memory_space<semaphore_mem>>) src(%dma_wait3A_202 : memref<512xf32, #tpu.memory_space<vmem_shared>>) dst(%dma_wait3A_201 : memref<512xf32, #tpu.memory_space<vmem>>)
      tpu.yield
    }) : () -> ()
    %mul3A_120 = arith.constant 8 : i32
    %mul3A_121 = arith.muli %select_n3A_40, %mul3A_120 : i32
    %add3A_122 = arith.constant 1 : i32
    %add3A_123 = arith.addi %mul3A_121, %add3A_122 : i32
    %mul3A_124 = arith.constant 4096 : i32
    %mul3A_125 = arith.muli %add3A_123, %mul3A_124 : i32
    %add3A_126 = arith.addi %mul3A_125, %mul3A_112 : i32
    %run_scoped3A_127 = arith.constant 1 : i32
    "tpu.region"() ({
      %run_scoped3A_188 = tpu.sem_alloc : memref<!tpu.dma_semaphore, #tpu.memory_space<semaphore_mem>>
      %dma_start3A = arith.constant 0 : i32
      %dma_start3A_189 = tpu.memref_slice %arg15[%run_scoped3A_127, %dma_start3A] : memref<8x512xf32, #tpu.memory_space<vmem>> -> memref<1x512xf32, #tpu.memory_space<vmem>>
      %dma_start3A_190 = tpu.memref_squeeze %dma_start3A_189 : memref<1x512xf32, #tpu.memory_space<vmem>> -> memref<512xf32, #tpu.memory_space<vmem>>
      %dma_start3A_191 = tpu.memref_slice %arg17[%add3A_126] : memref<65536xf32, #tpu.memory_space<vmem_shared>> -> memref<512xf32, #tpu.memory_space<vmem_shared>>
      %dma_start3A_192 = arith.constant 0 : i32
      %dma_start3A_193 = tpu.memref_slice %arg15[%run_scoped3A_127, %dma_start3A_192] : memref<8x512xf32, #tpu.memory_space<vmem>> -> memref<1x512xf32, #tpu.memory_space<vmem>>
      %dma_start3A_194 = tpu.memref_squeeze %dma_start3A_193 : memref<1x512xf32, #tpu.memory_space<vmem>> -> memref<512xf32, #tpu.memory_space<vmem>>
      %dma_start3A_195 = tpu.memref_slice %arg17[%add3A_126] : memref<65536xf32, #tpu.memory_space<vmem_shared>> -> memref<512xf32, #tpu.memory_space<vmem_shared>>
      tpu.enqueue_dma source(%dma_start3A_195 : memref<512xf32, #tpu.memory_space<vmem_shared>>) target(%dma_start3A_194 : memref<512xf32, #tpu.memory_space<vmem>>) target_semaphore(%run_scoped3A_188 : memref<!tpu.dma_semaphore, #tpu.memory_space<semaphore_mem>>)
      %dma_wait3A = arith.constant 0 : i32
      %dma_wait3A_196 = tpu.memref_slice %arg15[%run_scoped3A_127, %dma_wait3A] : memref<8x512xf32, #tpu.memory_space<vmem>> -> memref<1x512xf32, #tpu.memory_space<vmem>>
      %dma_wait3A_197 = tpu.memref_squeeze %dma_wait3A_196 : memref<1x512xf32, #tpu.memory_space<vmem>> -> memref<512xf32, #tpu.memory_space<vmem>>
      %dma_wait3A_198 = tpu.memref_slice %arg17[%add3A_126] : memref<65536xf32, #tpu.memory_space<vmem_shared>> -> memref<512xf32, #tpu.memory_space<vmem_shared>>
      %dma_wait3A_199 = arith.constant 0 : i32
      %dma_wait3A_200 = tpu.memref_slice %arg15[%run_scoped3A_127, %dma_wait3A_199] : memref<8x512xf32, #tpu.memory_space<vmem>> -> memref<1x512xf32, #tpu.memory_space<vmem>>
      %dma_wait3A_201 = tpu.memref_squeeze %dma_wait3A_200 : memref<1x512xf32, #tpu.memory_space<vmem>> -> memref<512xf32, #tpu.memory_space<vmem>>
      %dma_wait3A_202 = tpu.memref_slice %arg17[%add3A_126] : memref<65536xf32, #tpu.memory_space<vmem_shared>> -> memref<512xf32, #tpu.memory_space<vmem_shared>>
      tpu.wait_dma2 semaphore(%run_scoped3A_188 : memref<!tpu.dma_semaphore, #tpu.memory_space<semaphore_mem>>) src(%dma_wait3A_202 : memref<512xf32, #tpu.memory_space<vmem_shared>>) dst(%dma_wait3A_201 : memref<512xf32, #tpu.memory_space<vmem>>)
      tpu.yield
    }) : () -> ()
    %mul3A_128 = arith.constant 8 : i32
    %mul3A_129 = arith.muli %select_n3A_40, %mul3A_128 : i32
    %add3A_130 = arith.constant 2 : i32
    %add3A_131 = arith.addi %mul3A_129, %add3A_130 : i32
    %mul3A_132 = arith.constant 4096 : i32
    %mul3A_133 = arith.muli %add3A_131, %mul3A_132 : i32
    %add3A_134 = arith.addi %mul3A_133, %mul3A_112 : i32
    %run_scoped3A_135 = arith.constant 2 : i32
    "tpu.region"() ({
      %run_scoped3A_188 = tpu.sem_alloc : memref<!tpu.dma_semaphore, #tpu.memory_space<semaphore_mem>>
      %dma_start3A = arith.constant 0 : i32
      %dma_start3A_189 = tpu.memref_slice %arg15[%run_scoped3A_135, %dma_start3A] : memref<8x512xf32, #tpu.memory_space<vmem>> -> memref<1x512xf32, #tpu.memory_space<vmem>>
      %dma_start3A_190 = tpu.memref_squeeze %dma_start3A_189 : memref<1x512xf32, #tpu.memory_space<vmem>> -> memref<512xf32, #tpu.memory_space<vmem>>
      %dma_start3A_191 = tpu.memref_slice %arg17[%add3A_134] : memref<65536xf32, #tpu.memory_space<vmem_shared>> -> memref<512xf32, #tpu.memory_space<vmem_shared>>
      %dma_start3A_192 = arith.constant 0 : i32
      %dma_start3A_193 = tpu.memref_slice %arg15[%run_scoped3A_135, %dma_start3A_192] : memref<8x512xf32, #tpu.memory_space<vmem>> -> memref<1x512xf32, #tpu.memory_space<vmem>>
      %dma_start3A_194 = tpu.memref_squeeze %dma_start3A_193 : memref<1x512xf32, #tpu.memory_space<vmem>> -> memref<512xf32, #tpu.memory_space<vmem>>
      %dma_start3A_195 = tpu.memref_slice %arg17[%add3A_134] : memref<65536xf32, #tpu.memory_space<vmem_shared>> -> memref<512xf32, #tpu.memory_space<vmem_shared>>
      tpu.enqueue_dma source(%dma_start3A_195 : memref<512xf32, #tpu.memory_space<vmem_shared>>) target(%dma_start3A_194 : memref<512xf32, #tpu.memory_space<vmem>>) target_semaphore(%run_scoped3A_188 : memref<!tpu.dma_semaphore, #tpu.memory_space<semaphore_mem>>)
      %dma_wait3A = arith.constant 0 : i32
      %dma_wait3A_196 = tpu.memref_slice %arg15[%run_scoped3A_135, %dma_wait3A] : memref<8x512xf32, #tpu.memory_space<vmem>> -> memref<1x512xf32, #tpu.memory_space<vmem>>
      %dma_wait3A_197 = tpu.memref_squeeze %dma_wait3A_196 : memref<1x512xf32, #tpu.memory_space<vmem>> -> memref<512xf32, #tpu.memory_space<vmem>>
      %dma_wait3A_198 = tpu.memref_slice %arg17[%add3A_134] : memref<65536xf32, #tpu.memory_space<vmem_shared>> -> memref<512xf32, #tpu.memory_space<vmem_shared>>
      %dma_wait3A_199 = arith.constant 0 : i32
      %dma_wait3A_200 = tpu.memref_slice %arg15[%run_scoped3A_135, %dma_wait3A_199] : memref<8x512xf32, #tpu.memory_space<vmem>> -> memref<1x512xf32, #tpu.memory_space<vmem>>
      %dma_wait3A_201 = tpu.memref_squeeze %dma_wait3A_200 : memref<1x512xf32, #tpu.memory_space<vmem>> -> memref<512xf32, #tpu.memory_space<vmem>>
      %dma_wait3A_202 = tpu.memref_slice %arg17[%add3A_134] : memref<65536xf32, #tpu.memory_space<vmem_shared>> -> memref<512xf32, #tpu.memory_space<vmem_shared>>
      tpu.wait_dma2 semaphore(%run_scoped3A_188 : memref<!tpu.dma_semaphore, #tpu.memory_space<semaphore_mem>>) src(%dma_wait3A_202 : memref<512xf32, #tpu.memory_space<vmem_shared>>) dst(%dma_wait3A_201 : memref<512xf32, #tpu.memory_space<vmem>>)
      tpu.yield
    }) : () -> ()
    %mul3A_136 = arith.constant 8 : i32
    %mul3A_137 = arith.muli %select_n3A_40, %mul3A_136 : i32
    %add3A_138 = arith.constant 3 : i32
    %add3A_139 = arith.addi %mul3A_137, %add3A_138 : i32
    %mul3A_140 = arith.constant 4096 : i32
    %mul3A_141 = arith.muli %add3A_139, %mul3A_140 : i32
    %add3A_142 = arith.addi %mul3A_141, %mul3A_112 : i32
    %run_scoped3A_143 = arith.constant 3 : i32
    "tpu.region"() ({
      %run_scoped3A_188 = tpu.sem_alloc : memref<!tpu.dma_semaphore, #tpu.memory_space<semaphore_mem>>
      %dma_start3A = arith.constant 0 : i32
      %dma_start3A_189 = tpu.memref_slice %arg15[%run_scoped3A_143, %dma_start3A] : memref<8x512xf32, #tpu.memory_space<vmem>> -> memref<1x512xf32, #tpu.memory_space<vmem>>
      %dma_start3A_190 = tpu.memref_squeeze %dma_start3A_189 : memref<1x512xf32, #tpu.memory_space<vmem>> -> memref<512xf32, #tpu.memory_space<vmem>>
      %dma_start3A_191 = tpu.memref_slice %arg17[%add3A_142] : memref<65536xf32, #tpu.memory_space<vmem_shared>> -> memref<512xf32, #tpu.memory_space<vmem_shared>>
      %dma_start3A_192 = arith.constant 0 : i32
      %dma_start3A_193 = tpu.memref_slice %arg15[%run_scoped3A_143, %dma_start3A_192] : memref<8x512xf32, #tpu.memory_space<vmem>> -> memref<1x512xf32, #tpu.memory_space<vmem>>
      %dma_start3A_194 = tpu.memref_squeeze %dma_start3A_193 : memref<1x512xf32, #tpu.memory_space<vmem>> -> memref<512xf32, #tpu.memory_space<vmem>>
      %dma_start3A_195 = tpu.memref_slice %arg17[%add3A_142] : memref<65536xf32, #tpu.memory_space<vmem_shared>> -> memref<512xf32, #tpu.memory_space<vmem_shared>>
      tpu.enqueue_dma source(%dma_start3A_195 : memref<512xf32, #tpu.memory_space<vmem_shared>>) target(%dma_start3A_194 : memref<512xf32, #tpu.memory_space<vmem>>) target_semaphore(%run_scoped3A_188 : memref<!tpu.dma_semaphore, #tpu.memory_space<semaphore_mem>>)
      %dma_wait3A = arith.constant 0 : i32
      %dma_wait3A_196 = tpu.memref_slice %arg15[%run_scoped3A_143, %dma_wait3A] : memref<8x512xf32, #tpu.memory_space<vmem>> -> memref<1x512xf32, #tpu.memory_space<vmem>>
      %dma_wait3A_197 = tpu.memref_squeeze %dma_wait3A_196 : memref<1x512xf32, #tpu.memory_space<vmem>> -> memref<512xf32, #tpu.memory_space<vmem>>
      %dma_wait3A_198 = tpu.memref_slice %arg17[%add3A_142] : memref<65536xf32, #tpu.memory_space<vmem_shared>> -> memref<512xf32, #tpu.memory_space<vmem_shared>>
      %dma_wait3A_199 = arith.constant 0 : i32
      %dma_wait3A_200 = tpu.memref_slice %arg15[%run_scoped3A_143, %dma_wait3A_199] : memref<8x512xf32, #tpu.memory_space<vmem>> -> memref<1x512xf32, #tpu.memory_space<vmem>>
      %dma_wait3A_201 = tpu.memref_squeeze %dma_wait3A_200 : memref<1x512xf32, #tpu.memory_space<vmem>> -> memref<512xf32, #tpu.memory_space<vmem>>
      %dma_wait3A_202 = tpu.memref_slice %arg17[%add3A_142] : memref<65536xf32, #tpu.memory_space<vmem_shared>> -> memref<512xf32, #tpu.memory_space<vmem_shared>>
      tpu.wait_dma2 semaphore(%run_scoped3A_188 : memref<!tpu.dma_semaphore, #tpu.memory_space<semaphore_mem>>) src(%dma_wait3A_202 : memref<512xf32, #tpu.memory_space<vmem_shared>>) dst(%dma_wait3A_201 : memref<512xf32, #tpu.memory_space<vmem>>)
      tpu.yield
    }) : () -> ()
    %mul3A_144 = arith.constant 8 : i32
    %mul3A_145 = arith.muli %select_n3A_40, %mul3A_144 : i32
    %add3A_146 = arith.constant 4 : i32
    %add3A_147 = arith.addi %mul3A_145, %add3A_146 : i32
    %mul3A_148 = arith.constant 4096 : i32
    %mul3A_149 = arith.muli %add3A_147, %mul3A_148 : i32
    %add3A_150 = arith.addi %mul3A_149, %mul3A_112 : i32
    %run_scoped3A_151 = arith.constant 4 : i32
    "tpu.region"() ({
      %run_scoped3A_188 = tpu.sem_alloc : memref<!tpu.dma_semaphore, #tpu.memory_space<semaphore_mem>>
      %dma_start3A = arith.constant 0 : i32
      %dma_start3A_189 = tpu.memref_slice %arg15[%run_scoped3A_151, %dma_start3A] : memref<8x512xf32, #tpu.memory_space<vmem>> -> memref<1x512xf32, #tpu.memory_space<vmem>>
      %dma_start3A_190 = tpu.memref_squeeze %dma_start3A_189 : memref<1x512xf32, #tpu.memory_space<vmem>> -> memref<512xf32, #tpu.memory_space<vmem>>
      %dma_start3A_191 = tpu.memref_slice %arg17[%add3A_150] : memref<65536xf32, #tpu.memory_space<vmem_shared>> -> memref<512xf32, #tpu.memory_space<vmem_shared>>
      %dma_start3A_192 = arith.constant 0 : i32
      %dma_start3A_193 = tpu.memref_slice %arg15[%run_scoped3A_151, %dma_start3A_192] : memref<8x512xf32, #tpu.memory_space<vmem>> -> memref<1x512xf32, #tpu.memory_space<vmem>>
      %dma_start3A_194 = tpu.memref_squeeze %dma_start3A_193 : memref<1x512xf32, #tpu.memory_space<vmem>> -> memref<512xf32, #tpu.memory_space<vmem>>
      %dma_start3A_195 = tpu.memref_slice %arg17[%add3A_150] : memref<65536xf32, #tpu.memory_space<vmem_shared>> -> memref<512xf32, #tpu.memory_space<vmem_shared>>
      tpu.enqueue_dma source(%dma_start3A_195 : memref<512xf32, #tpu.memory_space<vmem_shared>>) target(%dma_start3A_194 : memref<512xf32, #tpu.memory_space<vmem>>) target_semaphore(%run_scoped3A_188 : memref<!tpu.dma_semaphore, #tpu.memory_space<semaphore_mem>>)
      %dma_wait3A = arith.constant 0 : i32
      %dma_wait3A_196 = tpu.memref_slice %arg15[%run_scoped3A_151, %dma_wait3A] : memref<8x512xf32, #tpu.memory_space<vmem>> -> memref<1x512xf32, #tpu.memory_space<vmem>>
      %dma_wait3A_197 = tpu.memref_squeeze %dma_wait3A_196 : memref<1x512xf32, #tpu.memory_space<vmem>> -> memref<512xf32, #tpu.memory_space<vmem>>
      %dma_wait3A_198 = tpu.memref_slice %arg17[%add3A_150] : memref<65536xf32, #tpu.memory_space<vmem_shared>> -> memref<512xf32, #tpu.memory_space<vmem_shared>>
      %dma_wait3A_199 = arith.constant 0 : i32
      %dma_wait3A_200 = tpu.memref_slice %arg15[%run_scoped3A_151, %dma_wait3A_199] : memref<8x512xf32, #tpu.memory_space<vmem>> -> memref<1x512xf32, #tpu.memory_space<vmem>>
      %dma_wait3A_201 = tpu.memref_squeeze %dma_wait3A_200 : memref<1x512xf32, #tpu.memory_space<vmem>> -> memref<512xf32, #tpu.memory_space<vmem>>
      %dma_wait3A_202 = tpu.memref_slice %arg17[%add3A_150] : memref<65536xf32, #tpu.memory_space<vmem_shared>> -> memref<512xf32, #tpu.memory_space<vmem_shared>>
      tpu.wait_dma2 semaphore(%run_scoped3A_188 : memref<!tpu.dma_semaphore, #tpu.memory_space<semaphore_mem>>) src(%dma_wait3A_202 : memref<512xf32, #tpu.memory_space<vmem_shared>>) dst(%dma_wait3A_201 : memref<512xf32, #tpu.memory_space<vmem>>)
      tpu.yield
    }) : () -> ()
    %mul3A_152 = arith.constant 8 : i32
    %mul3A_153 = arith.muli %select_n3A_40, %mul3A_152 : i32
    %add3A_154 = arith.constant 5 : i32
    %add3A_155 = arith.addi %mul3A_153, %add3A_154 : i32
    %mul3A_156 = arith.constant 4096 : i32
    %mul3A_157 = arith.muli %add3A_155, %mul3A_156 : i32
    %add3A_158 = arith.addi %mul3A_157, %mul3A_112 : i32
    %run_scoped3A_159 = arith.constant 5 : i32
    "tpu.region"() ({
      %run_scoped3A_188 = tpu.sem_alloc : memref<!tpu.dma_semaphore, #tpu.memory_space<semaphore_mem>>
      %dma_start3A = arith.constant 0 : i32
      %dma_start3A_189 = tpu.memref_slice %arg15[%run_scoped3A_159, %dma_start3A] : memref<8x512xf32, #tpu.memory_space<vmem>> -> memref<1x512xf32, #tpu.memory_space<vmem>>
      %dma_start3A_190 = tpu.memref_squeeze %dma_start3A_189 : memref<1x512xf32, #tpu.memory_space<vmem>> -> memref<512xf32, #tpu.memory_space<vmem>>
      %dma_start3A_191 = tpu.memref_slice %arg17[%add3A_158] : memref<65536xf32, #tpu.memory_space<vmem_shared>> -> memref<512xf32, #tpu.memory_space<vmem_shared>>
      %dma_start3A_192 = arith.constant 0 : i32
      %dma_start3A_193 = tpu.memref_slice %arg15[%run_scoped3A_159, %dma_start3A_192] : memref<8x512xf32, #tpu.memory_space<vmem>> -> memref<1x512xf32, #tpu.memory_space<vmem>>
      %dma_start3A_194 = tpu.memref_squeeze %dma_start3A_193 : memref<1x512xf32, #tpu.memory_space<vmem>> -> memref<512xf32, #tpu.memory_space<vmem>>
      %dma_start3A_195 = tpu.memref_slice %arg17[%add3A_158] : memref<65536xf32, #tpu.memory_space<vmem_shared>> -> memref<512xf32, #tpu.memory_space<vmem_shared>>
      tpu.enqueue_dma source(%dma_start3A_195 : memref<512xf32, #tpu.memory_space<vmem_shared>>) target(%dma_start3A_194 : memref<512xf32, #tpu.memory_space<vmem>>) target_semaphore(%run_scoped3A_188 : memref<!tpu.dma_semaphore, #tpu.memory_space<semaphore_mem>>)
      %dma_wait3A = arith.constant 0 : i32
      %dma_wait3A_196 = tpu.memref_slice %arg15[%run_scoped3A_159, %dma_wait3A] : memref<8x512xf32, #tpu.memory_space<vmem>> -> memref<1x512xf32, #tpu.memory_space<vmem>>
      %dma_wait3A_197 = tpu.memref_squeeze %dma_wait3A_196 : memref<1x512xf32, #tpu.memory_space<vmem>> -> memref<512xf32, #tpu.memory_space<vmem>>
      %dma_wait3A_198 = tpu.memref_slice %arg17[%add3A_158] : memref<65536xf32, #tpu.memory_space<vmem_shared>> -> memref<512xf32, #tpu.memory_space<vmem_shared>>
      %dma_wait3A_199 = arith.constant 0 : i32
      %dma_wait3A_200 = tpu.memref_slice %arg15[%run_scoped3A_159, %dma_wait3A_199] : memref<8x512xf32, #tpu.memory_space<vmem>> -> memref<1x512xf32, #tpu.memory_space<vmem>>
      %dma_wait3A_201 = tpu.memref_squeeze %dma_wait3A_200 : memref<1x512xf32, #tpu.memory_space<vmem>> -> memref<512xf32, #tpu.memory_space<vmem>>
      %dma_wait3A_202 = tpu.memref_slice %arg17[%add3A_158] : memref<65536xf32, #tpu.memory_space<vmem_shared>> -> memref<512xf32, #tpu.memory_space<vmem_shared>>
      tpu.wait_dma2 semaphore(%run_scoped3A_188 : memref<!tpu.dma_semaphore, #tpu.memory_space<semaphore_mem>>) src(%dma_wait3A_202 : memref<512xf32, #tpu.memory_space<vmem_shared>>) dst(%dma_wait3A_201 : memref<512xf32, #tpu.memory_space<vmem>>)
      tpu.yield
    }) : () -> ()
    %mul3A_160 = arith.constant 8 : i32
    %mul3A_161 = arith.muli %select_n3A_40, %mul3A_160 : i32
    %add3A_162 = arith.constant 6 : i32
    %add3A_163 = arith.addi %mul3A_161, %add3A_162 : i32
    %mul3A_164 = arith.constant 4096 : i32
    %mul3A_165 = arith.muli %add3A_163, %mul3A_164 : i32
    %add3A_166 = arith.addi %mul3A_165, %mul3A_112 : i32
    %run_scoped3A_167 = arith.constant 6 : i32
    "tpu.region"() ({
      %run_scoped3A_188 = tpu.sem_alloc : memref<!tpu.dma_semaphore, #tpu.memory_space<semaphore_mem>>
      %dma_start3A = arith.constant 0 : i32
      %dma_start3A_189 = tpu.memref_slice %arg15[%run_scoped3A_167, %dma_start3A] : memref<8x512xf32, #tpu.memory_space<vmem>> -> memref<1x512xf32, #tpu.memory_space<vmem>>
      %dma_start3A_190 = tpu.memref_squeeze %dma_start3A_189 : memref<1x512xf32, #tpu.memory_space<vmem>> -> memref<512xf32, #tpu.memory_space<vmem>>
      %dma_start3A_191 = tpu.memref_slice %arg17[%add3A_166] : memref<65536xf32, #tpu.memory_space<vmem_shared>> -> memref<512xf32, #tpu.memory_space<vmem_shared>>
      %dma_start3A_192 = arith.constant 0 : i32
      %dma_start3A_193 = tpu.memref_slice %arg15[%run_scoped3A_167, %dma_start3A_192] : memref<8x512xf32, #tpu.memory_space<vmem>> -> memref<1x512xf32, #tpu.memory_space<vmem>>
      %dma_start3A_194 = tpu.memref_squeeze %dma_start3A_193 : memref<1x512xf32, #tpu.memory_space<vmem>> -> memref<512xf32, #tpu.memory_space<vmem>>
      %dma_start3A_195 = tpu.memref_slice %arg17[%add3A_166] : memref<65536xf32, #tpu.memory_space<vmem_shared>> -> memref<512xf32, #tpu.memory_space<vmem_shared>>
      tpu.enqueue_dma source(%dma_start3A_195 : memref<512xf32, #tpu.memory_space<vmem_shared>>) target(%dma_start3A_194 : memref<512xf32, #tpu.memory_space<vmem>>) target_semaphore(%run_scoped3A_188 : memref<!tpu.dma_semaphore, #tpu.memory_space<semaphore_mem>>)
      %dma_wait3A = arith.constant 0 : i32
      %dma_wait3A_196 = tpu.memref_slice %arg15[%run_scoped3A_167, %dma_wait3A] : memref<8x512xf32, #tpu.memory_space<vmem>> -> memref<1x512xf32, #tpu.memory_space<vmem>>
      %dma_wait3A_197 = tpu.memref_squeeze %dma_wait3A_196 : memref<1x512xf32, #tpu.memory_space<vmem>> -> memref<512xf32, #tpu.memory_space<vmem>>
      %dma_wait3A_198 = tpu.memref_slice %arg17[%add3A_166] : memref<65536xf32, #tpu.memory_space<vmem_shared>> -> memref<512xf32, #tpu.memory_space<vmem_shared>>
      %dma_wait3A_199 = arith.constant 0 : i32
      %dma_wait3A_200 = tpu.memref_slice %arg15[%run_scoped3A_167, %dma_wait3A_199] : memref<8x512xf32, #tpu.memory_space<vmem>> -> memref<1x512xf32, #tpu.memory_space<vmem>>
      %dma_wait3A_201 = tpu.memref_squeeze %dma_wait3A_200 : memref<1x512xf32, #tpu.memory_space<vmem>> -> memref<512xf32, #tpu.memory_space<vmem>>
      %dma_wait3A_202 = tpu.memref_slice %arg17[%add3A_166] : memref<65536xf32, #tpu.memory_space<vmem_shared>> -> memref<512xf32, #tpu.memory_space<vmem_shared>>
      tpu.wait_dma2 semaphore(%run_scoped3A_188 : memref<!tpu.dma_semaphore, #tpu.memory_space<semaphore_mem>>) src(%dma_wait3A_202 : memref<512xf32, #tpu.memory_space<vmem_shared>>) dst(%dma_wait3A_201 : memref<512xf32, #tpu.memory_space<vmem>>)
      tpu.yield
    }) : () -> ()
    %mul3A_168 = arith.constant 8 : i32
    %mul3A_169 = arith.muli %select_n3A_40, %mul3A_168 : i32
    %add3A_170 = arith.constant 7 : i32
    %add3A_171 = arith.addi %mul3A_169, %add3A_170 : i32
    %mul3A_172 = arith.constant 4096 : i32
    %mul3A_173 = arith.muli %add3A_171, %mul3A_172 : i32
    %add3A_174 = arith.addi %mul3A_173, %mul3A_112 : i32
    %run_scoped3A_175 = arith.constant 7 : i32
    "tpu.region"() ({
      %run_scoped3A_188 = tpu.sem_alloc : memref<!tpu.dma_semaphore, #tpu.memory_space<semaphore_mem>>
      %dma_start3A = arith.constant 0 : i32
      %dma_start3A_189 = tpu.memref_slice %arg15[%run_scoped3A_175, %dma_start3A] : memref<8x512xf32, #tpu.memory_space<vmem>> -> memref<1x512xf32, #tpu.memory_space<vmem>>
      %dma_start3A_190 = tpu.memref_squeeze %dma_start3A_189 : memref<1x512xf32, #tpu.memory_space<vmem>> -> memref<512xf32, #tpu.memory_space<vmem>>
      %dma_start3A_191 = tpu.memref_slice %arg17[%add3A_174] : memref<65536xf32, #tpu.memory_space<vmem_shared>> -> memref<512xf32, #tpu.memory_space<vmem_shared>>
      %dma_start3A_192 = arith.constant 0 : i32
      %dma_start3A_193 = tpu.memref_slice %arg15[%run_scoped3A_175, %dma_start3A_192] : memref<8x512xf32, #tpu.memory_space<vmem>> -> memref<1x512xf32, #tpu.memory_space<vmem>>
      %dma_start3A_194 = tpu.memref_squeeze %dma_start3A_193 : memref<1x512xf32, #tpu.memory_space<vmem>> -> memref<512xf32, #tpu.memory_space<vmem>>
      %dma_start3A_195 = tpu.memref_slice %arg17[%add3A_174] : memref<65536xf32, #tpu.memory_space<vmem_shared>> -> memref<512xf32, #tpu.memory_space<vmem_shared>>
      tpu.enqueue_dma source(%dma_start3A_195 : memref<512xf32, #tpu.memory_space<vmem_shared>>) target(%dma_start3A_194 : memref<512xf32, #tpu.memory_space<vmem>>) target_semaphore(%run_scoped3A_188 : memref<!tpu.dma_semaphore, #tpu.memory_space<semaphore_mem>>)
      %dma_wait3A = arith.constant 0 : i32
      %dma_wait3A_196 = tpu.memref_slice %arg15[%run_scoped3A_175, %dma_wait3A] : memref<8x512xf32, #tpu.memory_space<vmem>> -> memref<1x512xf32, #tpu.memory_space<vmem>>
      %dma_wait3A_197 = tpu.memref_squeeze %dma_wait3A_196 : memref<1x512xf32, #tpu.memory_space<vmem>> -> memref<512xf32, #tpu.memory_space<vmem>>
      %dma_wait3A_198 = tpu.memref_slice %arg17[%add3A_174] : memref<65536xf32, #tpu.memory_space<vmem_shared>> -> memref<512xf32, #tpu.memory_space<vmem_shared>>
      %dma_wait3A_199 = arith.constant 0 : i32
      %dma_wait3A_200 = tpu.memref_slice %arg15[%run_scoped3A_175, %dma_wait3A_199] : memref<8x512xf32, #tpu.memory_space<vmem>> -> memref<1x512xf32, #tpu.memory_space<vmem>>
      %dma_wait3A_201 = tpu.memref_squeeze %dma_wait3A_200 : memref<1x512xf32, #tpu.memory_space<vmem>> -> memref<512xf32, #tpu.memory_space<vmem>>
      %dma_wait3A_202 = tpu.memref_slice %arg17[%add3A_174] : memref<65536xf32, #tpu.memory_space<vmem_shared>> -> memref<512xf32, #tpu.memory_space<vmem_shared>>
      tpu.wait_dma2 semaphore(%run_scoped3A_188 : memref<!tpu.dma_semaphore, #tpu.memory_space<semaphore_mem>>) src(%dma_wait3A_202 : memref<512xf32, #tpu.memory_space<vmem_shared>>) dst(%dma_wait3A_201 : memref<512xf32, #tpu.memory_space<vmem>>)
      tpu.yield
    }) : () -> ()
    %broadcast_in_dim3A_176 = arith.constant 0.000000e+00 : f32
    %broadcast_in_dim3A_177 = vector.broadcast %broadcast_in_dim3A_176 : f32 to vector<16xf32>
    %scan3A_178 = arith.constant 0 : i32
    %scan3A_179 = arith.constant 32 : i32
    %scan3A_180 = arith.addi %scan3A_178, %scan3A_179 : i32
    %scan3A_181 = arith.constant 1 : i32
    %scan3A_182 = scf.for %scan3A_188 = %scan3A_178 to %scan3A_180 step %scan3A_181 iter_args(%scan3A_189 = %broadcast_in_dim3A_177) -> (vector<16xf32>)  : i32 {
      %mul3A_190 = arith.constant 16 : i32
      %mul3A_191 = arith.muli %scan3A_188, %mul3A_190 : i32
      %get3A = arith.constant 0 : i32
      %get3A_192 = arith.index_cast %get3A : i32 to index
      %get3A_193 = arith.index_cast %mul3A_191 : i32 to index
      %get3A_194 = tpu.vector_load %arg15[%get3A_192, %get3A_193] {strides = array<i32>} : memref<8x512xf32, #tpu.memory_space<vmem>>, vector<16xf32>,
      %get3A_195 = arith.constant 1 : i32
      %get3A_196 = arith.index_cast %get3A_195 : i32 to index
      %get3A_197 = arith.index_cast %mul3A_191 : i32 to index
      %get3A_198 = tpu.vector_load %arg15[%get3A_196, %get3A_197] {strides = array<i32>} : memref<8x512xf32, #tpu.memory_space<vmem>>, vector<16xf32>,
      %min3A = arith.minimumf %get3A_194, %get3A_198 : vector<16xf32>
      %get3A_199 = arith.constant 2 : i32
      %get3A_200 = arith.index_cast %get3A_199 : i32 to index
      %get3A_201 = arith.index_cast %mul3A_191 : i32 to index
      %get3A_202 = tpu.vector_load %arg15[%get3A_200, %get3A_201] {strides = array<i32>} : memref<8x512xf32, #tpu.memory_space<vmem>>, vector<16xf32>,
      %min3A_203 = arith.minimumf %min3A, %get3A_202 : vector<16xf32>
      %get3A_204 = arith.constant 3 : i32
      %get3A_205 = arith.index_cast %get3A_204 : i32 to index
      %get3A_206 = arith.index_cast %mul3A_191 : i32 to index
      %get3A_207 = tpu.vector_load %arg15[%get3A_205, %get3A_206] {strides = array<i32>} : memref<8x512xf32, #tpu.memory_space<vmem>>, vector<16xf32>,
      %min3A_208 = arith.minimumf %min3A_203, %get3A_207 : vector<16xf32>
      %get3A_209 = arith.constant 4 : i32
      %get3A_210 = arith.index_cast %get3A_209 : i32 to index
      %get3A_211 = arith.index_cast %mul3A_191 : i32 to index
      %get3A_212 = tpu.vector_load %arg15[%get3A_210, %get3A_211] {strides = array<i32>} : memref<8x512xf32, #tpu.memory_space<vmem>>, vector<16xf32>,
      %min3A_213 = arith.minimumf %min3A_208, %get3A_212 : vector<16xf32>
      %get3A_214 = arith.constant 5 : i32
      %get3A_215 = arith.index_cast %get3A_214 : i32 to index
      %get3A_216 = arith.index_cast %mul3A_191 : i32 to index
      %get3A_217 = tpu.vector_load %arg15[%get3A_215, %get3A_216] {strides = array<i32>} : memref<8x512xf32, #tpu.memory_space<vmem>>, vector<16xf32>,
      %min3A_218 = arith.minimumf %min3A_213, %get3A_217 : vector<16xf32>
      %get3A_219 = arith.constant 6 : i32
      %get3A_220 = arith.index_cast %get3A_219 : i32 to index
      %get3A_221 = arith.index_cast %mul3A_191 : i32 to index
      %get3A_222 = tpu.vector_load %arg15[%get3A_220, %get3A_221] {strides = array<i32>} : memref<8x512xf32, #tpu.memory_space<vmem>>, vector<16xf32>,
      %min3A_223 = arith.minimumf %min3A_218, %get3A_222 : vector<16xf32>
      %get3A_224 = arith.constant 7 : i32
      %get3A_225 = arith.index_cast %get3A_224 : i32 to index
      %get3A_226 = arith.index_cast %mul3A_191 : i32 to index
      %get3A_227 = tpu.vector_load %arg15[%get3A_225, %get3A_226] {strides = array<i32>} : memref<8x512xf32, #tpu.memory_space<vmem>>, vector<16xf32>,
      %min3A_228 = arith.minimumf %min3A_223, %get3A_227 : vector<16xf32>
      %add3A_229 = arith.addf %min3A_228, %min3A_228 : vector<16xf32>
      %max3A = arith.constant 0.000000e+00 : f32
      %max3A_230 = vector.broadcast %max3A : f32 to vector<16xf32>
      %max3A_231 = arith.maximumf %add3A_229, %max3A_230 : vector<16xf32>
      %add3A_232 = arith.addf %scan3A_189, %max3A_231 : vector<16xf32>
      scf.yield %add3A_232 : vector<16xf32>
    }
    %scan3A_183 = arith.constant 32 : i32
    %swap3A_184 = arith.constant 0 : index
    %swap3A_185 = tpu.vector_load %arg16[%swap3A_184] {strides = array<i32>} : memref<16xf32, #tpu.memory_space<vmem>>, vector<16xf32>,
    tpu.vector_store %arg16[%swap3A_184], %scan3A_182 {strides = array<i32>} : memref<16xf32, #tpu.memory_space<vmem>>, vector<16xf32>,
    %mul3A_186 = arith.constant 16 : i32
    %mul3A_187 = arith.muli %add3A_57, %mul3A_186 : i32
    "tpu.region"() ({
      %run_scoped3A_188 = tpu.sem_alloc : memref<!tpu.dma_semaphore, #tpu.memory_space<semaphore_mem>>
      %dma_start3A = tpu.memref_slice %arg5[%mul3A_187] : memref<512xf32, #tpu.memory_space<hbm>> -> memref<16xf32, #tpu.memory_space<hbm>>
      %dma_start3A_189 = tpu.memref_slice %arg5[%mul3A_187] : memref<512xf32, #tpu.memory_space<hbm>> -> memref<16xf32, #tpu.memory_space<hbm>>
      tpu.enqueue_dma source(%arg16 : memref<16xf32, #tpu.memory_space<vmem>>) target(%dma_start3A_189 : memref<16xf32, #tpu.memory_space<hbm>>) target_semaphore(%run_scoped3A_188 : memref<!tpu.dma_semaphore, #tpu.memory_space<semaphore_mem>>)
      %dma_wait3A = tpu.memref_slice %arg5[%mul3A_187] : memref<512xf32, #tpu.memory_space<hbm>> -> memref<16xf32, #tpu.memory_space<hbm>>
      %dma_wait3A_190 = tpu.memref_slice %arg5[%mul3A_187] : memref<512xf32, #tpu.memory_space<hbm>> -> memref<16xf32, #tpu.memory_space<hbm>>
      tpu.wait_dma2 semaphore(%run_scoped3A_188 : memref<!tpu.dma_semaphore, #tpu.memory_space<semaphore_mem>>) src(%arg16 : memref<16xf32, #tpu.memory_space<vmem>>) dst(%dma_wait3A_190 : memref<16xf32, #tpu.memory_space<hbm>>)
      tpu.yield
    }) : () -> ()
    return
  }
}

</mosaic_0001>

<sc_bundles>
// kernel: _chamfer_sc.3.cloned.1.call-start
scs
__scs_entry_jumppad:
0x0: {  	(pc) =	sbr.rel $0x88, $3  }
0x1: {  	(tag) =	ssettag $0x0;
	lr =	simm.s32 $0x1  }
0x2: {  	[smem:$0x3F9F] =	sst lr;
	_ =	strace $0xD0000000  }
0x3: {  	_ = 	snop  }
0x4: {  	_ = 	snop  }
0x5: {  	_ = 	snop  }
0x6: {  	_ = 	snop  }
0x7: {  	_ = 	snop  }
__scs_overlays_trampoline_lowered:
0x8: {  	[smem:$0x3FAE] =	sst s0  }
0x9: {  	[smem:$0x3FAF] =	sst s1  }
0xa: {  	[smem:$0x3FB0] =	sst s2  }
0xb: {  	[smem:$0x3FB1] =	sst s3  }
0xc: {  	[smem:$0x3FB2] =	sst s4  }
0xd: {  	[smem:$0x3FB3] =	sst s5  }
0xe: {  	[smem:$0x3FB4] =	sst s6  }
0xf: {  	[smem:$0x3FB5] =	sst s7  }
0x10: {  	[smem:$0x3FB6] =	sst s8  }
0x11: {  	[smem:$0x3FB7] =	sst s9;
	s0 =	simm.s32 @!p0 $0x0  }
0x12: {  	s1 =	sld [smem:$0x3F9D];
	s0 =	simm.s32 @p0 $0x1  }
0x13: {  	[smem:$0x3FB8] =	sst s0;
	s0 =	simm.s32 @!p1 $0x0  }
0x14: {  	s2 =	sld [smem:$0x3F9C];
	s0 =	simm.s32 @p1 $0x1  }
0x15: {  	[smem:$0x3FB9] =	sst s0;
	s0 =	simm.s32 @!p2 $0x0  }
0x16: {  	s3 =	sld [smem:$0x3FDB];
	s0 =	simm.s32 @p2 $0x1  }
0x17: {  	s4 =	simm.s32 $0x1BF5;
	[smem:$0x3FBB] =	sst s0  }
0x18: {  	s0 =	sld [smem:$0x3F9E];
	_ =	swait.ge [sflag:s4], $0x0  }
0x19: {  	s7 =	sld [smem:$0x3F9F]  }
0x1a: {  	s8 =	sadd.s32 $0xFFFFE003, lr  }
0x1b: {  	s9 =	sadd.s32 $0xFFFFFEF7, lr;
	s5 =	simm.s32 $0xFFFFFFFF;
	p2 =	slt.u32 s8, $0xFFFFF086  }
0x1c: {  	p1 =	slt.u32 s9, $0xF7A;
	s5 =	simm.s32 @!p2 $0x0  }
0x1d: {  	s5 =	simm.s32 @p1 $0x1;
	p0 =	seq.s32 s7, s2  }
0x1e: {  	s7 =	smul.u32 @!p0 $0xF7A, s2;
	p2 =	seq.s32 @!p0 s5, $0x0  }
0x1f: {  	s9 =	smul.u32 $0xF7A, s1;
	s8 =	simm.s32 @!p0 $0x1BF5;
	p2 =	por !p2, p0  }
0x20: {  	[sflag:s8] =	ssyncset.s32 @!p0 $0xFFFFF086;
	s6 =	sadd.s32 @!p0 s3, s7;
	s7 =	simm.s32 @!p0 $0x108  }
0x21: {  	s3 =	sadd.s32 s3, s9;
	s6 =	sadd.s32 @!p0 $0x88, s6;
	s7 =	simm.s32 @p2 $0x1082  }
0x22: {  	[simem:s7], [sflag:s8] =	dma.local @!p0 [hbm:s6], $0xF7A  }
0x23: {  	s9 =	sor.u32 $0xD0000000, s2;
	s6 =	simm.s32 $0x108;
	_ =	swait.ge @!p0 [sflag:s8], $0x0  }
0x24: {  	s3 =	sadd.s32 $0x88, s3;
	s6 =	simm.s32 @!p1 $0x1082;
	[sflag:s4] =	ssyncset.s32 $0xFFFFF086  }
0x25: {  	[simem:s6], [sflag:s4] =	dma.local [hbm:s3], $0xF7A  }
0x26: {  	[smem:$0x3F9F] =	sst s1;
	(tag) =	ssettag s2;
	_ =	strace s9  }
0x27: {  	s1 =	sld [smem:$0x3FAF]  }
0x28: {  	s2 =	sld [smem:$0x3FB0]  }
0x29: {  	s4 =	sld [smem:$0x3FB2]  }
0x2a: {  	p0 =	seq.s32 s5, $0x0;
	s5 =	sld [smem:$0x3FB3]  }
0x2b: {  	s6 =	sld [smem:$0x3FB4]  }
0x2c: {  	s7 =	sld [smem:$0x3FB5]  }
0x2d: {  	s3 =	simm.s32 $0x108;
	s8 =	sld [smem:$0x3FB6]  }
0x2e: {  	s3 =	simm.s32 @!p0 $0x1082;
	s9 =	sld [smem:$0x3FB7]  }
0x2f: {  	lr =	sadd.s32 s0, s3;
	s0 =	sld [smem:$0x3FAE]  }
0x30: {  	s3 =	sld [smem:$0x3FB1]  }
0x31: {  	[smem:$0x3FBA] =	sst s10  }
0x32: {  	s10 =	sld [smem:$0x3FB8];
	_ =	sdelay $0x3  }
0x33: {  	p0 =	seq.s32 s10, $0x1;
	s10 =	sld [smem:$0x3FBA];
	_ =	sdelay $0x3  }
0x34: {  	[smem:$0x3FBA] =	sst s10  }
0x35: {  	s10 =	sld [smem:$0x3FB9];
	_ =	sdelay $0x3  }
0x36: {  	p1 =	seq.s32 s10, $0x1;
	s10 =	sld [smem:$0x3FBA];
	_ =	sdelay $0x3  }
0x37: {  	[smem:$0x3FBA] =	sst s10  }
0x38: {  	s10 =	sld [smem:$0x3FBB]  }
0x39: {  	_ = 	snop;
	(pc) =	sbr.ind lr, $3  }
0x3a: {  	_ = 	snop  }
0x3b: {  	_ = 	snop  }
0x3c: {  	p2 =	seq.s32 s10, $0x1;
	s10 =	sld [smem:$0x3FBA]  }
0x3d: {  	_ =	shalt  }
0x3e: {  	_ =	shalt  }
0x3f: {  	_ =	shalt  }
0x40: {  	_ =	shalt  }
0x41: {  	_ =	shalt  }
0x42: {  	_ =	shalt  }
0x43: {  	_ =	shalt  }
0x44: {  	_ =	shalt  }
0x45: {  	_ =	shalt  }
0x46: {  	_ =	shalt  }
0x47: {  	_ =	shalt  }
0x48: {  	_ =	shalt  }
0x49: {  	_ =	shalt  }
0x4a: {  	_ =	shalt  }
0x4b: {  	_ =	shalt  }
0x4c: {  	_ =	shalt  }
0x4d: {  	_ =	shalt  }
0x4e: {  	_ =	shalt  }
0x4f: {  	_ =	shalt  }
0x50: {  	_ =	shalt  }
0x51: {  	_ =	shalt  }
0x52: {  	_ =	shalt  }
0x53: {  	_ =	shalt  }
0x54: {  	_ =	shalt  }
0x55: {  	_ =	shalt  }
0x56: {  	_ =	shalt  }
0x57: {  	_ =	shalt  }
0x58: {  	_ =	shalt  }
0x59: {  	_ =	shalt  }
0x5a: {  	_ =	shalt  }
0x5b: {  	_ =	shalt  }
0x5c: {  	_ =	shalt  }
0x5d: {  	_ =	shalt  }
0x5e: {  	_ =	shalt  }
0x5f: {  	_ =	shalt  }
0x60: {  	_ =	shalt  }
0x61: {  	_ =	shalt  }
0x62: {  	_ =	shalt  }
0x63: {  	_ =	shalt  }
0x64: {  	_ =	shalt  }
0x65: {  	_ =	shalt  }
0x66: {  	_ =	shalt  }
0x67: {  	_ =	shalt  }
0x68: {  	_ =	shalt  }
0x69: {  	_ =	shalt  }
0x6a: {  	_ =	shalt  }
0x6b: {  	_ =	shalt  }
0x6c: {  	_ =	shalt  }
0x6d: {  	_ =	shalt  }
0x6e: {  	_ =	shalt  }
0x6f: {  	_ =	shalt  }
0x70: {  	_ =	shalt  }
0x71: {  	_ =	shalt  }
0x72: {  	_ =	shalt  }
0x73: {  	_ =	shalt  }
0x74: {  	_ =	shalt  }
0x75: {  	_ =	shalt  }
0x76: {  	_ =	shalt  }
0x77: {  	_ =	shalt  }
0x78: {  	_ =	shalt  }
0x79: {  	_ =	shalt  }
0x7a: {  	_ =	shalt  }
0x7b: {  	_ =	shalt  }
0x7c: {  	_ =	shalt  }
0x7d: {  	_ =	shalt  }
0x7e: {  	_ =	shalt  }
0x7f: {  	_ =	shalt  }
0x80: {  	_ =	shalt  }
0x81: {  	_ =	shalt  }
0x82: {  	_ =	shalt  }
0x83: {  	_ =	shalt  }
0x84: {  	_ =	shalt  }
0x85: {  	_ =	shalt  }
0x86: {  	_ =	shalt  }
0x87: {  	_ =	shalt  }
.Lfunc_end0:
.L_simem_size_0:
called_computation_lowered:
.L_overlay_start_0:
0x88: {  	s2 =	sld [smem:$0x3FD9]  }
0x89: {  	s3 =	sld [smem:$0x3FFE];
	_ =	sdelay $0x1  }
0x8a: {  	s1 =	srdreg.scid  }
0x8b: {  	s0 =	sand.u32 $0x1, s1  }
0x8c: {  	s15 =	sshll.u32 s0, $0xA;
	s2 =	sadd.s32 s3, s2  }
0x8d: {  	s2 =	sadd.s32 s2, s15  }
0x8e: {  	[smem:$0x3FC6] =	sst s2  }
0x8f: {  	_ = 	snop  }
0x90: {  	s2 =	sld [smem:$0x3FD0];
	_ =	sdelay $0x1  }
0x91: {  	s16 =	sld [smem:$0x3FC9]  }
0x92: {  	s5 =	simm.s32 $0xA;
	s6 =	simm.s32 $0x10;
	s4 =	sld [smem:$0x3FC8]  }
0x93: {  	[smem:s6], [sflag:s5] =	dma.local [hbm:s2], $0x1  }
0x94: {  	_ =	swait.eq [sflag:s5], $0x1  }
0x95: {  	[sflag:s5] =	ssyncset.done $0x0  }
0x96: {  	s17 =	sld [smem:$0x10];
	[sflag:s5] =	ssyncadd.s32 $0xFFFFFFFF  }
0x97: {  	s18 =	sld [smem:$0x11];
	(tm) =	ssettm $0x1  }
0x98: {  	s19 =	sld [smem:$0x3FFB];
	_ =	sdelay $0x3  }
0x99: {  	_ =	strace s19  }
0x9a: {  	s6 =	sld [smem:$0x3FFC];
	_ =	sdelay $0x3  }
0x9b: {  	_ =	strace s6  }
0x9c: {  	s6 =	sld [smem:$0x3FFD];
	_ =	sdelay $0x3  }
0x9d: {  	_ =	strace s6  }
0x9e: {  	_ =	strace $0x8FFFFFFF  }
0x9f: {  	s20 =	sld [smem:$0x3FDB];
	_ =	sdelay $0x1  }
0xa0: {  	s7 =	simm.s32 $_scs_section_size  }
0xa1: {  	s8 =	simm.s32 $_size__tile_overlayer_lowered;
	s9 =	simm.s32 $_tile_overlayer_lowered  }
0xa2: {  	s23 =	simm.s32 $0x1BFF;
	s22 =	sshll.u32 s9, $0x1;
	s6 =	sadd.s32 s7, s20  }
0xa3: {  	s10 =	simm.s32 $0x0;
	s21 =	sshll.u32 s8, $0x1;
	s8 =	sadd.s32 s22, s6  }
0xa4: {  	[timem:s10], [sflag:s23] =	dma.local [hbm:s8], s21  }
0xa5: {  	_ =	swait.ge [sflag:s23], s21  }
0xa6: {  	s7 =	ssub.s32 $0x0, s21;
	[sflag:s23] =	ssyncset.done $0x0  }
0xa7: {  	[sflag:s23] =	ssyncadd.s32 s7;
	_ =	sdelay $0x1  }
0xa8: {  	s24 =	simm.s32 $0x1B8B  }
0xa9: {  	_ =	swait.ge [sflag:s24], $0x1  }
0xaa: {  	[sflag:s24] =	ssyncset.done $0x0  }
0xab: {  	s25 =	simm.s32 $0x1B8E;
	[sflag:s24] =	ssyncadd.s32 $0xFFFFFFFF  }
0xac: {  	s26 =	simm.s32 $execute0_lowered;
	[smem:$0x3FD2] =	sst s25  }
0xad: {  	s7 =	sshll.u32 s26, $0x1;
	_ =	strace $0x80000046;
	[dreg:$0x1] =	wrdreg $0xFFFFFFFF  }
0xae: {  	s28 =	simm.s32 $_size_execute0_lowered;
	s6 =	sadd.s32 s6, s7;
	[dreg:$0x0] =	wrdreg $0x0  }
0xaf: {  	s7 =	sshll.u32 s28, $0x1;
	[dreg:$0x2] =	wrdreg s6  }
0xb0: {  	[dreg:$0x3] =	wrdreg s7  }
0xb1: {  	[dreg:$0x4] =	wrdreg $0xC0  }
0xb2: {  	_ =	task [dreg:s10], $0x5FFFF  }
0xb3: {  	[dreg:$0x1] =	wrdreg $0xFFFFFFFF  }
0xb4: {  	[dreg:$0x0] =	wrdreg $0x60  }
0xb5: {  	[dreg:$0x2] =	wrdreg s16  }
0xb6: {  	[dreg:$0x3] =	wrdreg s4  }
0xb7: {  	[dreg:$0x4] =	wrdreg s17  }
0xb8: {  	[dreg:$0x5] =	wrdreg s18  }
0xb9: {  	[dreg:$0x6] =	wrdreg $0x68800  }
0xba: {  	[dreg:$0x7] =	wrdreg $0x9  }
0xbb: {  	_ =	task.clear_ibuf [dreg:s10], $0x8FFFF;
	_ =	strace $0x90000046  }
0xbc: {  	s29 =	simm.s32 $0x9;
	_ =	strace $0x80000048  }
0xbd: {  	_ =	swait.ge [sflag:s29], $0x1  }
0xbe: {  	[sflag:s29] =	ssyncadd.s32 $0xFFFFFFFF  }
0xbf: {  	_ =	strace $0x90000048  }
0xc0: {  	_ =	sfence  }
0xc1: {  	s30 =	sld [smem:$0x0];
	_ =	sdelay $0x2  }
0xc2: {  	s31 =	sshll.u32 s1, $0xD;
	s1 =	sshrl.u32 s1, $0x2  }
0xc3: {  	s3 =	sand.u32 $0x4000, s31;
	s1 =	sadd.s32 s1, s30  }
0xc4: {  	s0 =	sor.u32 s3, s0;
	s1 =	sshll.u32 s1, $0x11  }
0xc5: {  	s0 =	sor.u32 s1, s0  }
0xc6: {  	s0 =	sadd.s32 $0x8F2B, s0  }
0xc7: {  	[sflag:s0] =	ssyncadd.remote.s32 $0x1  }
0xc8: {  	_ =	sfence.sel $0xFFFF  }
0xc9: {  	[dreg:$0x0] =	wrdreg $0xFFFFFFFF;
	(pc) =	sbr.abs _section_cstart, $3  }
0xca: {  	[dreg:$0x1] =	wrdreg $0xFFFFFFFF  }
0xcb: {  	_ =	task.clear_ibuf [dreg:s10], $0x2FFFF;
	_ =	strace $0x9FFFFFFF  }
0xcc: {  	(tm) =	ssettm $0x7FFFFFFF  }
0xcd: {  	_ =	shalt  }
tec
execute0_lowered:
.L_overlay_start_1:
0x0: {  	(tag) =	ssettag $0x1  }
0x1: {  	s0 =	rddreg [dreg:$0x0]  }
0x2: {  	s1 =	rddreg [dreg:$0x1]  }
0x3: {  	s3 =	rddreg [dreg:$0x2]  }
0x4: {  	s2 =	srdreg.scid;
	s4 =	rddreg [dreg:$0x3]  }
0x5: {  	s16 =	stileid.u32;
	s6 =	rddreg [dreg:$0x4]  }
0x6: {  	s5 =	sand.u32 $0x1, s2;
	s8 =	sshrl.u32 s16, $0x3;
	s2 =	simm.s32 $0x0  }
0x7: {  	s11 =	sand.u32 $0x7, s16;
	s26 =	sshll.u32 s16, $0x1;
	s7 =	sshll.u32 s5, $0x1  }
0x8: {  	[smem:$0x7FF] =	sst s2;
	s9 =	ssub.s32 $0x2, s5;
	s7 =	sor.u32 s8, s7  }
0x9: {  	s18 =	sshll.u32 s11, $0x9;
	s5 =	sshll.u32 s5, $0x5;
	s7 =	smul.u32 $0x3000, s7  }
0xa: {  	_ =	strace $0x80000047;
	s10 =	sshrl.u32 s9, $0x1;
	s8 =	sshll.u32 s8, $0xF  }
0xb: {  	s9 =	ssub.s32 s9, s10;
	s12 =	sadd.s32 $0x1000, s7;
	s13 =	sshrl.u32 s7, $0x3  }
0xc: {  	s15 =	sadd.s32 $0x2000, s7;
	s21 =	sor.u32 s18, s7;
	s14 =	sshrl.u32 s12, $0x3  }
0xd: {  	s13 =	sadd.s32 s1, s13;
	s20 =	sshrl.u32 s15, $0x3;
	s22 =	sor.u32 s18, s12  }
0xe: {  	s23 =	sor.u32 s18, s15;
	s12 =	sadd.s32 s8, s6;
	[dreg:$0x6] =	wrdreg s13  }
0xf: {  	s19 =	sadd.s32 s1, s14;
	s1 =	sadd.s32 s1, s20;
	s7 =	sshrl.u32 s22, $0x3  }
0x10: {  	s25 =	sshrl.u32 s23, $0x3;
	s13 =	sshll.u32 s11, $0xC;
	[dreg:$0x7] =	wrdreg s19  }
0x11: {  	s10 =	sadd.s32 s18, s12;
	[dreg:$0x8] =	wrdreg s1;
	s24 =	sadd.s32 s0, s7  }
0x12: {  	s1 =	sshrl.u32 s21, $0x3;
	s14 =	sadd.s32 $0x1000, s10;
	[dreg:$0xa] =	wrdreg s24  }
0x13: {  	s7 =	sor.u32 s26, s5;
	s15 =	sadd.s32 $0x2000, s10;
	[dreg:$0xe] =	wrdreg s14  }
0x14: {  	s16 =	sadd.s32 $0x3000, s10;
	s17 =	sadd.s32 $0x4000, s10;
	[dreg:$0xf] =	wrdreg s15  }
0x15: {  	s18 =	sadd.s32 $0x5000, s10;
	s19 =	sadd.s32 $0x6000, s10;
	[dreg:$0x10] =	wrdreg s16  }
0x16: {  	s20 =	sadd.s32 $0x7000, s10;
	s21 =	smax.u32 s9, $0x1;
	[dreg:$0x11] =	wrdreg s17  }
0x17: {  	s22 =	sadd.s32 $0x80, s10;
	s23 =	sadd.s32 $0x100, s10;
	[dreg:$0x12] =	wrdreg s18  }
0x18: {  	s26 =	sadd.s32 $0x1100, s10;
	s28 =	sadd.s32 $0x2080, s10;
	[dreg:$0x13] =	wrdreg s19  }
0x19: {  	s29 =	sadd.s32 $0x2100, s10;
	s30 =	sadd.s32 $0x2180, s10;
	[dreg:$0x14] =	wrdreg s20  }
0x1a: {  	s31 =	sadd.s32 $0x3080, s10;
	s5 =	sadd.s32 $0x4180, s10;
	[dreg:$0x16] =	wrdreg s21  }
0x1b: {  	s6 =	sadd.s32 $0x5080, s10;
	s8 =	sadd.s32 $0x5180, s10;
	[dreg:$0x17] =	wrdreg s22  }
0x1c: {  	s9 =	sadd.s32 $0x6080, s10;
	s11 =	sadd.s32 $0x6100, s10;
	[dreg:$0x18] =	wrdreg s23  }
0x1d: {  	s1 =	sadd.s32 s0, s1;
	s0 =	sadd.s32 s0, s25;
	[dreg:$0x1b] =	wrdreg s26  }
0x1e: {  	s3 =	sadd.s32 s3, s7;
	s24 =	sadd.s32 $0x180, s10;
	[dreg:$0x9] =	wrdreg s1  }
0x1f: {  	s25 =	sadd.s32 $0x1080, s10;
	s26 =	sadd.s32 $0x1180, s10;
	[dreg:$0xb] =	wrdreg s0  }
0x20: {  	s14 =	sadd.s32 $0x7100, s10;
	s15 =	sadd.s32 $0x7180, s10;
	[dreg:$0xc] =	wrdreg s3  }
0x21: {  	s16 =	simm.s32 $0x1;
	s17 =	simm.s32 $0x0;
	[dreg:$0x19] =	wrdreg s24  }
0x22: {  	s1 =	sadd.s32 s13, s12;
	s0 =	sadd.s32 s4, s7;
	[dreg:$0x1a] =	wrdreg s25  }
0x23: {  	s3 =	sadd.s32 $0x4080, s10;
	s4 =	sadd.s32 $0x4100, s10;
	s7 =	sadd.s32 $0x5100, s10  }
0x24: {  	s12 =	sadd.s32 $0x6180, s10;
	s13 =	sadd.s32 $0x7080, s10;
	[dreg:$0xd] =	wrdreg s1  }
0x25: {  	v8 =	vimm.f32 $+Inf;
	vm0 =	vcmask $0x300;
	[dreg:$0x15] =	wrdreg s0;
	s1 =	sadd.s32 $0x3100, s10;
	s0 =	sadd.s32 $0x3180, s10  }
.LBB2_1:
0x26: {  	s18 =	rddreg [dreg:$0x6];
	s19 =	simm.s32 $0x800  }
0x27: {  	[tilespmem:s19], [sflag:$0x1] =	stream.linear.gather [hbm4b:s18+s2], $0x1000, $0x38;
	[tilespmem:$0x7880] =	vst v63  }
0x28: {  	_ =	swait.ge [sflag:s16], $0x1000  }
0x29: {  	[sflag:s16] =	ssyncset.done $0x0  }
0x2a: {  	s25 =	simm.s32 $0x1800;
	s24 =	rddreg [dreg:$0x7];
	[sflag:s16] =	ssyncadd.s32 $0xFFFFF000  }
0x2b: {  	[tilespmem:s25], [sflag:$0x1] =	stream.linear.gather [hbm4b:s24+s2], $0x1000, $0x38;
	[tilespmem:$0x7880] =	vst v63  }
0x2c: {  	_ =	swait.ge [sflag:s16], $0x1000  }
0x2d: {  	[sflag:s16] =	ssyncset.done $0x0  }
0x2e: {  	s20 =	simm.s32 $0x2800;
	s19 =	rddreg [dreg:$0x8];
	[sflag:s16] =	ssyncadd.s32 $0xFFFFF000  }
0x2f: {  	[tilespmem:s20], [sflag:$0x1] =	stream.linear.gather [hbm4b:s19+s2], $0x1000, $0x38;
	[tilespmem:$0x7880] =	vst v63  }
0x30: {  	_ =	swait.ge [sflag:s16], $0x1000  }
0x31: {  	[sflag:s16] =	ssyncset.done $0x0  }
0x32: {  	s21 =	rddreg [dreg:$0x9];
	[sflag:s16] =	ssyncadd.s32 $0xFFFFF000  }
0x33: {  	[tilespmem:s2], [sflag:$0x1] =	stream.linear.gather [hbm4b:s21+s2], $0x200, $0x38;
	[tilespmem:$0x7880] =	vst v63  }
0x34: {  	_ =	swait.ge [sflag:s16], $0x200  }
0x35: {  	[sflag:s16] =	ssyncset.done $0x0  }
0x36: {  	s23 =	simm.s32 $0x200;
	s22 =	rddreg [dreg:$0xa];
	[sflag:s16] =	ssyncadd.s32 $0xFFFFFE00  }
0x37: {  	[tilespmem:s23], [sflag:$0x1] =	stream.linear.gather [hbm4b:s22+s2], $0x200, $0x38;
	[tilespmem:$0x7880] =	vst v63  }
0x38: {  	_ =	swait.ge [sflag:s16], $0x200  }
0x39: {  	[sflag:s16] =	ssyncset.done $0x0  }
0x3a: {  	s25 =	simm.s32 $0x400;
	s24 =	rddreg [dreg:$0xb];
	[sflag:s16] =	ssyncadd.s32 $0xFFFFFE00  }
0x3b: {  	[tilespmem:s25], [sflag:$0x1] =	stream.linear.gather [hbm4b:s24+s2], $0x200, $0x38;
	[tilespmem:$0x7880] =	vst v63  }
0x3c: {  	_ =	swait.ge [sflag:s16], $0x200  }
0x3d: {  	[sflag:s16] =	ssyncset.done $0x0  }
0x3e: {  	s18 =	simm.s32 $0x0;
	[sflag:s16] =	ssyncadd.s32 $0xFFFFFE00  }
0x3f: {  	v3 =	vld [tilespmem:s18+$0x800]  }
0x40: {  	v4 =	vld [tilespmem:s18+$0x1800]  }
0x41: {  	v0 =	vld [tilespmem:s18+$0x2800];
	_ =	sdelay $0x2  }
0x42: {  	v1 =	vmul.f32 v3, v3;
	v5 =	vshrl.u32 v3, $0x10  }
0x43: {  	v2 =	vmul.f32 v4, v4;
	v6 =	vshrl.u32 v4, $0x10;
	v5 =	vand.u32 $0x1, v5  }
0x44: {  	v3 =	vadd.s32 v5, v3;
	v5 =	vand.u32 $0x1, v6;
	v6 =	vshrl.u32 v0, $0x10  }
0x45: {  	v3 =	vadd.s32 $0x7FFF, v3;
	v5 =	vadd.s32 v5, v4;
	v6 =	vand.u32 $0x1, v6  }
0x46: {  	s20 =	simm.s32 $0x40;
	s19 =	simm.s32 $0x80;
	[tilespmem:s18+$0x4800] =	vst v8;
	v4 =	vand.u32 $0xFFFF0000, v3;
	v5 =	vadd.s32 $0x7FFF, v5;
	v3 =	vadd.s32 v6, v0  }
.LBB2_2:
0x47: {  	p0 =	sne.s32 s19, $0x3FC0;
	s21 =	sshra.s32 s20, $0x2;
	v1 =	vadd.f32 v2, v1;
	[tilespmem:s18+$0x800] =	vst v4;
	v2 =	vand.u32 $0xFFFF0000, v5;
	v3 =	vadd.s32 $0x7FFF, v3;
	s20 =	smov.u32 s19  }
0x48: {  	v5 =	vmul.f32 v0, v0;
	v4 =	vld [tilespmem:s21+$0x800];
	[tilespmem:s18+$0x1800] =	vst v2;
	v0 =	vand.u32 $0xFFFF0000, v3  }
0x49: {  	v3 =	vld [tilespmem:s21+$0x1800];
	[tilespmem:s18+$0x2800] =	vst v0  }
0x4a: {  	v1 =	vadd.f32 v5, v1;
	v0 =	vld [tilespmem:s21+$0x2800];
	[tilespmem:s21+$0x4800] =	vst v8;
	_ =	sdelay $0x1  }
0x4b: {  	v5 =	vmul.f32 $5.000000000e-01, v1  }
.Ltmp0:
0x4c: {  	v1 =	vmul.f32 v4, v4;
	v6 =	vshrl.u32 v4, $0x10;
	(pc) =	sbr.rel @p0 .LBB2_2-.Ltmp0, $4  }
0x4d: {  	v2 =	vmul.f32 v3, v3;
	v6 =	vand.u32 $0x1, v6;
	v7 =	vshrl.u32 v3, $0x10;
	[tilespmem:s18+$0x3800] =	vst v5;
	s18 =	smov.u32 s21  }
0x4e: {  	v4 =	vadd.s32 v6, v4;
	v5 =	vand.u32 $0x1, v7;
	v6 =	vshrl.u32 v0, $0x10  }
0x4f: {  	v4 =	vadd.s32 $0x7FFF, v4;
	v3 =	vadd.s32 v5, v3;
	v6 =	vand.u32 $0x1, v6  }
0x50: {  	s19 =	sadd.s32 $0x40, s19;
	v4 =	vand.u32 $0xFFFF0000, v4;
	v5 =	vadd.s32 $0x7FFF, v3;
	v3 =	vadd.s32 v6, v0  }
0x51: {  	s19 =	sshra.s32 s20, $0x2;
	[tilespmem:s18+$0x800] =	vst v4;
	v4 =	vand.u32 $0xFFFF0000, v5;
	v3 =	vadd.s32 $0x7FFF, v3  }
0x52: {  	v5 =	vld [tilespmem:s19+$0x800];
	[tilespmem:s18+$0x1800] =	vst v4;
	v3 =	vand.u32 $0xFFFF0000, v3  }
0x53: {  	v1 =	vadd.f32 v2, v1;
	v0 =	vmul.f32 v0, v0;
	v4 =	vld [tilespmem:s19+$0x1800];
	[tilespmem:s18+$0x2800] =	vst v3  }
0x54: {  	v2 =	vld [tilespmem:s19+$0x2800]  }
0x55: {  	v0 =	vadd.f32 v0, v1;
	_ =	sdelay $0x1  }
0x56: {  	v0 =	vmul.f32 $5.000000000e-01, v0;
	v1 =	vmul.f32 v5, v5;
	v3 =	vshrl.u32 v5, $0x10  }
0x57: {  	v6 =	vmul.f32 v4, v4;
	v3 =	vand.u32 $0x1, v3;
	v7 =	vshrl.u32 v4, $0x10  }
0x58: {  	v3 =	vadd.s32 v3, v5;
	v5 =	vand.u32 $0x1, v7;
	v61 =	vshrl.u32 v2, $0x10  }
0x59: {  	v62 =	vmul.f32 v2, v2;
	v3 =	vadd.s32 $0x7FFF, v3;
	v1 =	vadd.f32 v6, v1  }
0x5a: {  	[tilespmem:s19+$0x4800] =	vst v8;
	v4 =	vadd.s32 v5, v4;
	v5 =	vand.u32 $0x1, v61;
	v3 =	vand.u32 $0xFFFF0000, v3  }
0x5b: {  	[tilespmem:s18+$0x3800] =	vst v0;
	v0 =	vadd.s32 $0x7FFF, v4;
	v2 =	vadd.s32 v5, v2;
	v1 =	vadd.f32 v62, v1  }
0x5c: {  	[tilespmem:s19+$0x800] =	vst v3;
	v0 =	vand.u32 $0xFFFF0000, v0;
	v2 =	vadd.s32 $0x7FFF, v2  }
0x5d: {  	[tilespmem:s19+$0x1800] =	vst v0;
	v0 =	vand.u32 $0xFFFF0000, v2;
	v1 =	vmul.f32 $5.000000000e-01, v1  }
0x5e: {  	[tilespmem:s19+$0x2800] =	vst v0  }
0x5f: {  	[tilespmem:s19+$0x3800] =	vst v1;
	s19 =	simm.s32 $0x0  }
0x60: {  	v0 =	vld [tilespmem:s19+$0x0]  }
0x61: {  	v1 =	vld [tilespmem:s19+$0x200]  }
0x62: {  	v2 =	vld [tilespmem:s19+$0x400];
	_ =	sdelay $0x2  }
0x63: {  	v3 =	vshrl.u32 v0, $0x10  }
0x64: {  	v3 =	vand.u32 $0x1, v3  }
0x65: {  	v4 =	vshrl.u32 v1, $0x10;
	v5 =	vshrl.u32 v2, $0x10;
	v3 =	vadd.s32 v3, v0  }
0x66: {  	v63 =	vmul.f32 v0, v0;
	v4 =	vand.u32 $0x1, v4;
	v3 =	vadd.s32 $0x7FFF, v3  }
0x67: {  	v5 =	vand.u32 $0x1, v5;
	v4 =	vadd.s32 v4, v1;
	v3 =	vand.u32 $0xFFFF0000, v3  }
0x68: {  	v0 =	vadd.s32 v5, v2;
	v4 =	vadd.s32 $0x7FFF, v4;
	v3 =	vsub.f32 $0.0e+00, v3  }
0x69: {  	v1 =	vmul.f32 v1, v1;
	v0 =	vadd.s32 $0x7FFF, v0;
	v4 =	vand.u32 $0xFFFF0000, v4  }
0x6a: {  	v4 =	vsub.f32 $0.0e+00, v4;
	[tilespmem:s19+$0x0] =	vst v3;
	v3 =	vand.u32 $0xFFFF0000, v0  }
0x6b: {  	s20 =	simm.s32 $0x10;
	v2 =	vmul.f32 v2, v2;
	v1 =	vadd.f32 v1, v63;
	v3 =	vsub.f32 $0.0e+00, v3  }
0x6c: {  	s21 =	simm.s32 $0x80;
	s18 =	simm.s32 $0x0;
	v0 =	vld [tilespmem:s20+$0x0];
	[tilespmem:s19+$0x200] =	vst v4  }
.LBB2_4:
0x6d: {  	p0 =	sne.s32 s21, $0x7C0;
	v4 =	vld [tilespmem:s20+$0x200];
	v1 =	vadd.f32 v2, v1;
	[tilespmem:s19+$0x400] =	vst v3  }
0x6e: {  	v2 =	vld [tilespmem:s20+$0x400]  }
0x6f: {  	v1 =	vmul.f32 $5.000000000e-01, v1;
	_ =	sdelay $0x1  }
0x70: {  	v3 =	vmul.f32 v0, v0;
	v5 =	vshrl.u32 v0, $0x10;
	[tilespmem:s19+$0x600] =	vst v1;
	s19 =	smov.u32 s20  }
0x71: {  	v1 =	vmul.f32 v4, v4;
	v5 =	vand.u32 $0x1, v5;
	v6 =	vshrl.u32 v4, $0x10  }
0x72: {  	v0 =	vadd.s32 v5, v0;
	v5 =	vand.u32 $0x1, v6;
	v6 =	vshrl.u32 v2, $0x10  }
0x73: {  	v0 =	vadd.s32 $0x7FFF, v0;
	v4 =	vadd.s32 v5, v4;
	v5 =	vand.u32 $0x1, v6  }
.Ltmp1:
0x74: {  	v0 =	vand.u32 $0xFFFF0000, v0;
	v4 =	vadd.s32 $0x7FFF, v4;
	v5 =	vadd.s32 v5, v2;
	(pc) =	sbr.rel @p0 .LBB2_4-.Ltmp1, $4  }
0x75: {  	v0 =	vsub.f32 $0.0e+00, v0;
	v4 =	vand.u32 $0xFFFF0000, v4;
	v5 =	vadd.s32 $0x7FFF, v5  }
0x76: {  	v1 =	vadd.f32 v1, v3;
	v4 =	vsub.f32 $0.0e+00, v4;
	v3 =	vand.u32 $0xFFFF0000, v5  }
0x77: {  	s20 =	sshra.s32 s21, $0x2;
	v2 =	vmul.f32 v2, v2;
	[tilespmem:s19+$0x0] =	vst v0;
	v3 =	vsub.f32 $0.0e+00, v3  }
0x78: {  	s21 =	sadd.s32 $0x40, s21;
	v0 =	vld [tilespmem:s20+$0x0];
	[tilespmem:s19+$0x200] =	vst v4  }
0x79: {  	v4 =	vld [tilespmem:s20+$0x200]  }
0x7a: {  	[tilespmem:s19+$0x400] =	vst v3  }
0x7b: {  	v1 =	vadd.f32 v2, v1;
	v54 =	vld [tilespmem:s20+$0x400];
	_ =	sdelay $0x1  }
0x7c: {  	v1 =	vmul.f32 $5.000000000e-01, v1;
	v55 =	vshrl.u32 v0, $0x10  }
0x7d: {  	v5 =	vmul.f32 v0, v0;
	v3 =	vand.u32 $0x1, v55;
	v6 =	vshrl.u32 v4, $0x10  }
0x7e: {  	v57 =	vmul.f32 v4, v4;
	v56 =	vadd.s32 v3, v0;
	v6 =	vand.u32 $0x1, v6  }
0x7f: {  	v58 =	vshrl.u32 v54, $0x10;
	v2 =	vmul.f32 v54, v54;
	v4 =	vadd.s32 v6, v4  }
0x80: {  	v0 =	vadd.s32 $0x7FFF, v56;
	v6 =	vand.u32 $0x1, v58;
	v3 =	vadd.f32 v57, v5  }
0x81: {  	v0 =	vand.u32 $0xFFFF0000, v0;
	v4 =	vadd.s32 $0x7FFF, v4;
	v6 =	vadd.s32 v6, v54  }
0x82: {  	v0 =	vsub.f32 $0.0e+00, v0;
	v4 =	vand.u32 $0xFFFF0000, v4;
	v59 =	vadd.s32 $0x7FFF, v6  }
0x83: {  	[tilespmem:s19+$0x600] =	vst v1;
	v2 =	vadd.f32 v2, v3;
	v60 =	vsub.f32 $0.0e+00, v4;
	v61 =	vand.u32 $0xFFFF0000, v59  }
0x84: {  	[tilespmem:s20+$0x0] =	vst v0;
	v62 =	vsub.f32 $0.0e+00, v61  }
0x85: {  	v63 =	vmul.f32 $5.000000000e-01, v2;
	[tilespmem:s20+$0x200] =	vst v60  }
0x86: {  	[tilespmem:s20+$0x400] =	vst v62  }
0x87: {  	s19 =	simm.f32 $0.0e+00;
	[tilespmem:s20+$0x600] =	vst v63  }
.LBB2_6:
0x88: {  	s23 =	sshll.u32 s18, $0x4  }
0x89: {  	v14 =	vld [tilespmem:s23+$0x0]  }
0x8a: {  	v0 =	vld [tilespmem:s23+$0x600];
	_ =	sdelay $0x1  }
0x8b: {  	v27 =	vld [tilespmem:s23+$0x200];
	_ =	sdelay $0x1  }
0x8c: {  	s20 =	simm.s32 $0x3820  }
0x8d: {  	v1 =	vld [tilespmem:s20+$0xFFFFFFF0];
	v25 =	vbroadcast v14, $0x0;
	v26 =	vbroadcast v0, $0x0  }
0x8e: {  	v2 =	vld [tilespmem:s20+$0x0];
	v28 =	vbroadcast v14, $0x1;
	v29 =	vbroadcast v0, $0x1  }
0x8f: {  	v3 =	vld [tilespmem:s20+$0x10];
	v30 =	vbroadcast v14, $0x2;
	v31 =	vbroadcast v27, $0x2  }
0x90: {  	v4 =	vld [tilespmem:s20+$0xFFFFFFE0];
	v32 =	vbroadcast v0, $0x2;
	v43 =	vbroadcast v0, $0x3  }
0x91: {  	s21 =	simm.s32 $0x1820;
	v37 =	vbroadcast v0, $0x4;
	v12 =	vbroadcast v0, $0x7;
	[tilespmem:$0x1FDC0] =	vst v0  }
0x92: {  	s22 =	simm.s32 $0x820;
	v22 =	vbroadcast v0, $0x5;
	v16 =	vbroadcast v0, $0x6;
	v0 =	vld [tilespmem:s21+$0xFFFFFFF0]  }
0x93: {  	v33 =	vbroadcast v14, $0x3;
	v49 =	vbroadcast v14, $0x4;
	v5 =	vld [tilespmem:s22+$0xFFFFFFF0];
	v6 =	vadd.f32 v1, v12  }
0x94: {  	v52 =	vbroadcast v27, $0x4;
	v8 =	vld [tilespmem:s22+$0x0];
	v7 =	vadd.f32 v2, v12;
	v9 =	vadd.f32 v3, v12  }
0x95: {  	v50 =	vbroadcast v14, $0x5;
	v11 =	vld [tilespmem:s22+$0x10];
	v10 =	vadd.f32 v4, v16;
	[tilespmem:$0x1FDD0] =	vst v12;
	v12 =	vadd.f32 v4, v12  }
0x96: {  	v51 =	vbroadcast v27, $0x5;
	v13 =	vadd.f32 v1, v16;
	v15 =	vadd.f32 v2, v16  }
0x97: {  	v53 =	vbroadcast v14, $0x6;
	v18 =	vadd.f32 v4, v22;
	v19 =	vadd.f32 v1, v22  }
0x98: {  	v54 =	vbroadcast v27, $0x6;
	v21 =	vadd.f32 v2, v22;
	v24 =	vadd.f32 v4, v37  }
0x99: {  	v55 =	vbroadcast v27, $0x7;
	v34 =	vadd.f32 v1, v37;
	v36 =	vadd.f32 v2, v37  }
0x9a: {  	v41 =	vbroadcast v14, $0x7;
	v39 =	vadd.f32 v4, v43;
	v40 =	vadd.f32 v1, v43  }
0x9b: {  	v42 =	vadd.f32 v2, v43;
	v45 =	vadd.f32 v4, v32;
	v17 =	vmul.f32 v0, v55  }
0x9c: {  	[tilespmem:$0x1FDE0] =	vst v14;
	v46 =	vadd.f32 v1, v32;
	v20 =	vmul.f32 v5, v41;
	v23 =	vmul.f32 v8, v41  }
0x9d: {  	v48 =	vadd.f32 v2, v32;
	v14 =	vld [tilespmem:s22+$0xFFFFFFE0];
	v35 =	vmul.f32 v11, v41;
	v44 =	vmul.f32 v5, v53  }
0x9e: {  	[tilespmem:$0x1FDF0] =	vst v16;
	v16 =	vadd.f32 v3, v16;
	v47 =	vmul.f32 v8, v53;
	v62 =	vmul.f32 v5, v50  }
0x9f: {  	[tilespmem:$0x1FE00] =	vst v22;
	v22 =	vadd.f32 v3, v22;
	v63 =	vmul.f32 v8, v50;
	v56 =	vmul.f32 v11, v49  }
0xa0: {  	[tilespmem:$0x1FE10] =	vst v37;
	v37 =	vadd.f32 v3, v37;
	v57 =	vmul.f32 v5, v33;
	v58 =	vmul.f32 v8, v33  }
0xa1: {  	[tilespmem:$0x1FE30] =	vst v43;
	v43 =	vadd.f32 v3, v43;
	v59 =	vmul.f32 v11, v33;
	v61 =	vmul.f32 v5, v30  }
0xa2: {  	v38 =	vmul.f32 v14, v53;
	v6 =	vadd.f32 v6, v20;
	v7 =	vadd.f32 v7, v23  }
0xa3: {  	[tilespmem:$0x1FE20] =	vst v41;
	v41 =	vmul.f32 v14, v41;
	v9 =	vadd.f32 v9, v35;
	v13 =	vadd.f32 v13, v44  }
0xa4: {  	v20 =	vmul.f32 v11, v53;
	v44 =	vadd.f32 v4, v26;
	v15 =	vadd.f32 v15, v47  }
0xa5: {  	v23 =	vmul.f32 v14, v50;
	v4 =	vadd.f32 v4, v29;
	v19 =	vadd.f32 v19, v62  }
0xa6: {  	[tilespmem:$0x1FE60] =	vst v50;
	v50 =	vmul.f32 v11, v50;
	v35 =	vadd.f32 v1, v26;
	v21 =	vadd.f32 v21, v63  }
0xa7: {  	[tilespmem:$0x1FE40] =	vst v53;
	v53 =	vmul.f32 v8, v49;
	v1 =	vadd.f32 v1, v29;
	v37 =	vadd.f32 v37, v56  }
0xa8: {  	v60 =	vmul.f32 v14, v30;
	v40 =	vadd.f32 v40, v57;
	v62 =	vmul.f32 v8, v30  }
0xa9: {  	v43 =	vadd.f32 v43, v59;
	v63 =	vmul.f32 v11, v30;
	v46 =	vadd.f32 v46, v61  }
0xaa: {  	v56 =	vmul.f32 v5, v25;
	v57 =	vadd.f32 v2, v26;
	v2 =	vadd.f32 v2, v29  }
0xab: {  	v59 =	vmul.f32 v11, v25;
	v10 =	vadd.f32 v10, v38;
	v38 =	vadd.f32 v3, v32  }
0xac: {  	[tilespmem:$0x1FE50] =	vst v32;
	v11 =	vmul.f32 v11, v28;
	v12 =	vadd.f32 v12, v41;
	v16 =	vadd.f32 v16, v20  }
0xad: {  	[tilespmem:$0x1FE70] =	vst v49;
	v20 =	vmul.f32 v14, v49;
	v18 =	vadd.f32 v18, v23;
	v22 =	vadd.f32 v22, v50  }
0xae: {  	[tilespmem:$0x1FE80] =	vst v33;
	v23 =	vmul.f32 v5, v49;
	v36 =	vadd.f32 v36, v53;
	v41 =	vadd.f32 v42, v58  }
0xaf: {  	[tilespmem:$0x1FE90] =	vst v30;
	v53 =	vmul.f32 v14, v25;
	v42 =	vadd.f32 v48, v62;
	v48 =	vadd.f32 v35, v56  }
0xb0: {  	v47 =	vld [tilespmem:s21+$0x10];
	v5 =	vmul.f32 v5, v28;
	v6 =	vadd.f32 v6, v17;
	v20 =	vadd.f32 v24, v20  }
0xb1: {  	v49 =	vld [tilespmem:s21+$0x0];
	v24 =	vmul.f32 v14, v33;
	v23 =	vadd.f32 v34, v23;
	v14 =	vmul.f32 v14, v28  }
0xb2: {  	v58 =	vmul.f32 v8, v25;
	v38 =	vadd.f32 v38, v63;
	v44 =	vadd.f32 v44, v53  }
0xb3: {  	v8 =	vmul.f32 v8, v28;
	v1 =	vadd.f32 v1, v5;
	v4 =	vadd.f32 v4, v14;
	v14 =	vld [tilespmem:s21+$0xFFFFFFE0]  }
0xb4: {  	v30 =	vbroadcast v27, $0x1;
	v5 =	vadd.f32 v3, v26;
	v50 =	vadd.f32 v57, v58  }
0xb5: {  	v3 =	vadd.f32 v3, v29;
	v2 =	vadd.f32 v2, v8;
	v57 =	vmul.f32 v47, v31  }
0xb6: {  	v24 =	vadd.f32 v39, v24;
	v39 =	vadd.f32 v45, v60;
	v8 =	vmul.f32 v49, v55  }
0xb7: {  	v5 =	vadd.f32 v5, v59;
	v60 =	vmul.f32 v47, v55;
	v3 =	vadd.f32 v3, v11  }
0xb8: {  	v7 =	vadd.f32 v7, v8;
	v8 =	vmul.f32 v0, v54;
	v11 =	vmul.f32 v14, v54  }
0xb9: {  	[tilespmem:$0x1FEC0] =	vst v29;
	v29 =	vld [tilespmem:s23+$0x400];
	v56 =	vadd.f32 v9, v60;
	v17 =	vmul.f32 v14, v55;
	v61 =	vmul.f32 v14, v51  }
0xba: {  	v8 =	vadd.f32 v13, v8;
	v13 =	vmul.f32 v0, v51;
	v62 =	vmul.f32 v14, v52  }
0xbb: {  	[tilespmem:$0x1FEE0] =	vst v55;
	v45 =	vmul.f32 v14, v31;
	v55 =	vmul.f32 v49, v31;
	v10 =	vadd.f32 v10, v11  }
0xbc: {  	v11 =	vmul.f32 v49, v54;
	v12 =	vadd.f32 v12, v17;
	v17 =	vmul.f32 v47, v54  }
0xbd: {  	[tilespmem:$0x1FEF0] =	vst v54;
	v18 =	vadd.f32 v18, v61;
	v53 =	vadd.f32 v20, v62;
	v54 =	vmul.f32 v0, v31  }
0xbe: {  	[tilespmem:$0x1FF40] =	vst v31;
	v32 =	vadd.f32 v42, v55;
	v31 =	vbroadcast v29, $0x7;
	v11 =	vadd.f32 v15, v11  }
0xbf: {  	v15 =	vmul.f32 v49, v51;
	v9 =	vadd.f32 v16, v17;
	v17 =	vmul.f32 v47, v51  }
0xc0: {  	[tilespmem:$0x1FF00] =	vst v51;
	v51 =	vadd.f32 v19, v13;
	v13 =	vbroadcast v27, $0x3;
	v19 =	vmul.f32 v0, v52  }
0xc1: {  	[tilespmem:$0x1FEA0] =	vst v26;
	v16 =	vbroadcast v27, $0x0;
	v46 =	vadd.f32 v46, v54;
	v15 =	vadd.f32 v21, v15  }
0xc2: {  	[tilespmem:$0x1FEB0] =	vst v25;
	v26 =	vadd.f32 v22, v17;
	v21 =	vmul.f32 v49, v52;
	v22 =	vmul.f32 v47, v52  }
0xc3: {  	[tilespmem:$0x1FF10] =	vst v52;
	v52 =	vadd.f32 v23, v19;
	v23 =	vmul.f32 v14, v13;
	v63 =	vmul.f32 v0, v13  }
0xc4: {  	[tilespmem:$0x1FED0] =	vst v28;
	v34 =	vmul.f32 v49, v13;
	v58 =	vmul.f32 v14, v16;
	v21 =	vadd.f32 v36, v21  }
0xc5: {  	[tilespmem:$0x1FF30] =	vst v27;
	v14 =	vmul.f32 v14, v30;
	v22 =	vadd.f32 v37, v22;
	v23 =	vadd.f32 v24, v23  }
0xc6: {  	s25 =	simm.s32 $0x2820;
	[tilespmem:$0x1FF20] =	vst v13;
	v59 =	vmul.f32 v0, v16;
	v25 =	vadd.f32 v40, v63;
	v28 =	vadd.f32 v41, v34  }
0xc7: {  	v0 =	vmul.f32 v0, v30;
	v27 =	vld [tilespmem:s25+$0xFFFFFFF0];
	v34 =	vadd.f32 v39, v45;
	v41 =	vadd.f32 v38, v57  }
0xc8: {  	v62 =	vld [tilespmem:s25+$0x0];
	v24 =	vmul.f32 v47, v13;
	v61 =	vadd.f32 v44, v58;
	v17 =	vadd.f32 v4, v14  }
0xc9: {  	v63 =	vadd.f32 v48, v59;
	v13 =	vld [tilespmem:s25+$0xFFFFFFE0];
	v4 =	vmul.f32 v49, v16;
	v19 =	vadd.f32 v1, v0  }
0xca: {  	v42 =	vld [tilespmem:s25+$0x10];
	v0 =	vmul.f32 v49, v30;
	v1 =	vmul.f32 v47, v16;
	v24 =	vadd.f32 v43, v24  }
0xcb: {  	[tilespmem:$0x1FF60] =	vst v30;
	v20 =	vadd.f32 v50, v4;
	v4 =	vmul.f32 v47, v30;
	v30 =	vbroadcast v29, $0x6  }
0xcc: {  	v43 =	vadd.f32 v2, v0;
	v14 =	vadd.f32 v5, v1;
	v0 =	vmul.f32 v27, v31  }
0xcd: {  	[tilespmem:$0x1FF50] =	vst v16;
	v16 =	vadd.f32 v3, v4;
	v1 =	vmul.f32 v62, v31;
	v4 =	vmul.f32 v62, v30  }
0xce: {  	v2 =	vmul.f32 v13, v30;
	v3 =	vmul.f32 v13, v31;
	v50 =	vadd.f32 v6, v0  }
0xcf: {  	v6 =	vbroadcast v29, $0x5;
	v0 =	vadd.f32 v7, v1;
	v1 =	vmul.f32 v42, v31  }
0xd0: {  	v54 =	vadd.f32 v10, v2;
	v2 =	vmul.f32 v27, v30;
	v10 =	vbroadcast v29, $0x4  }
0xd1: {  	v49 =	vadd.f32 v56, v1;
	v1 =	vadd.f32 v12, v3;
	v3 =	vmul.f32 v42, v30  }
0xd2: {  	v57 =	vadd.f32 v11, v4;
	v4 =	vmul.f32 v13, v6;
	v5 =	vmul.f32 v27, v6  }
0xd3: {  	[tilespmem:$0x1FF80] =	vst v30;
	v30 =	vbroadcast v29, $0x2;
	v56 =	vadd.f32 v8, v2;
	v8 =	vmul.f32 v27, v10  }
0xd4: {  	v2 =	vadd.f32 v9, v3;
	v3 =	vadd.f32 v18, v4;
	v4 =	vmul.f32 v62, v6  }
0xd5: {  	[tilespmem:$0x1FF90] =	vst v6;
	v51 =	vadd.f32 v51, v5;
	v5 =	vmul.f32 v42, v6;
	v6 =	vmul.f32 v13, v10  }
0xd6: {  	v18 =	vbroadcast v29, $0x3;
	v9 =	vmul.f32 v62, v10;
	v8 =	vadd.f32 v52, v8  }
0xd7: {  	v45 =	vmul.f32 v42, v30;
	v4 =	vadd.f32 v15, v4;
	v7 =	vadd.f32 v53, v6  }
0xd8: {  	[tilespmem:$0x1FFA0] =	vst v10;
	v6 =	vmul.f32 v42, v10;
	v10 =	vadd.f32 v21, v9;
	v9 =	vmul.f32 v13, v18  }
0xd9: {  	v5 =	vadd.f32 v26, v5;
	v26 =	vbroadcast v29, $0x0;
	v11 =	vmul.f32 v27, v18  }
0xda: {  	v12 =	vmul.f32 v62, v18;
	v15 =	vmul.f32 v27, v30;
	v53 =	vadd.f32 v41, v45  }
0xdb: {  	v48 =	vadd.f32 v23, v9;
	v9 =	vadd.f32 v25, v11;
	v25 =	vbroadcast v29, $0x1  }
0xdc: {  	v11 =	vmul.f32 v42, v18;
	v52 =	vadd.f32 v28, v12;
	v12 =	vmul.f32 v13, v30  }
0xdd: {  	[tilespmem:$0x1FFC0] =	vst v18;
	v6 =	vadd.f32 v22, v6;
	v18 =	vmul.f32 v13, v26;
	v22 =	vmul.f32 v27, v26  }
0xde: {  	v11 =	vadd.f32 v24, v11;
	v21 =	vmul.f32 v13, v25;
	v13 =	vadd.f32 v46, v15  }
0xdf: {  	v15 =	vadd.f32 v61, v18;
	v18 =	vadd.f32 v63, v22  }
0xe0: {  	v22 =	vmul.f32 v62, v26;
	v17 =	vadd.f32 v17, v21;
	v21 =	vmul.f32 v27, v25  }
0xe1: {  	v12 =	vadd.f32 v34, v12;
	v23 =	vmul.f32 v62, v25;
	v24 =	vmul.f32 v42, v25  }
0xe2: {  	v20 =	vadd.f32 v20, v22;
	v19 =	vadd.f32 v19, v21;
	v21 =	vmul.f32 v42, v26  }
0xe3: {  	v22 =	vadd.f32 v43, v23;
	v23 =	vadd.f32 v16, v24  }
0xe4: {  	v16 =	vmul.f32 v62, v30;
	v21 =	vadd.f32 v14, v21;
	v14 =	vimm.f32 $+Inf  }
0xe5: {  	v24 =	vmin.f32 v14, v15;
	v58 =	vmin.f32 v14, v17;
	v60 =	vmin.f32 v14, v48  }
0xe6: {  	v61 =	vmin.f32 v14, v7;
	v62 =	vmin.f32 v14, v54;
	v59 =	vmin.f32 v24, v18  }
0xe7: {  	v46 =	vmin.f32 v58, v19;
	v24 =	vadd.f32 v32, v16;
	v45 =	vmin.f32 v60, v9  }
0xe8: {  	v16 =	vmin.f32 v59, v20;
	v46 =	vmin.f32 v46, v22;
	v45 =	vmin.f32 v45, v52  }
0xe9: {  	[tilespmem:$0x1FFF0] =	vst v30;
	v28 =	vmin.f32 v16, v21;
	v30 =	vmin.f32 v46, v23;
	v16 =	vmin.f32 v14, v12  }
0xea: {  	[tilespmem:$0x1FF70] =	vst v31;
	v46 =	vmin.f32 v61, v8;
	v31 =	vmin.f32 v45, v11;
	v16 =	vmin.f32 v16, v13  }
0xeb: {  	[tilespmem:$0x1FFB0] =	vst v29;
	v45 =	vmin.f32 v62, v56;
	v46 =	vmin.f32 v46, v10;
	v16 =	vmin.f32 v16, v24  }
0xec: {  	[tilespmem:$0x1FFD0] =	vst v26;
	v29 =	vmin.f32 v16, v53;
	v16 =	vmin.f32 v14, v3;
	v14 =	vmin.f32 v14, v1  }
0xed: {  	s23 =	simm.s32 $0x4820;
	[tilespmem:$0x1FFE0] =	vst v25;
	v45 =	vmin.f32 v45, v57;
	v16 =	vmin.f32 v16, v51;
	v14 =	vmin.f32 v14, v50  }
0xee: {  	v32 =	vmin.f32 v46, v6;
	v16 =	vmin.f32 v16, v4;
	v63 =	vmin.f32 v14, v0;
	v14 =	vld [tilespmem:s23+$0xFFFFFFE0]  }
0xef: {  	s24 =	simm.s32 $0x0;
	s25 =	simm.s32 $0x2860;
	v27 =	vmin.f32 v45, v2;
	v26 =	vmin.f32 v16, v5;
	v25 =	vmin.f32 v63, v49;
	v16 =	vld [tilespmem:s23+$0xFFFFFFF0]  }
.LBB2_7:
0xf0: {  	v15 =	vmin.f32 v15, v17  }
0xf1: {  	v12 =	vmin.f32 v15, v12  }
0xf2: {  	v12 =	vmin.f32 v12, v48  }
0xf3: {  	v46 =	vld [tilespmem:s25+$0x0];
	v7 =	vmin.f32 v12, v7  }
0xf4: {  	v7 =	vmin.f32 v7, v3;
	v3 =	vld [tilespmem:$0x1FF70]  }
0xf5: {  	v17 =	vmin.f32 v18, v19;
	v18 =	vmin.f32 v20, v22  }
0xf6: {  	v45 =	vld [tilespmem:s25+$0x10];
	v13 =	vmin.f32 v17, v13;
	v17 =	vmin.f32 v18, v24  }
0xf7: {  	v9 =	vmin.f32 v13, v9;
	v13 =	vmin.f32 v17, v52  }
0xf8: {  	v8 =	vmin.f32 v9, v8;
	v9 =	vmin.f32 v13, v10  }
0xf9: {  	v9 =	vmin.f32 v9, v4;
	v4 =	vmul.f32 v46, v3  }
0xfa: {  	v47 =	vld [tilespmem:s25+$0xFFFFFFF0]  }
0xfb: {  	v48 =	vld [tilespmem:s25+$0xFFFFFFE0];
	[tilespmem:$0x1FC50] =	vst v4;
	v4 =	vmul.f32 v45, v3;
	_ =	sdelay $0x1  }
0xfc: {  	[tilespmem:$0x1FC70] =	vst v4;
	v4 =	vld [tilespmem:$0x1FF80];
	_ =	sdelay $0x2  }
0xfd: {  	v10 =	vmul.f32 v47, v3;
	v3 =	vmul.f32 v48, v3;
	_ =	sdelay $0x1  }
0xfe: {  	[tilespmem:$0x1FC80] =	vst v3;
	v3 =	vmul.f32 v47, v4;
	_ =	sdelay $0x1  }
0xff: {  	[tilespmem:$0x1FC90] =	vst v3;
	v3 =	vmul.f32 v46, v4  }
0x100: {  	v15 =	vmin.f32 v21, v23  }
0x101: {  	v15 =	vmin.f32 v15, v53;
	[tilespmem:$0x1FCA0] =	vst v3;
	v3 =	vld [tilespmem:$0x1FF90]  }
0x102: {  	v11 =	vmin.f32 v15, v11  }
0x103: {  	v6 =	vmin.f32 v11, v6  }
0x104: {  	v5 =	vmin.f32 v6, v5;
	v6 =	vmin.f32 v7, v54;
	v7 =	vmul.f32 v48, v4  }
0x105: {  	v8 =	vmin.f32 v8, v51  }
0x106: {  	[tilespmem:$0x1FC60] =	vst v7;
	v7 =	vmin.f32 v8, v56;
	v8 =	vmin.f32 v9, v57;
	v9 =	vmul.f32 v48, v3;
	_ =	sdelay $0x1  }
0x107: {  	s21 =	sadd.s32 $0x40, s21;
	[tilespmem:$0x1FCC0] =	vst v9;
	v9 =	vmin.f32 v5, v2;
	v2 =	vmul.f32 v47, v3  }
0x108: {  	v62 =	vld [tilespmem:s21+$0x0]  }
0x109: {  	[tilespmem:$0x1FCD0] =	vst v2;
	v2 =	vld [tilespmem:$0x1FEE0];
	_ =	sdelay $0x2  }
0x10a: {  	v11 =	vmin.f32 v6, v1;
	v1 =	vmul.f32 v46, v3  }
0x10b: {  	v61 =	vld [tilespmem:s21+$0x10]  }
0x10c: {  	[tilespmem:$0x1FCE0] =	vst v1;
	v1 =	vmul.f32 v62, v2  }
0x10d: {  	v19 =	vmin.f32 v8, v0;
	v0 =	vld [tilespmem:$0x1FFA0]  }
0x10e: {  	[tilespmem:$0x1FB50] =	vst v1;
	v1 =	vmul.f32 v45, v3  }
0x10f: {  	v63 =	vld [tilespmem:s21+$0xFFFFFFF0];
	[tilespmem:$0x1FC40] =	vst v10  }
0x110: {  	v10 =	vld [tilespmem:s21+$0xFFFFFFE0];
	[tilespmem:$0x1FCF0] =	vst v1;
	v1 =	vmul.f32 v61, v2;
	_ =	sdelay $0x1  }
0x111: {  	[tilespmem:$0x1FB70] =	vst v1;
	v1 =	vmul.f32 v48, v0  }
0x112: {  	v4 =	vmul.f32 v45, v4  }
0x113: {  	[tilespmem:$0x1FD00] =	vst v1;
	v1 =	vld [tilespmem:$0x1FEF0]  }
0x114: {  	[tilespmem:$0x1FCB0] =	vst v4;
	v4 =	vmul.f32 v63, v2;
	v2 =	vmul.f32 v10, v2;
	_ =	sdelay $0x1  }
0x115: {  	[tilespmem:$0x1FB80] =	vst v2;
	v2 =	vmul.f32 v47, v0;
	_ =	sdelay $0x1  }
0x116: {  	[tilespmem:$0x1FD10] =	vst v2;
	v2 =	vmul.f32 v63, v1  }
0x117: {  	[tilespmem:$0x1FD40] =	vst v28  }
0x118: {  	[tilespmem:$0x1FB90] =	vst v2;
	v2 =	vmul.f32 v46, v0;
	v0 =	vmul.f32 v45, v0  }
0x119: {  	[tilespmem:$0x1FDA0] =	vst v27  }
0x11a: {  	[tilespmem:$0x1FD30] =	vst v0;
	v0 =	vld [tilespmem:$0x1FF00]  }
0x11b: {  	[tilespmem:$0x1FD90] =	vst v26  }
0x11c: {  	[tilespmem:$0x1FDB0] =	vst v25;
	s22 =	sadd.s32 $0x40, s22  }
0x11d: {  	s20 =	sadd.s32 $0x40, s20;
	v18 =	vld [tilespmem:s22+$0xFFFFFFE0];
	v22 =	vmin.f32 v9, v49;
	v9 =	vmin.f32 v14, v11;
	[tilespmem:$0x1FD20] =	vst v2;
	v2 =	vmul.f32 v62, v1  }
0x11e: {  	v25 =	vld [tilespmem:s20+$0xFFFFFFF0];
	[tilespmem:s23+$0xFFFFFFE0] =	vst v9;
	v3 =	vmul.f32 v10, v1;
	v1 =	vmul.f32 v61, v1  }
0x11f: {  	v26 =	vld [tilespmem:s20+$0x0];
	[tilespmem:$0x1FBA0] =	vst v2;
	v2 =	vmul.f32 v10, v0  }
0x120: {  	v27 =	vld [tilespmem:s20+$0x10];
	[tilespmem:$0x1FBB0] =	vst v1;
	v1 =	vmul.f32 v63, v0  }
0x121: {  	v28 =	vld [tilespmem:s20+$0xFFFFFFE0];
	[tilespmem:$0x1FBC0] =	vst v2;
	v2 =	vmul.f32 v62, v0;
	v0 =	vmul.f32 v61, v0  }
0x122: {  	[tilespmem:$0x1FBD0] =	vst v1;
	v1 =	vld [tilespmem:$0x1FDD0]  }
0x123: {  	[tilespmem:$0x1FBF0] =	vst v0;
	v0 =	vld [tilespmem:$0x1FF10];
	_ =	sdelay $0x3  }
0x124: {  	v54 =	vadd.f32 v25, v1;
	v51 =	vadd.f32 v26, v1  }
0x125: {  	v52 =	vadd.f32 v27, v1;
	v36 =	vadd.f32 v28, v1;
	v1 =	vmul.f32 v63, v0  }
0x126: {  	[tilespmem:$0x1FBE0] =	vst v2;
	v2 =	vmul.f32 v10, v0  }
0x127: {  	[tilespmem:$0x1FC10] =	vst v1;
	v1 =	vmul.f32 v62, v0;
	v0 =	vmul.f32 v61, v0;
	_ =	sdelay $0x1  }
0x128: {  	[tilespmem:$0x1FC30] =	vst v0;
	v0 =	vld [tilespmem:$0x1FE10]  }
0x129: {  	v17 =	vld [tilespmem:s23+$0x10];
	_ =	sdelay $0x2  }
0x12a: {  	v13 =	vmin.f32 v7, v50;
	[tilespmem:$0x1FC20] =	vst v1;
	v1 =	vld [tilespmem:$0x1FE00]  }
0x12b: {  	[tilespmem:$0x1FD80] =	vst v32;
	v13 =	vmin.f32 v16, v13;
	v33 =	vadd.f32 v28, v0;
	v32 =	vadd.f32 v25, v0  }
0x12c: {  	v16 =	vmin.f32 v17, v22;
	v17 =	vadd.f32 v26, v0;
	v23 =	vadd.f32 v27, v0;
	v0 =	vld [tilespmem:$0x1FE30];
	_ =	sdelay $0x1  }
0x12d: {  	[tilespmem:$0x1FD50] =	vst v30;
	v30 =	vld [tilespmem:$0x1FEA0]  }
0x12e: {  	v20 =	vld [tilespmem:s22+$0x0];
	v40 =	vadd.f32 v28, v1;
	v41 =	vadd.f32 v25, v1  }
0x12f: {  	v12 =	vld [tilespmem:s23+$0x0];
	v42 =	vadd.f32 v26, v1;
	v43 =	vadd.f32 v27, v1  }
0x130: {  	[tilespmem:$0x1FD60] =	vst v29;
	v15 =	vld [tilespmem:s22+$0xFFFFFFF0];
	v29 =	vadd.f32 v28, v0;
	v57 =	vadd.f32 v25, v0  }
0x131: {  	v1 =	vld [tilespmem:$0x1FE60];
	v34 =	vadd.f32 v26, v0;
	v0 =	vadd.f32 v27, v0  }
0x132: {  	[tilespmem:$0x1FD70] =	vst v31;
	v21 =	vld [tilespmem:s22+$0x10]  }
0x133: {  	[tilespmem:$0x1FB30] =	vst v0;
	v0 =	vld [tilespmem:$0x1FE50]  }
0x134: {  	[tilespmem:$0x1FB40] =	vst v4;
	v4 =	vld [tilespmem:$0x1FE20]  }
0x135: {  	v24 =	vadd.f32 v26, v30;
	v14 =	vmin.f32 v12, v19;
	[tilespmem:$0x1FB60] =	vst v3;
	v3 =	vld [tilespmem:$0x1FE40]  }
0x136: {  	v19 =	vadd.f32 v25, v30;
	[tilespmem:$0x1FC00] =	vst v2;
	v2 =	vld [tilespmem:$0x1FDF0];
	v12 =	vmul.f32 v18, v1;
	v11 =	vmul.f32 v15, v1  }
0x137: {  	[tilespmem:s23+$0x10] =	vst v16;
	v16 =	vadd.f32 v28, v30;
	v9 =	vmul.f32 v20, v1;
	v8 =	vmul.f32 v21, v1;
	v1 =	vld [tilespmem:$0x1FE70]  }
0x138: {  	[tilespmem:s23+$0xFFFFFFF0] =	vst v13;
	v22 =	vadd.f32 v28, v0;
	v13 =	vadd.f32 v25, v0  }
0x139: {  	[tilespmem:s23+$0x0] =	vst v14;
	v53 =	vmul.f32 v15, v4;
	v31 =	vadd.f32 v26, v0;
	v14 =	vadd.f32 v27, v0;
	v0 =	vld [tilespmem:$0x1FEC0]  }
0x13a: {  	v30 =	vadd.f32 v27, v30;
	v49 =	vmul.f32 v20, v4;
	v50 =	vmul.f32 v21, v4  }
0x13b: {  	v58 =	vmul.f32 v18, v4;
	v55 =	vmul.f32 v18, v3;
	v35 =	vadd.f32 v28, v2  }
0x13c: {  	v37 =	vadd.f32 v25, v2;
	v38 =	vadd.f32 v26, v2;
	v7 =	vmul.f32 v18, v1  }
0x13d: {  	v39 =	vadd.f32 v27, v2;
	v6 =	vmul.f32 v15, v1;
	v5 =	vmul.f32 v20, v1  }
0x13e: {  	v4 =	vmul.f32 v21, v1;
	v1 =	vld [tilespmem:$0x1FE80];
	v28 =	vadd.f32 v28, v0;
	v25 =	vadd.f32 v25, v0  }
0x13f: {  	v60 =	vmul.f32 v20, v3;
	v26 =	vadd.f32 v26, v0;
	v27 =	vadd.f32 v27, v0;
	v0 =	vld [tilespmem:$0x1FE90]  }
0x140: {  	v44 =	vmul.f32 v21, v3;
	v50 =	vadd.f32 v52, v50;
	v36 =	vadd.f32 v36, v58  }
0x141: {  	v35 =	vadd.f32 v35, v55;
	v56 =	vadd.f32 v43, v8;
	v43 =	vld [tilespmem:$0x1FEB0]  }
0x142: {  	v38 =	vadd.f32 v38, v60;
	v39 =	vadd.f32 v39, v44  }
0x143: {  	v44 =	vadd.f32 v40, v12;
	v60 =	vadd.f32 v33, v7;
	v33 =	vld [tilespmem:$0x1FED0];
	v2 =	vmul.f32 v15, v1  }
0x144: {  	v58 =	vadd.f32 v41, v11;
	v52 =	vmul.f32 v18, v0;
	v55 =	vmul.f32 v15, v0  }
0x145: {  	v40 =	vmul.f32 v20, v0;
	v41 =	vmul.f32 v21, v0;
	v0 =	vadd.f32 v57, v2;
	v2 =	vld [tilespmem:$0x1FB40]  }
0x146: {  	v7 =	vadd.f32 v17, v5;
	v17 =	vmul.f32 v15, v43;
	_ =	sdelay $0x1  }
0x147: {  	v53 =	vadd.f32 v54, v53;
	v17 =	vadd.f32 v19, v17;
	v19 =	vmul.f32 v21, v33;
	_ =	sdelay $0x1  }
0x148: {  	v19 =	vadd.f32 v27, v19;
	v27 =	vadd.f32 v53, v2;
	v2 =	vld [tilespmem:$0x1FB50]  }
0x149: {  	v59 =	vmul.f32 v15, v3;
	v3 =	vmul.f32 v18, v1;
	_ =	sdelay $0x1  }
0x14a: {  	v49 =	vadd.f32 v51, v49;
	v3 =	vadd.f32 v29, v3;
	v29 =	vmul.f32 v20, v43;
	_ =	sdelay $0x1  }
0x14b: {  	v24 =	vadd.f32 v24, v29;
	v29 =	vadd.f32 v49, v2;
	v2 =	vld [tilespmem:$0x1FB60]  }
0x14c: {  	v12 =	vmul.f32 v18, v33  }
0x14d: {  	v54 =	vmul.f32 v20, v1;
	v20 =	vmul.f32 v20, v33  }
0x14e: {  	v51 =	vmul.f32 v21, v1;
	v1 =	vld [tilespmem:$0x1FB30];
	v12 =	vadd.f32 v28, v12;
	v28 =	vmul.f32 v21, v43  }
0x14f: {  	v20 =	vadd.f32 v26, v20  }
0x150: {  	v26 =	vadd.f32 v30, v28;
	v30 =	vadd.f32 v35, v2;
	v2 =	vld [tilespmem:$0x1FB80];
	_ =	sdelay $0x2  }
0x151: {  	v5 =	vadd.f32 v23, v4;
	v23 =	vadd.f32 v1, v51;
	v1 =	vld [tilespmem:$0x1FF20]  }
0x152: {  	v37 =	vadd.f32 v37, v59;
	v59 =	vadd.f32 v42, v9  }
0x153: {  	v42 =	vmul.f32 v18, v43;
	v18 =	vadd.f32 v34, v54;
	v34 =	vadd.f32 v36, v2;
	v2 =	vld [tilespmem:$0x1FB90]  }
0x154: {  	v15 =	vmul.f32 v15, v33  }
0x155: {  	v11 =	vadd.f32 v13, v55  }
0x156: {  	v15 =	vadd.f32 v25, v15;
	v21 =	vmul.f32 v10, v1;
	v25 =	vmul.f32 v63, v1  }
0x157: {  	v13 =	vadd.f32 v31, v40;
	v28 =	vmul.f32 v62, v1;
	v31 =	vmul.f32 v61, v1;
	v1 =	vld [tilespmem:$0x1FB70]  }
0x158: {  	v35 =	vadd.f32 v37, v2;
	v2 =	vld [tilespmem:$0x1FBA0];
	_ =	sdelay $0x3  }
0x159: {  	v6 =	vadd.f32 v32, v6;
	v32 =	vadd.f32 v50, v1;
	v1 =	vld [tilespmem:$0x1FF40]  }
0x15a: {  	v37 =	vadd.f32 v38, v2;
	v2 =	vld [tilespmem:$0x1FBB0];
	_ =	sdelay $0x4  }
0x15b: {  	v33 =	vmul.f32 v10, v1;
	v57 =	vmul.f32 v61, v1;
	v38 =	vadd.f32 v39, v2;
	v2 =	vld [tilespmem:$0x1FBC0]  }
0x15c: {  	v36 =	vmul.f32 v63, v1;
	v39 =	vmul.f32 v62, v1;
	v1 =	vld [tilespmem:$0x1FBF0];
	_ =	sdelay $0x3  }
0x15d: {  	v9 =	vadd.f32 v44, v2;
	v2 =	vld [tilespmem:$0x1FBD0]  }
0x15e: {  	v53 =	vadd.f32 v56, v1;
	v1 =	vld [tilespmem:$0x1FC00];
	_ =	sdelay $0x3  }
0x15f: {  	v8 =	vadd.f32 v58, v2;
	v2 =	vld [tilespmem:$0x1FBE0]  }
0x160: {  	v16 =	vadd.f32 v16, v42;
	v42 =	vadd.f32 v60, v1;
	v1 =	vld [tilespmem:$0x1FC10]  }
0x161: {  	v58 =	vld [tilespmem:$0x1FF50];
	_ =	sdelay $0x3  }
0x162: {  	v43 =	vadd.f32 v6, v1;
	v6 =	vld [tilespmem:$0x1FF60]  }
0x163: {  	v22 =	vadd.f32 v22, v52;
	v52 =	vadd.f32 v59, v2;
	v1 =	vld [tilespmem:$0x1FC20];
	v2 =	vmul.f32 v62, v58;
	_ =	sdelay $0x1  }
0x164: {  	v24 =	vadd.f32 v24, v2;
	v2 =	vld [tilespmem:$0x1FC60];
	_ =	sdelay $0x1  }
0x165: {  	v21 =	vadd.f32 v3, v21;
	v25 =	vadd.f32 v0, v25  }
0x166: {  	v59 =	vmul.f32 v10, v58;
	v4 =	vmul.f32 v10, v6;
	v10 =	vadd.f32 v7, v1;
	v1 =	vld [tilespmem:$0x1FC30]  }
0x167: {  	v23 =	vadd.f32 v23, v31;
	v0 =	vmul.f32 v63, v6;
	v3 =	vmul.f32 v62, v6;
	v62 =	vld [tilespmem:$0x1FFD0]  }
0x168: {  	v31 =	vadd.f32 v13, v39;
	v54 =	vadd.f32 v30, v2;
	v2 =	vld [tilespmem:$0x1FC90]  }
0x169: {  	v39 =	vadd.f32 v15, v0;
	v0 =	vmul.f32 v61, v6;
	v60 =	vadd.f32 v20, v3;
	v3 =	vld [tilespmem:$0x1FCC0]  }
0x16a: {  	v22 =	vadd.f32 v22, v33;
	v33 =	vadd.f32 v12, v4;
	v4 =	vmul.f32 v61, v58;
	v6 =	vld [tilespmem:$0x1FD00]  }
0x16b: {  	v61 =	vadd.f32 v19, v0;
	v0 =	vld [tilespmem:$0x1FC40]  }
0x16c: {  	v26 =	vadd.f32 v26, v4;
	v4 =	vld [tilespmem:$0x1FCD0]  }
0x16d: {  	v44 =	vadd.f32 v5, v1;
	v1 =	vmul.f32 v63, v58;
	v5 =	vld [tilespmem:$0x1FFF0]  }
0x16e: {  	v14 =	vadd.f32 v14, v41;
	v18 =	vadd.f32 v18, v28;
	v63 =	vld [tilespmem:$0x1FFE0]  }
0x16f: {  	v28 =	vadd.f32 v11, v36;
	v36 =	vadd.f32 v17, v1;
	v1 =	vld [tilespmem:$0x1FFC0]  }
0x170: {  	v7 =	vadd.f32 v42, v6;
	v6 =	vld [tilespmem:$0x1FD10]  }
0x171: {  	v14 =	vadd.f32 v14, v57;
	v50 =	vadd.f32 v27, v0;
	v0 =	vld [tilespmem:$0x1FC50]  }
0x172: {  	v20 =	vmul.f32 v48, v62;
	v51 =	vadd.f32 v8, v4;
	v4 =	vld [tilespmem:$0x1FCE0];
	v17 =	vmul.f32 v48, v5  }
0x173: {  	v16 =	vadd.f32 v16, v59;
	v19 =	vmul.f32 v47, v5;
	v27 =	vmul.f32 v46, v5  }
0x174: {  	v56 =	vadd.f32 v35, v2;
	v30 =	vmul.f32 v48, v63;
	v11 =	vmul.f32 v48, v1  }
0x175: {  	v3 =	vadd.f32 v9, v3;
	v12 =	vmul.f32 v47, v1;
	v13 =	vmul.f32 v46, v1  }
0x176: {  	v15 =	vmul.f32 v45, v1;
	v8 =	vadd.f32 v43, v6;
	v0 =	vadd.f32 v29, v0  }
0x177: {  	v6 =	vld [tilespmem:$0x1FD20];
	v4 =	vadd.f32 v52, v4;
	v29 =	vmul.f32 v45, v5;
	v48 =	vadd.f32 v21, v11  }
0x178: {  	v5 =	vld [tilespmem:$0x1FCF0];
	v9 =	vadd.f32 v25, v12;
	v12 =	vadd.f32 v22, v17;
	v22 =	vmul.f32 v46, v62  }
0x179: {  	v21 =	vmul.f32 v47, v62;
	v52 =	vadd.f32 v18, v13;
	v11 =	vadd.f32 v23, v15;
	v23 =	vld [tilespmem:$0x1FD40]  }
0x17a: {  	v25 =	vmul.f32 v47, v63;
	v15 =	vadd.f32 v16, v20;
	v20 =	vadd.f32 v24, v22;
	v24 =	vld [tilespmem:$0x1FD50]  }
0x17b: {  	v13 =	vadd.f32 v28, v19;
	v17 =	vadd.f32 v33, v30;
	v16 =	vmul.f32 v46, v63  }
0x17c: {  	v18 =	vadd.f32 v36, v21;
	v19 =	vadd.f32 v39, v25;
	v21 =	vmul.f32 v45, v62  }
0x17d: {  	v2 =	vld [tilespmem:$0x1FCA0];
	v22 =	vadd.f32 v60, v16;
	v16 =	vmul.f32 v45, v63;
	v10 =	vadd.f32 v10, v6  }
0x17e: {  	v1 =	vld [tilespmem:$0x1FC70];
	v21 =	vadd.f32 v26, v21;
	v5 =	vadd.f32 v53, v5;
	v23 =	vmin.f32 v23, v15  }
0x17f: {  	v6 =	vld [tilespmem:$0x1FD30];
	v53 =	vadd.f32 v14, v29;
	v25 =	vmin.f32 v23, v18;
	v24 =	vmin.f32 v24, v17  }
0x180: {  	v14 =	vld [tilespmem:$0x1FD60];
	v23 =	vadd.f32 v61, v16;
	v16 =	vmin.f32 v25, v20;
	v24 =	vmin.f32 v24, v19  }
0x181: {  	v28 =	vmin.f32 v16, v21;
	v16 =	vld [tilespmem:$0x1FD70];
	v25 =	vmin.f32 v24, v22  }
0x182: {  	v30 =	vmin.f32 v25, v23;
	v25 =	vld [tilespmem:$0x1FD80];
	_ =	sdelay $0x1  }
0x183: {  	v57 =	vadd.f32 v37, v2  }
0x184: {  	v49 =	vadd.f32 v32, v1;
	v24 =	vadd.f32 v31, v27;
	v14 =	vmin.f32 v14, v12  }
0x185: {  	v2 =	vld [tilespmem:$0x1FCB0];
	v6 =	vadd.f32 v44, v6;
	v14 =	vmin.f32 v14, v13;
	v16 =	vmin.f32 v16, v48  }
0x186: {  	v1 =	vld [tilespmem:$0x1FC80];
	v14 =	vmin.f32 v14, v24;
	v16 =	vmin.f32 v16, v9;
	v25 =	vmin.f32 v25, v7  }
0x187: {  	v29 =	vmin.f32 v14, v53;
	v14 =	vld [tilespmem:$0x1FD90];
	v16 =	vmin.f32 v16, v52;
	v25 =	vmin.f32 v25, v8  }
0x188: {  	v31 =	vmin.f32 v16, v11;
	v16 =	vld [tilespmem:$0x1FDA0];
	v25 =	vmin.f32 v25, v10  }
0x189: {  	v32 =	vmin.f32 v25, v6;
	v25 =	vld [tilespmem:$0x1FDB0];
	_ =	sdelay $0x1  }
0x18a: {  	s24 =	sadd.s32 $0x4, s24  }
0x18b: {  	p0 =	slt.u32 s24, $0xFC;
	v1 =	vadd.f32 v34, v1  }
.Ltmp2:
0x18c: {  	v2 =	vadd.f32 v38, v2;
	(pc) =	sbr.rel @p0 .LBB2_7-.Ltmp2, $4  }
0x18d: {  	v14 =	vmin.f32 v14, v3;
	v16 =	vmin.f32 v16, v54;
	v25 =	vmin.f32 v25, v1  }
0x18e: {  	s23 =	sadd.s32 $0x40, s23;
	v26 =	vmin.f32 v14, v51;
	v16 =	vmin.f32 v16, v56;
	v25 =	vmin.f32 v25, v50  }
0x18f: {  	v14 =	vld [tilespmem:s23+$0xFFFFFFE0];
	v26 =	vmin.f32 v26, v4;
	v27 =	vmin.f32 v16, v57;
	v25 =	vmin.f32 v25, v0  }
0x190: {  	s25 =	sadd.s32 $0x40, s25;
	v26 =	vmin.f32 v26, v5;
	v16 =	vld [tilespmem:s23+$0xFFFFFFF0];
	v27 =	vmin.f32 v27, v2;
	v25 =	vmin.f32 v25, v49  }
0x191: {  	[tilespmem:$0x1FD90] =	vst v26  }
0x192: {  	[tilespmem:$0x1FDA0] =	vst v27  }
0x193: {  	[tilespmem:$0x1FDB0] =	vst v25;
	v15 =	vmin.f32 v15, v17;
	v17 =	vmin.f32 v18, v19  }
0x194: {  	[tilespmem:$0x1FD60] =	vst v29;
	v18 =	vmin.f32 v20, v22;
	v12 =	vmin.f32 v15, v12;
	v13 =	vmin.f32 v17, v13  }
0x195: {  	[tilespmem:$0x1FD70] =	vst v31;
	v15 =	vmin.f32 v21, v23;
	v17 =	vmin.f32 v18, v24;
	v12 =	vmin.f32 v12, v48  }
0x196: {  	[tilespmem:$0x1FD80] =	vst v32;
	v15 =	vmin.f32 v15, v53;
	v9 =	vmin.f32 v13, v9;
	v13 =	vmin.f32 v17, v52  }
0x197: {  	[tilespmem:$0x1FD50] =	vst v30;
	v11 =	vmin.f32 v15, v11;
	v7 =	vmin.f32 v12, v7;
	v8 =	vmin.f32 v9, v8  }
0x198: {  	[tilespmem:$0x1FD40] =	vst v28;
	v9 =	vmin.f32 v13, v10;
	v3 =	vmin.f32 v7, v3;
	v7 =	vmin.f32 v8, v51  }
0x199: {  	v10 =	vld [tilespmem:s23+$0x0];
	v6 =	vmin.f32 v11, v6;
	v4 =	vmin.f32 v9, v4;
	v3 =	vmin.f32 v3, v54  }
0x19a: {  	v5 =	vmin.f32 v6, v5;
	v6 =	vmin.f32 v7, v56;
	v1 =	vmin.f32 v3, v1  }
0x19b: {  	v3 =	vmin.f32 v4, v57;
	v4 =	vmin.f32 v6, v50;
	v1 =	vmin.f32 v14, v1  }
0x19c: {  	v8 =	vld [tilespmem:s23+$0x10];
	[tilespmem:s23+$0xFFFFFFE0] =	vst v1;
	v1 =	vmin.f32 v16, v4  }
0x19d: {  	v0 =	vmin.f32 v3, v0;
	[tilespmem:s23+$0xFFFFFFF0] =	vst v1  }
0x19e: {  	v0 =	vmin.f32 v10, v0;
	v10 =	vld [tilespmem:$0x1FDE0]  }
0x19f: {  	v2 =	vmin.f32 v5, v2  }
0x1a0: {  	v2 =	vmin.f32 v2, v49;
	[tilespmem:s23+$0x0] =	vst v0  }
0x1a1: {  	v0 =	vmin.f32 v8, v2;
	v11 =	vld [tilespmem:$0x1FF30]  }
0x1a2: {  	s20 =	simm.s32 $0x3820;
	v5 =	vld [tilespmem:$0x1FDC0];
	[tilespmem:s23+$0x10] =	vst v0  }
0x1a3: {  	v0 =	vld [tilespmem:s20+$0xFFFFFFF0];
	v32 =	vbroadcast v10, $0x8;
	v44 =	vbroadcast v10, $0x9  }
0x1a4: {  	v1 =	vld [tilespmem:s20+$0x0];
	v42 =	vbroadcast v10, $0xA;
	v47 =	vbroadcast v10, $0xB  }
0x1a5: {  	v2 =	vld [tilespmem:s20+$0x10];
	v62 =	vbroadcast v10, $0xC;
	v63 =	vbroadcast v10, $0xD  }
0x1a6: {  	v3 =	vld [tilespmem:s20+$0xFFFFFFE0];
	v38 =	vbroadcast v10, $0xE;
	v28 =	vbroadcast v10, $0xF  }
0x1a7: {  	v49 =	vbroadcast v11, $0x8;
	v43 =	vbroadcast v5, $0x8  }
0x1a8: {  	s21 =	simm.s32 $0x820;
	v45 =	vbroadcast v5, $0x9;
	v13 =	vbroadcast v5, $0xF  }
0x1a9: {  	v4 =	vld [tilespmem:s21+$0xFFFFFFF0];
	v46 =	vbroadcast v5, $0xA;
	v17 =	vbroadcast v5, $0xE  }
0x1aa: {  	v7 =	vld [tilespmem:s21+$0x10];
	v36 =	vbroadcast v5, $0xB;
	v6 =	vadd.f32 v0, v13;
	v8 =	vadd.f32 v1, v13  }
0x1ab: {  	v10 =	vld [tilespmem:s21+$0xFFFFFFE0];
	v29 =	vbroadcast v5, $0xC;
	v9 =	vadd.f32 v2, v13;
	v12 =	vadd.f32 v3, v17  }
0x1ac: {  	v23 =	vbroadcast v5, $0xD;
	v5 =	vld [tilespmem:s21+$0x0];
	[tilespmem:$0x1F930] =	vst v13;
	v13 =	vadd.f32 v3, v13;
	v14 =	vadd.f32 v0, v17  }
0x1ad: {  	v48 =	vbroadcast v11, $0xB;
	v15 =	vadd.f32 v1, v17;
	[tilespmem:$0x1F940] =	vst v17;
	v17 =	vadd.f32 v2, v17  }
0x1ae: {  	v51 =	vbroadcast v11, $0xC;
	v18 =	vadd.f32 v3, v23;
	v20 =	vadd.f32 v0, v23  }
0x1af: {  	v53 =	vbroadcast v11, $0xD;
	v21 =	vadd.f32 v1, v23;
	[tilespmem:$0x1F950] =	vst v23;
	v23 =	vadd.f32 v2, v23  }
0x1b0: {  	v54 =	vbroadcast v11, $0xE;
	v24 =	vadd.f32 v3, v29;
	v26 =	vadd.f32 v0, v29  }
0x1b1: {  	v55 =	vbroadcast v11, $0xF;
	v27 =	vadd.f32 v1, v29;
	[tilespmem:$0x1F970] =	vst v29;
	v29 =	vadd.f32 v2, v29  }
0x1b2: {  	v16 =	vmul.f32 v4, v28;
	v30 =	vadd.f32 v3, v36;
	v33 =	vadd.f32 v0, v36  }
0x1b3: {  	v22 =	vmul.f32 v7, v28;
	v34 =	vadd.f32 v1, v36;
	[tilespmem:$0x1F980] =	vst v36;
	v36 =	vadd.f32 v2, v36  }
0x1b4: {  	v31 =	vmul.f32 v4, v38;
	v37 =	vadd.f32 v3, v46;
	v39 =	vadd.f32 v0, v46  }
0x1b5: {  	v57 =	vmul.f32 v4, v62;
	v40 =	vadd.f32 v1, v46;
	v59 =	vadd.f32 v0, v43  }
0x1b6: {  	v61 =	vmul.f32 v7, v47;
	v0 =	vadd.f32 v0, v45;
	v50 =	vadd.f32 v2, v43  }
0x1b7: {  	v25 =	vmul.f32 v10, v38;
	v41 =	vmul.f32 v10, v63;
	v6 =	vadd.f32 v6, v16  }
0x1b8: {  	v16 =	vmul.f32 v4, v63;
	v9 =	vadd.f32 v9, v22;
	v22 =	vmul.f32 v7, v63  }
0x1b9: {  	v14 =	vadd.f32 v14, v31;
	v31 =	vmul.f32 v10, v62;
	v26 =	vadd.f32 v26, v57  }
0x1ba: {  	[tilespmem:$0x1F960] =	vst v28;
	v36 =	vadd.f32 v36, v61;
	v19 =	vmul.f32 v5, v28;
	v28 =	vmul.f32 v10, v28  }
0x1bb: {  	[tilespmem:$0x1F990] =	vst v38;
	v35 =	vmul.f32 v5, v38;
	v38 =	vmul.f32 v7, v38;
	v12 =	vadd.f32 v12, v25  }
0x1bc: {  	v58 =	vmul.f32 v5, v62;
	v18 =	vadd.f32 v18, v41;
	v16 =	vadd.f32 v20, v16  }
0x1bd: {  	v60 =	vmul.f32 v5, v47;
	v22 =	vadd.f32 v23, v22;
	v23 =	vadd.f32 v1, v43  }
0x1be: {  	v25 =	vmul.f32 v5, v63;
	v24 =	vadd.f32 v24, v31;
	v1 =	vadd.f32 v1, v45  }
0x1bf: {  	v20 =	vmul.f32 v7, v62;
	v8 =	vadd.f32 v8, v19;
	v19 =	vadd.f32 v2, v46  }
0x1c0: {  	v31 =	vmul.f32 v4, v47;
	v13 =	vadd.f32 v13, v28;
	v28 =	vadd.f32 v3, v43  }
0x1c1: {  	[tilespmem:$0x1F9C0] =	vst v62;
	v62 =	vmul.f32 v5, v42;
	v3 =	vadd.f32 v3, v45;
	v15 =	vadd.f32 v15, v35  }
0x1c2: {  	[tilespmem:$0x1F9B0] =	vst v63;
	v63 =	vmul.f32 v7, v42;
	v17 =	vadd.f32 v17, v38;
	v27 =	vadd.f32 v27, v58  }
0x1c3: {  	[tilespmem:$0x1F9A0] =	vst v46;
	v34 =	vadd.f32 v34, v60;
	v46 =	vmul.f32 v10, v32;
	v2 =	vadd.f32 v2, v45  }
0x1c4: {  	[tilespmem:$0x1F9D0] =	vst v47;
	v21 =	vadd.f32 v21, v25;
	v25 =	vmul.f32 v10, v47;
	v20 =	vadd.f32 v29, v20  }
0x1c5: {  	s22 =	simm.s32 $0x1820;
	[tilespmem:$0x1F9E0] =	vst v42;
	v29 =	vmul.f32 v10, v42;
	v31 =	vadd.f32 v33, v31;
	v10 =	vmul.f32 v10, v44  }
0x1c6: {  	v38 =	vld [tilespmem:s22+$0xFFFFFFF0];
	v40 =	vadd.f32 v40, v62;
	v47 =	vmul.f32 v4, v32;
	v19 =	vadd.f32 v19, v63  }
0x1c7: {  	v35 =	vld [tilespmem:s22+$0xFFFFFFE0];
	v28 =	vadd.f32 v28, v46;
	v25 =	vadd.f32 v30, v25;
	v30 =	vmul.f32 v4, v42  }
0x1c8: {  	v29 =	vadd.f32 v37, v29;
	v4 =	vmul.f32 v4, v44;
	v3 =	vadd.f32 v3, v10  }
0x1c9: {  	v10 =	vmul.f32 v5, v32;
	v37 =	vadd.f32 v59, v47;
	v5 =	vmul.f32 v5, v44  }
0x1ca: {  	v42 =	vld [tilespmem:s22+$0x10];
	v30 =	vadd.f32 v39, v30;
	v0 =	vadd.f32 v0, v4;
	v4 =	vmul.f32 v7, v32  }
0x1cb: {  	v39 =	vld [tilespmem:s22+$0x0];
	v10 =	vadd.f32 v23, v10;
	v23 =	vmul.f32 v38, v55;
	v7 =	vmul.f32 v7, v44  }
0x1cc: {  	v1 =	vadd.f32 v1, v5;
	v60 =	vmul.f32 v35, v49;
	v62 =	vmul.f32 v38, v49  }
0x1cd: {  	v4 =	vadd.f32 v50, v4;
	v6 =	vadd.f32 v6, v23;
	v23 =	vmul.f32 v35, v55  }
0x1ce: {  	v2 =	vadd.f32 v2, v7;
	v7 =	vmul.f32 v35, v54;
	v47 =	vadd.f32 v37, v62  }
0x1cf: {  	v52 =	vmul.f32 v42, v55;
	v13 =	vadd.f32 v13, v23;
	v23 =	vmul.f32 v35, v53  }
0x1d0: {  	[tilespmem:$0x1F9F0] =	vst v43;
	v7 =	vadd.f32 v12, v7;
	v5 =	vmul.f32 v39, v55;
	v12 =	vmul.f32 v39, v54  }
0x1d1: {  	[tilespmem:$0x1FA00] =	vst v32;
	v41 =	vadd.f32 v9, v52;
	v9 =	vmul.f32 v42, v54;
	v18 =	vadd.f32 v18, v23  }
0x1d2: {  	[tilespmem:$0x1FA10] =	vst v45;
	v23 =	vmul.f32 v35, v51;
	v5 =	vadd.f32 v8, v5;
	v8 =	vmul.f32 v38, v54  }
0x1d3: {  	[tilespmem:$0x1FA20] =	vst v44;
	v12 =	vadd.f32 v15, v12;
	v15 =	vmul.f32 v39, v53;
	v17 =	vadd.f32 v17, v9  }
0x1d4: {  	[tilespmem:$0x1FA30] =	vst v55;
	v9 =	vmul.f32 v42, v53;
	v23 =	vadd.f32 v24, v23;
	v24 =	vmul.f32 v35, v48  }
0x1d5: {  	[tilespmem:$0x1FA40] =	vst v54;
	v8 =	vadd.f32 v14, v8;
	v14 =	vmul.f32 v38, v53;
	v15 =	vadd.f32 v21, v15  }
0x1d6: {  	[tilespmem:$0x1FA50] =	vst v53;
	v21 =	vmul.f32 v39, v51;
	v61 =	vadd.f32 v22, v9;
	v9 =	vmul.f32 v42, v51  }
0x1d7: {  	[tilespmem:$0x1FA60] =	vst v51;
	v22 =	vbroadcast v11, $0xA;
	v14 =	vadd.f32 v16, v14;
	v16 =	vmul.f32 v38, v51  }
0x1d8: {  	[tilespmem:$0x1FA70] =	vst v48;
	v24 =	vadd.f32 v25, v24;
	v20 =	vadd.f32 v20, v9;
	v9 =	vbroadcast v11, $0x9;
	v11 =	vld [tilespmem:$0x1FFB0]  }
0x1d9: {  	s25 =	simm.s32 $0x2820;
	v25 =	vmul.f32 v42, v48;
	[tilespmem:$0x1FA80] =	vst v22;
	v16 =	vadd.f32 v26, v16;
	v26 =	vmul.f32 v38, v48  }
0x1da: {  	v21 =	vadd.f32 v27, v21;
	v27 =	vmul.f32 v39, v48;
	v44 =	vld [tilespmem:s25+$0xFFFFFFF0];
	v63 =	vmul.f32 v38, v9  }
0x1db: {  	v54 =	vmul.f32 v38, v22;
	v26 =	vadd.f32 v31, v26;
	v31 =	vmul.f32 v35, v22  }
0x1dc: {  	v25 =	vadd.f32 v36, v25;
	v35 =	vmul.f32 v35, v9;
	v36 =	vadd.f32 v0, v63  }
0x1dd: {  	v0 =	vmul.f32 v39, v9;
	v37 =	vbroadcast v11, $0xF;
	v58 =	vadd.f32 v29, v31  }
0x1de: {  	v46 =	vld [tilespmem:s25+$0xFFFFFFE0];
	v31 =	vmul.f32 v42, v22;
	v45 =	vadd.f32 v3, v35;
	v3 =	vmul.f32 v39, v49  }
0x1df: {  	v55 =	vmul.f32 v39, v22;
	v39 =	vadd.f32 v1, v0;
	v0 =	vmul.f32 v44, v37  }
0x1e0: {  	v59 =	vld [tilespmem:s25+$0x10];
	v31 =	vadd.f32 v19, v31;
	v38 =	vadd.f32 v10, v3;
	v3 =	vmul.f32 v42, v49  }
0x1e1: {  	v19 =	vadd.f32 v28, v60;
	v28 =	vld [tilespmem:s25+$0x0];
	[tilespmem:$0x1FAA0] =	vst v9;
	v10 =	vmul.f32 v42, v9;
	v9 =	vbroadcast v11, $0xE  }
0x1e2: {  	v27 =	vadd.f32 v34, v27;
	v30 =	vadd.f32 v30, v54  }
0x1e3: {  	v51 =	vadd.f32 v6, v0;
	v29 =	vadd.f32 v4, v3;
	v0 =	vmul.f32 v46, v9  }
0x1e4: {  	v22 =	vadd.f32 v2, v10;
	v4 =	vbroadcast v11, $0xD;
	v2 =	vmul.f32 v46, v37  }
0x1e5: {  	v10 =	vbroadcast v11, $0xA;
	v54 =	vadd.f32 v7, v0;
	v0 =	vmul.f32 v44, v9  }
0x1e6: {  	v52 =	vadd.f32 v13, v2;
	v7 =	vbroadcast v11, $0xB;
	v1 =	vmul.f32 v28, v37  }
0x1e7: {  	v13 =	vmul.f32 v44, v10;
	v3 =	vmul.f32 v28, v9;
	v56 =	vadd.f32 v8, v0  }
0x1e8: {  	v0 =	vmul.f32 v46, v4;
	v50 =	vadd.f32 v5, v1;
	v1 =	vmul.f32 v59, v37  }
0x1e9: {  	v43 =	vadd.f32 v40, v55;
	v6 =	vmul.f32 v28, v7;
	v8 =	vmul.f32 v59, v7  }
0x1ea: {  	[tilespmem:$0x1FA90] =	vst v49;
	v55 =	vadd.f32 v12, v3;
	v49 =	vadd.f32 v41, v1;
	v1 =	vmul.f32 v59, v9  }
0x1eb: {  	v3 =	vbroadcast v11, $0xC;
	v5 =	vmul.f32 v44, v7;
	v62 =	vadd.f32 v18, v0  }
0x1ec: {  	v0 =	vmul.f32 v28, v4;
	v53 =	vadd.f32 v17, v1;
	v1 =	vmul.f32 v44, v4  }
0x1ed: {  	v13 =	vadd.f32 v30, v13;
	v2 =	vmul.f32 v46, v3;
	v5 =	vadd.f32 v26, v5  }
0x1ee: {  	v60 =	vadd.f32 v15, v0;
	v63 =	vadd.f32 v14, v1;
	v1 =	vmul.f32 v59, v4  }
0x1ef: {  	v0 =	vmul.f32 v44, v3;
	v2 =	vadd.f32 v23, v2;
	v23 =	vmul.f32 v59, v10  }
0x1f0: {  	[tilespmem:$0x1FAD0] =	vst v4;
	v4 =	vmul.f32 v28, v3;
	v61 =	vadd.f32 v61, v1;
	v1 =	vmul.f32 v59, v3  }
0x1f1: {  	v12 =	vmul.f32 v46, v10;
	[tilespmem:$0x1FAE0] =	vst v3;
	v23 =	vadd.f32 v31, v23;
	v3 =	vadd.f32 v16, v0  }
0x1f2: {  	[tilespmem:$0x1FAC0] =	vst v9;
	v4 =	vadd.f32 v21, v4;
	v9 =	vadd.f32 v20, v1;
	v1 =	vbroadcast v11, $0x8  }
0x1f3: {  	[tilespmem:$0x1FAF0] =	vst v7;
	v0 =	vmul.f32 v46, v7;
	v7 =	vadd.f32 v27, v6;
	v11 =	vbroadcast v11, $0x9  }
0x1f4: {  	v6 =	vadd.f32 v25, v8;
	v8 =	vadd.f32 v58, v12;
	v14 =	vmul.f32 v46, v1  }
0x1f5: {  	v0 =	vadd.f32 v24, v0;
	v16 =	vmul.f32 v46, v11;
	v12 =	vmul.f32 v44, v1  }
0x1f6: {  	v17 =	vmul.f32 v28, v11;
	v15 =	vadd.f32 v19, v14;
	v14 =	vmul.f32 v44, v11  }
0x1f7: {  	v20 =	vmul.f32 v59, v11;
	v18 =	vadd.f32 v47, v12;
	v12 =	vmul.f32 v28, v1  }
0x1f8: {  	v16 =	vadd.f32 v45, v16;
	v58 =	vadd.f32 v36, v14;
	v14 =	vmul.f32 v59, v1  }
0x1f9: {  	v21 =	vadd.f32 v39, v17;
	v19 =	vadd.f32 v38, v12;
	v12 =	vimm.f32 $+Inf  }
0x1fa: {  	v17 =	vmin.f32 v12, v15;
	v57 =	vadd.f32 v29, v14;
	v14 =	vmul.f32 v28, v10  }
0x1fb: {  	v20 =	vadd.f32 v22, v20;
	v22 =	vmin.f32 v12, v16;
	v17 =	vmin.f32 v17, v18  }
0x1fc: {  	v24 =	vmin.f32 v22, v58;
	v22 =	vadd.f32 v43, v14;
	v14 =	vmin.f32 v17, v19  }
0x1fd: {  	v17 =	vmin.f32 v24, v21;
	v24 =	vmin.f32 v12, v2;
	v27 =	vmin.f32 v14, v57  }
0x1fe: {  	v25 =	vmin.f32 v17, v20;
	v14 =	vmin.f32 v12, v8;
	v17 =	vmin.f32 v12, v0  }
0x1ff: {  	v24 =	vmin.f32 v24, v3;
	v14 =	vmin.f32 v14, v13;
	v17 =	vmin.f32 v17, v5  }
0x200: {  	[tilespmem:$0x1FAB0] =	vst v37;
	v24 =	vmin.f32 v24, v4;
	v14 =	vmin.f32 v14, v22;
	v17 =	vmin.f32 v17, v7  }
0x201: {  	[tilespmem:$0x1FB20] =	vst v10;
	v26 =	vmin.f32 v24, v9;
	v29 =	vmin.f32 v14, v23;
	v28 =	vmin.f32 v17, v6  }
0x202: {  	[tilespmem:$0x1FB00] =	vst v1;
	v14 =	vmin.f32 v12, v62;
	v17 =	vmin.f32 v12, v54;
	v12 =	vmin.f32 v12, v52  }
0x203: {  	s23 =	simm.s32 $0x4820;
	[tilespmem:$0x1FB10] =	vst v11;
	v14 =	vmin.f32 v14, v63;
	v17 =	vmin.f32 v17, v56;
	v12 =	vmin.f32 v12, v51  }
0x204: {  	v33 =	vld [tilespmem:s23+$0xFFFFFFE0];
	v24 =	vmin.f32 v14, v60;
	v17 =	vmin.f32 v17, v55;
	v12 =	vmin.f32 v12, v50  }
0x205: {  	s24 =	simm.s32 $0x0;
	s25 =	simm.s32 $0x2860;
	v24 =	vmin.f32 v24, v61;
	v14 =	vmin.f32 v17, v53;
	v11 =	vmin.f32 v12, v49;
	v17 =	vld [tilespmem:s23+$0xFFFFFFF0]  }
.LBB2_9:
0x206: {  	v12 =	vmin.f32 v15, v16  }
0x207: {  	v59 =	vld [tilespmem:s25+$0xFFFFFFF0];
	v8 =	vmin.f32 v12, v8  }
0x208: {  	v8 =	vmin.f32 v8, v0;
	v0 =	vld [tilespmem:$0x1FAB0];
	_ =	sdelay $0x1  }
0x209: {  	v15 =	vmin.f32 v18, v58;
	v58 =	vld [tilespmem:s25+$0x0];
	_ =	sdelay $0x1  }
0x20a: {  	v12 =	vmin.f32 v15, v13;
	v13 =	vmin.f32 v57, v20;
	v57 =	vld [tilespmem:s25+$0x10]  }
0x20b: {  	v1 =	vmul.f32 v59, v0;
	_ =	sdelay $0x1  }
0x20c: {  	[tilespmem:$0x1F7B0] =	vst v1;
	v1 =	vmul.f32 v58, v0;
	_ =	sdelay $0x1  }
0x20d: {  	[tilespmem:$0x1F7C0] =	vst v1;
	v1 =	vmul.f32 v57, v0  }
0x20e: {  	[tilespmem:$0x1F910] =	vst v14;
	v14 =	vld [tilespmem:s25+$0xFFFFFFE0]  }
0x20f: {  	[tilespmem:$0x1F7E0] =	vst v1;
	v1 =	vld [tilespmem:$0x1FAC0];
	_ =	sdelay $0x1  }
0x210: {  	v13 =	vmin.f32 v13, v23  }
0x211: {  	v5 =	vmin.f32 v12, v5;
	v6 =	vmin.f32 v13, v6;
	v2 =	vmin.f32 v8, v2  }
0x212: {  	v3 =	vmin.f32 v5, v3;
	v5 =	vmin.f32 v2, v62;
	v2 =	vmin.f32 v6, v9  }
0x213: {  	v8 =	vmin.f32 v2, v61;
	v2 =	vmul.f32 v14, v1  }
0x214: {  	v0 =	vmul.f32 v14, v0  }
0x215: {  	[tilespmem:$0x1F7D0] =	vst v2;
	v2 =	vld [tilespmem:$0x1FAD0]  }
0x216: {  	[tilespmem:$0x1F7F0] =	vst v0;
	v0 =	vmul.f32 v59, v1;
	_ =	sdelay $0x1  }
0x217: {  	[tilespmem:$0x1F800] =	vst v0;
	v0 =	vmul.f32 v58, v1;
	_ =	sdelay $0x1  }
0x218: {  	[tilespmem:$0x1F810] =	vst v0;
	v0 =	vmul.f32 v14, v2;
	_ =	sdelay $0x1  }
0x219: {  	[tilespmem:$0x1F830] =	vst v0;
	v0 =	vmul.f32 v57, v1;
	_ =	sdelay $0x1  }
0x21a: {  	v16 =	vmin.f32 v19, v21;
	s22 =	sadd.s32 $0x40, s22;
	[tilespmem:$0x1F820] =	vst v0;
	v0 =	vmul.f32 v59, v2  }
0x21b: {  	v15 =	vmin.f32 v16, v22;
	v16 =	vld [tilespmem:s22+$0xFFFFFFF0]  }
0x21c: {  	[tilespmem:$0x1F840] =	vst v0;
	v0 =	vld [tilespmem:$0x1FA30];
	_ =	sdelay $0x3  }
0x21d: {  	v7 =	vmin.f32 v15, v7;
	v15 =	vld [tilespmem:s22+$0x0]  }
0x21e: {  	v1 =	vmul.f32 v16, v0;
	_ =	sdelay $0x1  }
0x21f: {  	[tilespmem:$0x1F6A0] =	vst v1;
	v1 =	vmul.f32 v58, v2;
	_ =	sdelay $0x1  }
0x220: {  	v4 =	vmin.f32 v7, v4;
	v7 =	vmin.f32 v3, v63;
	v63 =	vld [tilespmem:s22+$0x10];
	[tilespmem:$0x1F850] =	vst v1;
	v1 =	vmul.f32 v15, v0;
	_ =	sdelay $0x1  }
0x221: {  	[tilespmem:$0x1F6B0] =	vst v1;
	v1 =	vmul.f32 v57, v2;
	v2 =	vld [tilespmem:$0x1FAE0];
	_ =	sdelay $0x2  }
0x222: {  	v18 =	vld [tilespmem:s22+$0xFFFFFFE0];
	[tilespmem:$0x1F860] =	vst v1;
	v1 =	vmul.f32 v63, v0;
	_ =	sdelay $0x1  }
0x223: {  	[tilespmem:$0x1F6D0] =	vst v1;
	v1 =	vmul.f32 v14, v2;
	_ =	sdelay $0x1  }
0x224: {  	[tilespmem:$0x1F870] =	vst v1;
	v1 =	vld [tilespmem:$0x1FA40]  }
0x225: {  	v0 =	vmul.f32 v18, v0;
	_ =	sdelay $0x1  }
0x226: {  	[tilespmem:$0x1F6E0] =	vst v0;
	v0 =	vmul.f32 v59, v2;
	_ =	sdelay $0x1  }
0x227: {  	[tilespmem:$0x1F880] =	vst v0;
	v0 =	vmul.f32 v16, v1;
	_ =	sdelay $0x1  }
0x228: {  	[tilespmem:$0x1F6F0] =	vst v0;
	v0 =	vmul.f32 v58, v2;
	_ =	sdelay $0x1  }
0x229: {  	[tilespmem:$0x1F890] =	vst v0;
	v0 =	vmul.f32 v15, v1;
	_ =	sdelay $0x1  }
0x22a: {  	[tilespmem:$0x1F700] =	vst v0;
	v0 =	vmul.f32 v57, v2;
	_ =	sdelay $0x1  }
0x22b: {  	[tilespmem:$0x1F8A0] =	vst v0;
	v0 =	vld [tilespmem:$0x1FA50];
	_ =	sdelay $0x1  }
0x22c: {  	[tilespmem:$0x1F8B0] =	vst v27;
	s21 =	sadd.s32 $0x40, s21;
	v13 =	vmin.f32 v5, v54  }
0x22d: {  	[tilespmem:$0x1F8F0] =	vst v26;
	s20 =	sadd.s32 $0x40, s20;
	v26 =	vld [tilespmem:s21+$0xFFFFFFE0];
	v27 =	vmin.f32 v13, v52  }
0x22e: {  	[tilespmem:$0x1F920] =	vst v11;
	v11 =	vld [tilespmem:s20+$0xFFFFFFF0];
	v27 =	vmin.f32 v33, v27;
	v3 =	vmul.f32 v18, v1;
	v1 =	vmul.f32 v63, v1  }
0x22f: {  	v32 =	vld [tilespmem:s20+$0x0];
	[tilespmem:s23+$0xFFFFFFE0] =	vst v27;
	v2 =	vmul.f32 v18, v0  }
0x230: {  	v33 =	vld [tilespmem:s20+$0x10];
	[tilespmem:$0x1F710] =	vst v1;
	v1 =	vmul.f32 v16, v0  }
0x231: {  	v9 =	vld [tilespmem:s20+$0xFFFFFFE0];
	[tilespmem:$0x1F720] =	vst v2;
	v2 =	vmul.f32 v15, v0;
	v0 =	vmul.f32 v63, v0  }
0x232: {  	[tilespmem:$0x1F730] =	vst v1;
	v1 =	vld [tilespmem:$0x1F930]  }
0x233: {  	[tilespmem:$0x1F760] =	vst v0;
	v0 =	vld [tilespmem:$0x1FA60];
	_ =	sdelay $0x2  }
0x234: {  	v6 =	vmin.f32 v4, v60  }
0x235: {  	[tilespmem:$0x1F8C0] =	vst v25;
	v25 =	vmin.f32 v8, v53;
	v60 =	vadd.f32 v11, v1;
	v53 =	vadd.f32 v32, v1  }
0x236: {  	[tilespmem:$0x1F900] =	vst v24;
	v61 =	vadd.f32 v33, v1;
	v54 =	vadd.f32 v9, v1;
	v1 =	vmul.f32 v16, v0  }
0x237: {  	[tilespmem:$0x1F740] =	vst v2;
	v2 =	vmul.f32 v18, v0  }
0x238: {  	v24 =	vld [tilespmem:s23+$0x10];
	[tilespmem:$0x1F780] =	vst v1;
	v1 =	vmul.f32 v15, v0;
	v0 =	vmul.f32 v63, v0  }
0x239: {  	v12 =	vld [tilespmem:s23+$0x0]  }
0x23a: {  	[tilespmem:$0x1F7A0] =	vst v0;
	v0 =	vld [tilespmem:$0x1F970];
	_ =	sdelay $0x1  }
0x23b: {  	v22 =	vmin.f32 v6, v55  }
0x23c: {  	[tilespmem:$0x1F8E0] =	vst v28;
	v31 =	vmin.f32 v22, v50  }
0x23d: {  	v25 =	vmin.f32 v25, v49;
	v12 =	vmin.f32 v12, v31;
	[tilespmem:$0x1F790] =	vst v1;
	v1 =	vld [tilespmem:$0x1F950]  }
0x23e: {  	v28 =	vld [tilespmem:s21+$0x0];
	[tilespmem:s23+$0x0] =	vst v12;
	v12 =	vmin.f32 v24, v25;
	v62 =	vadd.f32 v9, v0;
	v25 =	vadd.f32 v11, v0  }
0x23f: {  	v35 =	vadd.f32 v32, v0;
	v19 =	vadd.f32 v33, v0;
	v0 =	vld [tilespmem:$0x1F980]  }
0x240: {  	v34 =	vld [tilespmem:$0x1F9F0]  }
0x241: {  	[tilespmem:$0x1F8D0] =	vst v29;
	v29 =	vld [tilespmem:s21+$0x10]  }
0x242: {  	v55 =	vld [tilespmem:s21+$0xFFFFFFF0];
	v47 =	vadd.f32 v9, v1;
	v48 =	vadd.f32 v11, v1  }
0x243: {  	v31 =	vadd.f32 v32, v1;
	v37 =	vadd.f32 v33, v1;
	v1 =	vld [tilespmem:$0x1F9B0]  }
0x244: {  	v4 =	vld [tilespmem:$0x1F960];
	v23 =	vadd.f32 v9, v0;
	v50 =	vadd.f32 v11, v0  }
0x245: {  	v7 =	vmin.f32 v7, v56;
	v38 =	vadd.f32 v32, v0;
	v39 =	vadd.f32 v33, v0;
	v0 =	vld [tilespmem:$0x1F9A0]  }
0x246: {  	v30 =	vmin.f32 v7, v51  }
0x247: {  	v27 =	vmin.f32 v17, v30;
	v24 =	vadd.f32 v11, v34;
	[tilespmem:$0x1F6C0] =	vst v3;
	v3 =	vld [tilespmem:$0x1F940]  }
0x248: {  	v30 =	vadd.f32 v32, v34;
	[tilespmem:s23+$0x10] =	vst v12;
	v13 =	vmul.f32 v26, v1;
	v12 =	vmul.f32 v55, v1  }
0x249: {  	v22 =	vadd.f32 v9, v34;
	v10 =	vmul.f32 v28, v1;
	v8 =	vmul.f32 v29, v1;
	v1 =	vld [tilespmem:$0x1F9C0]  }
0x24a: {  	[tilespmem:s23+$0xFFFFFFF0] =	vst v27;
	v51 =	vmul.f32 v28, v4;
	v27 =	vadd.f32 v9, v0;
	v20 =	vadd.f32 v11, v0  }
0x24b: {  	v52 =	vmul.f32 v29, v4;
	v36 =	vadd.f32 v32, v0;
	v21 =	vadd.f32 v33, v0;
	v0 =	vld [tilespmem:$0x1FA10]  }
0x24c: {  	v49 =	vmul.f32 v26, v4;
	v34 =	vadd.f32 v33, v34;
	v41 =	vadd.f32 v9, v3  }
0x24d: {  	v56 =	vmul.f32 v55, v4;
	v42 =	vadd.f32 v11, v3;
	v44 =	vadd.f32 v32, v3;
	[tilespmem:$0x1F770] =	vst v2;
	v2 =	vld [tilespmem:$0x1F990]  }
0x24e: {  	v46 =	vadd.f32 v33, v3;
	v7 =	vmul.f32 v26, v1;
	v6 =	vmul.f32 v55, v1  }
0x24f: {  	v56 =	vadd.f32 v60, v56;
	v5 =	vmul.f32 v28, v1;
	v4 =	vmul.f32 v29, v1;
	v1 =	vld [tilespmem:$0x1F9D0]  }
0x250: {  	v9 =	vadd.f32 v9, v0;
	v11 =	vadd.f32 v11, v0  }
0x251: {  	v32 =	vadd.f32 v32, v0;
	v33 =	vadd.f32 v33, v0;
	v0 =	vld [tilespmem:$0x1F9E0]  }
0x252: {  	v52 =	vadd.f32 v61, v52;
	v40 =	vmul.f32 v26, v2;
	v43 =	vmul.f32 v55, v2  }
0x253: {  	v45 =	vmul.f32 v28, v2;
	v7 =	vadd.f32 v62, v7;
	v62 =	vadd.f32 v35, v5;
	v5 =	vld [tilespmem:$0x1F6A0]  }
0x254: {  	v17 =	vmul.f32 v29, v2;
	v61 =	vadd.f32 v47, v13;
	v47 =	vld [tilespmem:$0x1FA20];
	v3 =	vmul.f32 v26, v1  }
0x255: {  	v40 =	vadd.f32 v41, v40;
	v2 =	vmul.f32 v55, v1;
	v60 =	vmul.f32 v28, v1  }
0x256: {  	v41 =	vmul.f32 v29, v1;
	v1 =	vadd.f32 v31, v10;
	v31 =	vmul.f32 v29, v0;
	_ =	sdelay $0x1  }
0x257: {  	v21 =	vadd.f32 v21, v31;
	v31 =	vadd.f32 v56, v5;
	v5 =	vld [tilespmem:$0x1F6B0]  }
0x258: {  	v4 =	vadd.f32 v19, v4;
	v19 =	vmul.f32 v55, v47  }
0x259: {  	v51 =	vadd.f32 v53, v51;
	v49 =	vadd.f32 v54, v49  }
0x25a: {  	v54 =	vadd.f32 v46, v17;
	v46 =	vld [tilespmem:$0x1FA00];
	v11 =	vadd.f32 v11, v19;
	v19 =	vmul.f32 v29, v47;
	_ =	sdelay $0x1  }
0x25b: {  	v19 =	vadd.f32 v33, v19;
	v33 =	vadd.f32 v51, v5;
	v5 =	vld [tilespmem:$0x1F6C0]  }
0x25c: {  	v10 =	vadd.f32 v25, v6;
	v25 =	vmul.f32 v26, v47;
	_ =	sdelay $0x1  }
0x25d: {  	v9 =	vadd.f32 v9, v25;
	v25 =	vmul.f32 v29, v46;
	_ =	sdelay $0x1  }
0x25e: {  	v25 =	vadd.f32 v34, v25;
	v34 =	vadd.f32 v40, v5;
	v5 =	vld [tilespmem:$0x1F6E0];
	_ =	sdelay $0x3  }
0x25f: {  	v3 =	vadd.f32 v23, v3  }
0x260: {  	v23 =	vadd.f32 v38, v60;
	v38 =	vadd.f32 v49, v5;
	v5 =	vld [tilespmem:$0x1F6F0];
	_ =	sdelay $0x2  }
0x261: {  	v42 =	vadd.f32 v42, v43  }
0x262: {  	[tilespmem:$0x1F750] =	vst v1;
	v1 =	vadd.f32 v37, v8;
	v37 =	vmul.f32 v26, v46  }
0x263: {  	v53 =	vmul.f32 v26, v0;
	v26 =	vadd.f32 v39, v41;
	v39 =	vadd.f32 v42, v5;
	v5 =	vld [tilespmem:$0x1F700]  }
0x264: {  	v44 =	vadd.f32 v44, v45  }
0x265: {  	v43 =	vmul.f32 v55, v0;
	v45 =	vmul.f32 v28, v0;
	v0 =	vadd.f32 v50, v2;
	v2 =	vld [tilespmem:$0x1FA70];
	_ =	sdelay $0x1  }
0x266: {  	v17 =	vmul.f32 v55, v46  }
0x267: {  	v50 =	vadd.f32 v20, v43;
	v43 =	vmul.f32 v28, v46;
	v41 =	vadd.f32 v44, v5;
	v5 =	vld [tilespmem:$0x1F710]  }
0x268: {  	v17 =	vadd.f32 v24, v17;
	v28 =	vmul.f32 v28, v47  }
0x269: {  	v29 =	vadd.f32 v30, v43;
	v24 =	vmul.f32 v18, v2;
	v30 =	vmul.f32 v16, v2  }
0x26a: {  	v28 =	vadd.f32 v32, v28;
	v32 =	vmul.f32 v15, v2;
	v35 =	vmul.f32 v63, v2;
	v2 =	vld [tilespmem:$0x1F6D0];
	_ =	sdelay $0x1  }
0x26b: {  	v13 =	vadd.f32 v54, v5;
	v5 =	vld [tilespmem:$0x1F720];
	_ =	sdelay $0x2  }
0x26c: {  	v20 =	vadd.f32 v36, v45;
	v36 =	vadd.f32 v52, v2;
	v2 =	vld [tilespmem:$0x1FA80];
	_ =	sdelay $0x1  }
0x26d: {  	v48 =	vadd.f32 v48, v12;
	v12 =	vadd.f32 v61, v5;
	v5 =	vld [tilespmem:$0x1F730];
	_ =	sdelay $0x2  }
0x26e: {  	v6 =	vld [tilespmem:$0x1F750];
	v27 =	vadd.f32 v27, v53;
	v52 =	vmul.f32 v18, v2;
	v53 =	vmul.f32 v16, v2  }
0x26f: {  	v55 =	vmul.f32 v15, v2;
	v56 =	vmul.f32 v63, v2;
	v2 =	vld [tilespmem:$0x1F760]  }
0x270: {  	v8 =	vadd.f32 v48, v5;
	v5 =	vld [tilespmem:$0x1F740];
	_ =	sdelay $0x4  }
0x271: {  	v48 =	vadd.f32 v6, v5;
	v6 =	vadd.f32 v1, v2;
	v1 =	vld [tilespmem:$0x1F770];
	_ =	sdelay $0x4  }
0x272: {  	v7 =	vadd.f32 v7, v1;
	v1 =	vld [tilespmem:$0x1F780];
	_ =	sdelay $0x4  }
0x273: {  	v5 =	vadd.f32 v10, v1;
	v1 =	vld [tilespmem:$0x1F790];
	_ =	sdelay $0x1  }
0x274: {  	v60 =	vld [tilespmem:$0x1FA90];
	_ =	sdelay $0x2  }
0x275: {  	v45 =	vadd.f32 v62, v1;
	v1 =	vld [tilespmem:$0x1F7A0]  }
0x276: {  	v10 =	vld [tilespmem:$0x1FAA0]  }
0x277: {  	v2 =	vmul.f32 v16, v60;
	_ =	sdelay $0x1  }
0x278: {  	v22 =	vadd.f32 v22, v37;
	v17 =	vadd.f32 v17, v2  }
0x279: {  	v46 =	vadd.f32 v4, v1;
	v1 =	vadd.f32 v3, v24  }
0x27a: {  	v24 =	vadd.f32 v0, v30;
	v0 =	vmul.f32 v16, v10;
	v16 =	vadd.f32 v23, v32  }
0x27b: {  	v61 =	vmul.f32 v18, v60;
	v23 =	vadd.f32 v26, v35;
	v26 =	vadd.f32 v27, v52  }
0x27c: {  	v3 =	vmul.f32 v15, v60;
	v11 =	vadd.f32 v11, v0;
	v0 =	vmul.f32 v63, v10  }
0x27d: {  	v2 =	vld [tilespmem:$0x1FAF0];
	v27 =	vadd.f32 v20, v55;
	v20 =	vadd.f32 v22, v61  }
0x27e: {  	v22 =	vadd.f32 v29, v3;
	v29 =	vadd.f32 v19, v0;
	v0 =	vld [tilespmem:$0x1F7B0];
	_ =	sdelay $0x1  }
0x27f: {  	v15 =	vmul.f32 v15, v10  }
0x280: {  	v30 =	vadd.f32 v21, v56  }
0x281: {  	v21 =	vmul.f32 v14, v2;
	v28 =	vadd.f32 v28, v15;
	v15 =	vmul.f32 v59, v2  }
0x282: {  	v19 =	vmul.f32 v58, v2;
	v51 =	vadd.f32 v31, v0;
	v31 =	vmul.f32 v57, v2;
	v2 =	vld [tilespmem:$0x1F7F0];
	_ =	sdelay $0x3  }
0x283: {  	v0 =	vld [tilespmem:$0x1F7C0]  }
0x284: {  	v52 =	vadd.f32 v38, v2;
	v2 =	vld [tilespmem:$0x1F800];
	_ =	sdelay $0x3  }
0x285: {  	v37 =	vadd.f32 v50, v53;
	v50 =	vadd.f32 v33, v0;
	v0 =	vld [tilespmem:$0x1F7D0]  }
0x286: {  	v56 =	vadd.f32 v39, v2;
	v2 =	vld [tilespmem:$0x1F810];
	_ =	sdelay $0x3  }
0x287: {  	v54 =	vadd.f32 v34, v0;
	v0 =	vld [tilespmem:$0x1F7E0]  }
0x288: {  	v55 =	vadd.f32 v41, v2;
	v2 =	vld [tilespmem:$0x1F820];
	_ =	sdelay $0x3  }
0x289: {  	v49 =	vadd.f32 v36, v0;
	v0 =	vld [tilespmem:$0x1FB20]  }
0x28a: {  	v53 =	vadd.f32 v13, v2;
	v2 =	vld [tilespmem:$0x1F830];
	_ =	sdelay $0x4  }
0x28b: {  	v40 =	vmul.f32 v14, v0;
	v42 =	vmul.f32 v59, v0;
	v62 =	vadd.f32 v12, v2;
	v2 =	vld [tilespmem:$0x1F840]  }
0x28c: {  	v43 =	vmul.f32 v57, v0;
	v12 =	vmul.f32 v58, v0;
	v0 =	vld [tilespmem:$0x1F860];
	_ =	sdelay $0x1  }
0x28d: {  	v18 =	vmul.f32 v18, v10;
	_ =	sdelay $0x1  }
0x28e: {  	v18 =	vadd.f32 v9, v18;
	v9 =	vmul.f32 v63, v60;
	v63 =	vadd.f32 v8, v2;
	v2 =	vld [tilespmem:$0x1F850]  }
0x28f: {  	v61 =	vadd.f32 v6, v0;
	v0 =	vld [tilespmem:$0x1F870];
	_ =	sdelay $0x4  }
0x290: {  	v60 =	vadd.f32 v48, v2;
	v2 =	vadd.f32 v7, v0;
	v0 =	vld [tilespmem:$0x1F880];
	_ =	sdelay $0x4  }
0x291: {  	v3 =	vadd.f32 v5, v0;
	v0 =	vld [tilespmem:$0x1F890];
	_ =	sdelay $0x2  }
0x292: {  	v44 =	vld [tilespmem:$0x1FB00]  }
0x293: {  	v48 =	vld [tilespmem:$0x1FB10]  }
0x294: {  	v4 =	vadd.f32 v45, v0;
	v0 =	vld [tilespmem:$0x1F8A0];
	_ =	sdelay $0x2  }
0x295: {  	v47 =	vmul.f32 v14, v44  }
0x296: {  	v25 =	vadd.f32 v25, v9;
	v10 =	vmul.f32 v14, v48;
	v14 =	vmul.f32 v58, v44  }
0x297: {  	v9 =	vadd.f32 v46, v0;
	v0 =	vadd.f32 v1, v21;
	v21 =	vmul.f32 v59, v48  }
0x298: {  	v7 =	vadd.f32 v16, v19;
	v19 =	vadd.f32 v22, v14;
	v14 =	vld [tilespmem:$0x1F8C0]  }
0x299: {  	v16 =	vadd.f32 v18, v10;
	v10 =	vmul.f32 v58, v48;
	v58 =	vadd.f32 v11, v21;
	v11 =	vld [tilespmem:$0x1F8B0];
	_ =	sdelay $0x1  }
0x29a: {  	v1 =	vmul.f32 v59, v44  }
0x29b: {  	v5 =	vadd.f32 v24, v15;
	v15 =	vadd.f32 v20, v47  }
0x29c: {  	v14 =	vmin.f32 v14, v16;
	v18 =	vadd.f32 v17, v1;
	v1 =	vmul.f32 v57, v44  }
0x29d: {  	v21 =	vadd.f32 v28, v10;
	v10 =	vmul.f32 v57, v48;
	v11 =	vmin.f32 v11, v15  }
0x29e: {  	v57 =	vadd.f32 v25, v1;
	v1 =	vmin.f32 v11, v18;
	v11 =	vmin.f32 v14, v58  }
0x29f: {  	v20 =	vadd.f32 v29, v10;
	v1 =	vmin.f32 v1, v19;
	v10 =	vmin.f32 v11, v21;
	v11 =	vld [tilespmem:$0x1F8F0]  }
0x2a0: {  	v22 =	vadd.f32 v27, v12;
	v27 =	vmin.f32 v1, v57;
	v1 =	vld [tilespmem:$0x1F8D0]  }
0x2a1: {  	v25 =	vmin.f32 v10, v20;
	v10 =	vld [tilespmem:$0x1F8E0];
	_ =	sdelay $0x1  }
0x2a2: {  	v8 =	vadd.f32 v26, v40  }
0x2a3: {  	v13 =	vadd.f32 v37, v42;
	v6 =	vadd.f32 v23, v31;
	v11 =	vmin.f32 v11, v2  }
0x2a4: {  	v23 =	vadd.f32 v30, v43;
	v1 =	vmin.f32 v1, v8;
	v11 =	vmin.f32 v11, v3  }
0x2a5: {  	v10 =	vmin.f32 v10, v0;
	v1 =	vmin.f32 v1, v13;
	v11 =	vmin.f32 v11, v4  }
0x2a6: {  	v10 =	vmin.f32 v10, v5;
	v1 =	vmin.f32 v1, v22;
	v26 =	vmin.f32 v11, v9;
	v11 =	vld [tilespmem:$0x1F920]  }
0x2a7: {  	v10 =	vmin.f32 v10, v7;
	v29 =	vmin.f32 v1, v23;
	v1 =	vld [tilespmem:$0x1F900]  }
0x2a8: {  	v28 =	vmin.f32 v10, v6;
	v10 =	vld [tilespmem:$0x1F910];
	_ =	sdelay $0x1  }
0x2a9: {  	s24 =	sadd.s32 $0x4, s24  }
0x2aa: {  	p0 =	slt.u32 s24, $0xFC  }
.Ltmp3:
0x2ab: {  	_ = 	snop;
	(pc) =	sbr.rel @p0 .LBB2_9-.Ltmp3, $4  }
0x2ac: {  	v11 =	vmin.f32 v11, v52;
	v1 =	vmin.f32 v1, v62;
	v10 =	vmin.f32 v10, v54  }
0x2ad: {  	s23 =	sadd.s32 $0x40, s23;
	v11 =	vmin.f32 v11, v51;
	v1 =	vmin.f32 v1, v63;
	v10 =	vmin.f32 v10, v56  }
0x2ae: {  	v33 =	vld [tilespmem:s23+$0xFFFFFFE0];
	v11 =	vmin.f32 v11, v50;
	v1 =	vmin.f32 v1, v60;
	v10 =	vmin.f32 v10, v55  }
0x2af: {  	s25 =	sadd.s32 $0x40, s25;
	v17 =	vld [tilespmem:s23+$0xFFFFFFF0];
	v11 =	vmin.f32 v11, v49;
	v24 =	vmin.f32 v1, v61;
	v14 =	vmin.f32 v10, v53  }
0x2b0: {  	v1 =	vld [tilespmem:$0x1FD40];
	_ =	sdelay $0x1  }
0x2b1: {  	v40 =	vld [tilespmem:$0x1FD50];
	_ =	sdelay $0x1  }
0x2b2: {  	v41 =	vld [tilespmem:$0x1FD60]  }
0x2b3: {  	(xrf0) =	vmin.scan.msk.f32 $0xffff, v1  }
0x2b4: {  	v10 =	vld [tilespmem:$0x1FD70]  }
0x2b5: {  	(xrf0) =	vmin.scan.msk.f32 $0xffff, v40  }
0x2b6: {  	v44 =	vld [tilespmem:$0x1FD80]  }
0x2b7: {  	(xrf0) =	vmin.scan.msk.f32 $0xffff, v41  }
0x2b8: {  	v46 =	vld [tilespmem:$0x1FD90]  }
0x2b9: {  	v42, _, _ =	vpop (xrf0);
	(xrf0) =	vmin.scan.msk.f32 $0xffff, v10  }
0x2ba: {  	v48 =	vld [tilespmem:$0x1FDA0];
	(v2sf) =	vpush v42, $0xF  }
0x2bb: {  	v43, _, _ =	vpop (xrf0);
	(xrf0) =	vmin.scan.msk.f32 $0xffff, v44  }
0x2bc: {  	v12 =	vld [tilespmem:$0x1FDB0];
	(v2sf) =	vpush v43, $0xF  }
0x2bd: {  	v45, _, _ =	vpop (xrf0);
	(xrf0) =	vmin.scan.msk.f32 $0xffff, v46  }
0x2be: {  	(v2sf) =	vpush v45, $0xF  }
0x2bf: {  	v47, _, _ =	vpop (xrf0);
	(xrf0) =	vmin.scan.msk.f32 $0xffff, v48  }
0x2c0: {  	(v2sf) =	vpush v47, $0xF  }
0x2c1: {  	v59, _, _ =	vpop (xrf0);
	(xrf0) =	vmin.scan.msk.f32 $0xffff, v12  }
0x2c2: {  	(v2sf) =	vpush v59, $0xF  }
0x2c3: {  	v30, _, _ =	vpop (xrf0);
	(xrf0) =	vmin.scan.msk.f32 $0xffff, v27  }
0x2c4: {  	(v2sf) =	vpush v30, $0xF  }
0x2c5: {  	v31, _, _ =	vpop (xrf0);
	(xrf0) =	vmin.scan.msk.f32 $0xffff, v25  }
0x2c6: {  	(v2sf) =	vpush v31, $0xF  }
0x2c7: {  	v32, _, _ =	vpop (xrf0);
	(xrf0) =	vmin.scan.msk.f32 $0xffff, v29  }
0x2c8: {  	(v2sf) =	vpush v32, $0xF  }
0x2c9: {  	v34, _, _ =	vpop (xrf0);
	(xrf0) =	vmin.scan.msk.f32 $0xffff, v28;
	s20 =	spop (v2sf)  }
0x2ca: {  	(v2sf) =	vpush v34, $0xF;
	s20 =	sadd.f32 s20, s20  }
0x2cb: {  	s21 =	spop (v2sf);
	v35, _, _ =	vpop (xrf0);
	(xrf0) =	vmin.scan.msk.f32 $0xffff, v26  }
0x2cc: {  	s21 =	sadd.f32 s21, s21;
	s20 =	smax.f32 s20, $0.0e+00;
	(v2sf) =	vpush v35, $0xF  }
0x2cd: {  	s22 =	spop (v2sf);
	v36, _, _ =	vpop (xrf0);
	(xrf0) =	vmin.scan.msk.f32 $0xffff, v24;
	s19 =	sadd.f32 s20, s19  }
0x2ce: {  	s21 =	smax.f32 s21, $0.0e+00;
	s20 =	sadd.f32 s22, s22;
	(v2sf) =	vpush v36, $0xF  }
0x2cf: {  	v37, _, _ =	vpop (xrf0);
	(xrf0) =	vmin.scan.msk.f32 $0xffff, v14;
	s19 =	sadd.f32 s21, s19;
	s24 =	spop (v2sf)  }
0x2d0: {  	s20 =	smax.f32 s20, $0.0e+00;
	(v2sf) =	vpush v37, $0xF;
	s21 =	sadd.f32 s24, s24  }
0x2d1: {  	s25 =	spop (v2sf);
	s19 =	sadd.f32 s20, s19;
	v38, _, _ =	vpop (xrf0)  }
0x2d2: {  	(xrf0) =	vmin.scan.msk.f32 $0xffff, v11;
	s20 =	sadd.f32 s25, s25;
	s21 =	smax.f32 s21, $0.0e+00;
	(v2sf) =	vpush v38, $0xF  }
0x2d3: {  	s22 =	spop (v2sf);
	v39, _, _ =	vpop (xrf0);
	s19 =	sadd.f32 s21, s19  }
0x2d4: {  	s20 =	smax.f32 s20, $0.0e+00;
	s21 =	sadd.f32 s22, s22;
	(v2sf) =	vpush v39, $0xF  }
0x2d5: {  	v40, _, _ =	vpop (xrf0);
	s19 =	sadd.f32 s20, s19;
	s24 =	spop (v2sf)  }
0x2d6: {  	s21 =	smax.f32 s21, $0.0e+00;
	(v2sf) =	vpush v40, $0xF;
	s20 =	sadd.f32 s24, s24  }
0x2d7: {  	s25 =	spop (v2sf);
	s19 =	sadd.f32 s21, s19  }
0x2d8: {  	v41, _, _ =	vpop (xrf0);
	s21 =	sadd.f32 s25, s25;
	s20 =	smax.f32 s20, $0.0e+00  }
0x2d9: {  	(v2sf) =	vpush v41, $0xF;
	s22 =	spop (v2sf);
	s19 =	sadd.f32 s20, s19  }
0x2da: {  	s21 =	smax.f32 s21, $0.0e+00;
	s20 =	sadd.f32 s22, s22  }
0x2db: {  	s19 =	sadd.f32 s21, s19;
	s24 =	spop (v2sf)  }
0x2dc: {  	s20 =	smax.f32 s20, $0.0e+00;
	s21 =	sadd.f32 s24, s24  }
0x2dd: {  	s25 =	spop (v2sf);
	s19 =	sadd.f32 s20, s19  }
0x2de: {  	s20 =	sadd.f32 s25, s25;
	s21 =	smax.f32 s21, $0.0e+00  }
0x2df: {  	s22 =	spop (v2sf);
	s19 =	sadd.f32 s21, s19  }
0x2e0: {  	v42 =	vmin.f32 v15, v16;
	v44 =	vmin.f32 v19, v21;
	s20 =	smax.f32 s20, $0.0e+00;
	s21 =	sadd.f32 s22, s22  }
0x2e1: {  	v43 =	vmin.f32 v18, v58;
	v1 =	vmin.f32 v42, v8;
	v46 =	vmin.f32 v57, v20;
	s19 =	sadd.f32 s20, s19;
	s24 =	spop (v2sf)  }
0x2e2: {  	v45 =	vmin.f32 v43, v13;
	v0 =	vmin.f32 v1, v0;
	v10 =	vmin.f32 v46, v23;
	s21 =	smax.f32 s21, $0.0e+00;
	s20 =	sadd.f32 s24, s24  }
0x2e3: {  	v5 =	vmin.f32 v45, v5;
	v6 =	vmin.f32 v10, v6;
	v0 =	vmin.f32 v0, v2;
	s25 =	spop (v2sf);
	s19 =	sadd.f32 s21, s19  }
0x2e4: {  	v0 =	vmin.f32 v0, v62;
	v58 =	vmin.f32 v6, v9;
	v47 =	vmin.f32 v44, v22;
	s21 =	sadd.f32 s25, s25;
	s20 =	smax.f32 s20, $0.0e+00  }
0x2e5: {  	v57 =	vld [tilespmem:s23+$0x0];
	v48 =	vmin.f32 v5, v3;
	v0 =	vmin.f32 v0, v54;
	v1 =	vmin.f32 v47, v7;
	s22 =	spop (v2sf);
	s19 =	sadd.f32 s20, s19  }
0x2e6: {  	s18 =	sadd.s32 $0x1, s18;
	v2 =	vmin.f32 v48, v63;
	v0 =	vmin.f32 v0, v52;
	v59 =	vld [tilespmem:s23+$0x10];
	v1 =	vmin.f32 v1, v4;
	s21 =	smax.f32 s21, $0.0e+00;
	s20 =	sadd.f32 s22, s22  }
0x2e7: {  	p0 =	sne.s32 s18, $0x20;
	v2 =	vmin.f32 v2, v56;
	v0 =	vmin.f32 v33, v0;
	v1 =	vmin.f32 v1, v60;
	s19 =	sadd.f32 s21, s19  }
.Ltmp4:
0x2e8: {  	v4 =	vmin.f32 v58, v61;
	v2 =	vmin.f32 v2, v51;
	v1 =	vmin.f32 v1, v55;
	s24 =	spop (v2sf);
	(pc) =	sbr.rel @p0 .LBB2_6-.Ltmp4, $4  }
0x2e9: {  	[tilespmem:s23+$0xFFFFFFE0] =	vst v0;
	v4 =	vmin.f32 v4, v53;
	v60 =	vmin.f32 v17, v2;
	v1 =	vmin.f32 v1, v50;
	s20 =	smax.f32 s20, $0.0e+00;
	s21 =	sadd.f32 s24, s24  }
0x2ea: {  	v61 =	vmin.f32 v4, v49;
	[tilespmem:s23+$0xFFFFFFF0] =	vst v60;
	v62 =	vmin.f32 v57, v1;
	s19 =	sadd.f32 s20, s19  }
0x2eb: {  	v63 =	vmin.f32 v59, v61;
	[tilespmem:s23+$0x0] =	vst v62;
	s25 =	smax.f32 s21, $0.0e+00  }
0x2ec: {  	[tilespmem:s23+$0x10] =	vst v63;
	s19 =	sadd.f32 s25, s19  }
0x2ed: {  	_ = 	snop  }
0x2ee: {  	v0 =	vmov s19  }
0x2ef: {  	v0 =	vnsel vm0, $0x0, v0  }
0x2f0: {  	s18 =	simm.s32 $0x0;
	s23 =	rddreg [dreg:$0xc];
	s25 =	simm.s32 $0x6800;
	[tilespmem:$0x6800] =	vst v0  }
0x2f1: {  	[hbm4b:s23+s18] =	stream.linear.scatter [tilespmem:s25], [sflag:$0x1], $0x10, $0x38;
	[tilespmem:$0x7880] =	vst v63  }
0x2f2: {  	_ =	swait.ge [sflag:s16], $0x10  }
0x2f3: {  	[sflag:s16] =	ssyncset.done $0x0  }
0x2f4: {  	s20 =	simm.s32 $0x4800;
	s24 =	rddreg [dreg:$0xd];
	[sflag:s16] =	ssyncadd.s32 $0xFFFFFFF0  }
0x2f5: {  	[spmem:s24] =	stream.linear.scatter [tilespmem:s20], [sflag:$0x1], $0x1000, $0x38;
	[tilespmem:$0x7880] =	vst v63  }
0x2f6: {  	_ =	swait.ge [sflag:s16], $0x1000  }
0x2f7: {  	[sflag:s16] =	ssyncset.done $0x0  }
0x2f8: {  	[sflag:s16] =	ssyncadd.s32 $0xFFFFF000  }
0x2f9: {  	s20 =	simm.s32 $0x5800;
	[bflag:$0x0] =	sbarrier.arrive $0xFFFF  }
0x2fa: {  	[tilespmem:s20], [sflag:$0x1] =	stream.linear.gather [spmem:s10], $0x80, $0x38;
	[tilespmem:$0x7880] =	vst v63  }
0x2fb: {  	s22 =	simm.s32 $0x5C00;
	s21 =	rddreg [dreg:$0x17]  }
0x2fc: {  	[tilespmem:s22], [sflag:$0x1] =	stream.linear.gather [spmem:s21], $0x80, $0x38;
	[tilespmem:$0x7880] =	vst v63  }
0x2fd: {  	s24 =	simm.s32 $0x6000;
	s23 =	rddreg [dreg:$0x18]  }
0x2fe: {  	[tilespmem:s24], [sflag:$0x1] =	stream.linear.gather [spmem:s23], $0x80, $0x38;
	[tilespmem:$0x7880] =	vst v63  }
0x2ff: {  	s21 =	rddreg [dreg:$0x19];
	s22 =	simm.s32 $0x6400  }
0x300: {  	[tilespmem:s22], [sflag:$0x1] =	stream.linear.gather [spmem:s21], $0x80, $0x38;
	[tilespmem:$0x7880] =	vst v63  }
0x301: {  	_ =	swait.ge [sflag:s16], $0x200  }
0x302: {  	[sflag:s16] =	ssyncset.done $0x0  }
0x303: {  	s24 =	simm.s32 $0x5880;
	s23 =	rddreg [dreg:$0xe];
	[sflag:s16] =	ssyncadd.s32 $0xFFFFFE00  }
0x304: {  	[tilespmem:s24], [sflag:$0x1] =	stream.linear.gather [spmem:s23], $0x80, $0x38;
	[tilespmem:$0x7880] =	vst v63  }
0x305: {  	s22 =	simm.s32 $0x5C80;
	s21 =	rddreg [dreg:$0x1a]  }
0x306: {  	[tilespmem:s22], [sflag:$0x1] =	stream.linear.gather [spmem:s21], $0x80, $0x38;
	[tilespmem:$0x7880] =	vst v63  }
0x307: {  	s23 =	rddreg [dreg:$0x1b];
	s24 =	simm.s32 $0x6080  }
0x308: {  	[tilespmem:s24], [sflag:$0x1] =	stream.linear.gather [spmem:s23], $0x80, $0x38;
	[tilespmem:$0x7880] =	vst v63  }
0x309: {  	s21 =	simm.s32 $0x6480  }
0x30a: {  	[tilespmem:s21], [sflag:$0x1] =	stream.linear.gather [spmem:s26], $0x80, $0x38;
	[tilespmem:$0x7880] =	vst v63  }
0x30b: {  	_ =	swait.ge [sflag:s16], $0x200  }
0x30c: {  	[sflag:s16] =	ssyncset.done $0x0  }
0x30d: {  	s23 =	simm.s32 $0x5900;
	s22 =	rddreg [dreg:$0xf];
	[sflag:s16] =	ssyncadd.s32 $0xFFFFFE00  }
0x30e: {  	[tilespmem:s23], [sflag:$0x1] =	stream.linear.gather [spmem:s22], $0x80, $0x38;
	[tilespmem:$0x7880] =	vst v63  }
0x30f: {  	s24 =	simm.s32 $0x5D00  }
0x310: {  	[tilespmem:s24], [sflag:$0x1] =	stream.linear.gather [spmem:s28], $0x80, $0x38;
	[tilespmem:$0x7880] =	vst v63  }
0x311: {  	s20 =	simm.s32 $0x6100  }
0x312: {  	[tilespmem:s20], [sflag:$0x1] =	stream.linear.gather [spmem:s29], $0x80, $0x38;
	[tilespmem:$0x7880] =	vst v63  }
0x313: {  	s21 =	simm.s32 $0x6500  }
0x314: {  	[tilespmem:s21], [sflag:$0x1] =	stream.linear.gather [spmem:s30], $0x80, $0x38;
	[tilespmem:$0x7880] =	vst v63  }
0x315: {  	_ =	swait.ge [sflag:s16], $0x200  }
0x316: {  	[sflag:s16] =	ssyncset.done $0x0  }
0x317: {  	s23 =	simm.s32 $0x5980;
	s22 =	rddreg [dreg:$0x10];
	[sflag:s16] =	ssyncadd.s32 $0xFFFFFE00  }
0x318: {  	[tilespmem:s23], [sflag:$0x1] =	stream.linear.gather [spmem:s22], $0x80, $0x38;
	[tilespmem:$0x7880] =	vst v63  }
0x319: {  	s24 =	simm.s32 $0x5D80  }
0x31a: {  	[tilespmem:s24], [sflag:$0x1] =	stream.linear.gather [spmem:s31], $0x80, $0x38;
	[tilespmem:$0x7880] =	vst v63  }
0x31b: {  	s20 =	simm.s32 $0x6180  }
0x31c: {  	[tilespmem:s20], [sflag:$0x1] =	stream.linear.gather [spmem:s1], $0x80, $0x38;
	[tilespmem:$0x7880] =	vst v63  }
0x31d: {  	s21 =	simm.s32 $0x6580  }
0x31e: {  	[tilespmem:s21], [sflag:$0x1] =	stream.linear.gather [spmem:s0], $0x80, $0x38;
	[tilespmem:$0x7880] =	vst v63  }
0x31f: {  	_ =	swait.ge [sflag:s16], $0x200  }
0x320: {  	[sflag:s16] =	ssyncset.done $0x0  }
0x321: {  	s23 =	simm.s32 $0x5A00;
	s22 =	rddreg [dreg:$0x11];
	[sflag:s16] =	ssyncadd.s32 $0xFFFFFE00  }
0x322: {  	[tilespmem:s23], [sflag:$0x1] =	stream.linear.gather [spmem:s22], $0x80, $0x38;
	[tilespmem:$0x7880] =	vst v63  }
0x323: {  	s24 =	simm.s32 $0x5E00  }
0x324: {  	[tilespmem:s24], [sflag:$0x1] =	stream.linear.gather [spmem:s3], $0x80, $0x38;
	[tilespmem:$0x7880] =	vst v63  }
0x325: {  	s20 =	simm.s32 $0x6200  }
0x326: {  	[tilespmem:s20], [sflag:$0x1] =	stream.linear.gather [spmem:s4], $0x80, $0x38;
	[tilespmem:$0x7880] =	vst v63  }
0x327: {  	s21 =	simm.s32 $0x6600  }
0x328: {  	[tilespmem:s21], [sflag:$0x1] =	stream.linear.gather [spmem:s5], $0x80, $0x38;
	[tilespmem:$0x7880] =	vst v63  }
0x329: {  	_ =	swait.ge [sflag:s16], $0x200  }
0x32a: {  	[sflag:s16] =	ssyncset.done $0x0  }
0x32b: {  	s23 =	simm.s32 $0x5A80;
	s22 =	rddreg [dreg:$0x12];
	[sflag:s16] =	ssyncadd.s32 $0xFFFFFE00  }
0x32c: {  	[tilespmem:s23], [sflag:$0x1] =	stream.linear.gather [spmem:s22], $0x80, $0x38;
	[tilespmem:$0x7880] =	vst v63  }
0x32d: {  	s24 =	simm.s32 $0x5E80  }
0x32e: {  	[tilespmem:s24], [sflag:$0x1] =	stream.linear.gather [spmem:s6], $0x80, $0x38;
	[tilespmem:$0x7880] =	vst v63  }
0x32f: {  	s20 =	simm.s32 $0x6280  }
0x330: {  	[tilespmem:s20], [sflag:$0x1] =	stream.linear.gather [spmem:s7], $0x80, $0x38;
	[tilespmem:$0x7880] =	vst v63  }
0x331: {  	s21 =	simm.s32 $0x6680  }
0x332: {  	[tilespmem:s21], [sflag:$0x1] =	stream.linear.gather [spmem:s8], $0x80, $0x38;
	[tilespmem:$0x7880] =	vst v63  }
0x333: {  	_ =	swait.ge [sflag:s16], $0x200  }
0x334: {  	[sflag:s16] =	ssyncset.done $0x0  }
0x335: {  	s23 =	simm.s32 $0x5B00;
	s22 =	rddreg [dreg:$0x13];
	[sflag:s16] =	ssyncadd.s32 $0xFFFFFE00  }
0x336: {  	[tilespmem:s23], [sflag:$0x1] =	stream.linear.gather [spmem:s22], $0x80, $0x38;
	[tilespmem:$0x7880] =	vst v63  }
0x337: {  	s24 =	simm.s32 $0x5F00  }
0x338: {  	[tilespmem:s24], [sflag:$0x1] =	stream.linear.gather [spmem:s9], $0x80, $0x38;
	[tilespmem:$0x7880] =	vst v63  }
0x339: {  	s20 =	simm.s32 $0x6300  }
0x33a: {  	[tilespmem:s20], [sflag:$0x1] =	stream.linear.gather [spmem:s11], $0x80, $0x38;
	[tilespmem:$0x7880] =	vst v63  }
0x33b: {  	s21 =	simm.s32 $0x6700  }
0x33c: {  	[tilespmem:s21], [sflag:$0x1] =	stream.linear.gather [spmem:s12], $0x80, $0x38;
	[tilespmem:$0x7880] =	vst v63  }
0x33d: {  	_ =	swait.ge [sflag:s16], $0x200  }
0x33e: {  	[sflag:s16] =	ssyncset.done $0x0  }
0x33f: {  	s23 =	simm.s32 $0x5B80;
	s22 =	rddreg [dreg:$0x14];
	[sflag:s16] =	ssyncadd.s32 $0xFFFFFE00  }
0x340: {  	[tilespmem:s23], [sflag:$0x1] =	stream.linear.gather [spmem:s22], $0x80, $0x38;
	[tilespmem:$0x7880] =	vst v63  }
0x341: {  	s24 =	simm.s32 $0x5F80  }
0x342: {  	[tilespmem:s24], [sflag:$0x1] =	stream.linear.gather [spmem:s13], $0x80, $0x38;
	[tilespmem:$0x7880] =	vst v63  }
0x343: {  	s20 =	simm.s32 $0x6380  }
0x344: {  	[tilespmem:s20], [sflag:$0x1] =	stream.linear.gather [spmem:s14], $0x80, $0x38;
	[tilespmem:$0x7880] =	vst v63  }
0x345: {  	s21 =	simm.s32 $0x6780  }
0x346: {  	[tilespmem:s21], [sflag:$0x1] =	stream.linear.gather [spmem:s15], $0x80, $0x38;
	[tilespmem:$0x7880] =	vst v63  }
0x347: {  	_ =	swait.ge [sflag:s16], $0x200  }
0x348: {  	s22 =	sand.u32 $0x70, s18;
	s23 =	sand.u32 $0xC00, s18;
	[sflag:s16] =	ssyncset.done $0x0  }
0x349: {  	s19 =	sor.u32 s22, s23;
	[sflag:s16] =	ssyncadd.s32 $0xFFFFFE00  }
0x34a: {  	v0 =	vld [tilespmem:s19+$0x5800]  }
0x34b: {  	v1 =	vld [tilespmem:s19+$0x5880]  }
0x34c: {  	v2 =	vld [tilespmem:s19+$0x5900]  }
0x34d: {  	v3 =	vld [tilespmem:s19+$0x5980]  }
0x34e: {  	v4 =	vld [tilespmem:s19+$0x5A00]  }
0x34f: {  	s18 =	sor.u32 s18, s18;
	s24 =	simm.s32 $0x10;
	s21 =	simm.s32 $0x80;
	v5 =	vld [tilespmem:s19+$0x5A80]  }
0x350: {  	s18 =	sor.u32 $0x380, s18;
	s22 =	sand.u32 $0x70, s24;
	s23 =	sand.u32 $0xC00, s21;
	v6 =	vld [tilespmem:s19+$0x5B00];
	v0 =	vmin.f32 v0, v1  }
0x351: {  	s22 =	sor.u32 s22, s23;
	v0 =	vmin.f32 v0, v2;
	v2 =	vld [tilespmem:s18+$0x5800]  }
0x352: {  	v7 =	vld [tilespmem:s22+$0x5800];
	v0 =	vmin.f32 v0, v3  }
0x353: {  	v8 =	vld [tilespmem:s22+$0x5880];
	v0 =	vmin.f32 v0, v4  }
0x354: {  	v9 =	vld [tilespmem:s22+$0x5900];
	v0 =	vmin.f32 v0, v5  }
0x355: {  	v3 =	vld [tilespmem:s22+$0x5980];
	v0 =	vmin.f32 v0, v6  }
0x356: {  	v1 =	vld [tilespmem:s22+$0x5A00];
	v0 =	vmin.f32 v0, v2  }
0x357: {  	s20 =	sor.u32 s21, s24;
	s19 =	simm.s32 $0x100;
	s18 =	simm.s32 $0x20;
	v2 =	vld [tilespmem:s22+$0x5A80];
	v6 =	vadd.f32 v0, v0  }
0x358: {  	s23 =	sor.u32 $0x380, s20;
	s24 =	sand.u32 $0xC00, s19;
	s21 =	sand.u32 $0x70, s18;
	v4 =	vld [tilespmem:s22+$0x5B00];
	v5 =	vmin.f32 v7, v8  }
0x359: {  	s20 =	sor.u32 s21, s24;
	s21 =	simm.s32 $0x30;
	v7 =	vmin.f32 v5, v9;
	v5 =	vld [tilespmem:s23+$0x5800];
	v0 =	vimm.f32 $0.0e+00;
	v6 =	vmax.f32 v6, $0.0e+00  }
.LBB2_12:
0x35a: {  	p0 =	sne.s32 s21, $0x1F0;
	v8 =	vld [tilespmem:s20+$0x5800];
	v3 =	vmin.f32 v7, v3;
	v0 =	vadd.f32 v6, v0  }
0x35b: {  	v6 =	vld [tilespmem:s20+$0x5880];
	v1 =	vmin.f32 v3, v1  }
0x35c: {  	v7 =	vld [tilespmem:s20+$0x5900];
	v1 =	vmin.f32 v1, v2  }
.Ltmp5:
0x35d: {  	v3 =	vld [tilespmem:s20+$0x5980];
	v2 =	vmin.f32 v1, v4;
	(pc) =	sbr.rel @p0 .LBB2_12-.Ltmp5, $4  }
0x35e: {  	v1 =	vld [tilespmem:s20+$0x5A00];
	v4 =	vmin.f32 v2, v5  }
0x35f: {  	s22 =	sor.u32 s19, s18;
	s19 =	sadd.s32 $0x80, s19;
	s18 =	smov.u32 s21;
	v2 =	vld [tilespmem:s20+$0x5A80];
	v9 =	vadd.f32 v4, v4  }
0x360: {  	s23 =	sand.u32 $0x70, s21;
	s24 =	sand.u32 $0xC00, s19;
	s22 =	sor.u32 $0x380, s22;
	v5 =	vmin.f32 v8, v6;
	v4 =	vld [tilespmem:s20+$0x5B00]  }
0x361: {  	s21 =	sadd.s32 $0x10, s21;
	s20 =	sor.u32 s23, s24;
	v7 =	vmin.f32 v5, v7;
	v5 =	vld [tilespmem:s22+$0x5800];
	v6 =	vmax.f32 v9, $0.0e+00  }
0x362: {  	v8 =	vld [tilespmem:s20+$0x5800]  }
0x363: {  	v9 =	vld [tilespmem:s20+$0x5880]  }
0x364: {  	v10 =	vld [tilespmem:s20+$0x5900]  }
0x365: {  	v11 =	vld [tilespmem:s20+$0x5980]  }
0x366: {  	v12 =	vld [tilespmem:s20+$0x5A00]  }
0x367: {  	v13 =	vld [tilespmem:s20+$0x5A80];
	s18 =	sor.u32 s19, s18  }
0x368: {  	v3 =	vmin.f32 v7, v3;
	s18 =	sor.u32 $0x380, s18;
	v7 =	vmin.f32 v8, v9;
	v8 =	vld [tilespmem:s20+$0x5B00]  }
0x369: {  	v1 =	vmin.f32 v3, v1;
	v61 =	vmin.f32 v7, v10;
	v7 =	vld [tilespmem:s18+$0x5800]  }
0x36a: {  	v1 =	vmin.f32 v1, v2;
	v62 =	vmin.f32 v61, v11  }
0x36b: {  	v1 =	vmin.f32 v1, v4;
	v2 =	vmin.f32 v62, v12  }
0x36c: {  	v1 =	vmin.f32 v1, v5;
	v2 =	vmin.f32 v2, v13  }
0x36d: {  	v1 =	vadd.f32 v1, v1;
	v2 =	vmin.f32 v2, v8  }
0x36e: {  	v0 =	vadd.f32 v6, v0;
	v2 =	vmin.f32 v2, v7  }
0x36f: {  	v1 =	vmax.f32 v1, $0.0e+00;
	v2 =	vadd.f32 v2, v2  }
0x370: {  	v0 =	vadd.f32 v1, v0  }
0x371: {  	v63 =	vmax.f32 v2, $0.0e+00  }
0x372: {  	v0 =	vadd.f32 v63, v0;
	_ =	sdelay $0x1  }
0x373: {  	s24 =	rddreg [dreg:$0x15];
	[tilespmem:$0x6800] =	vst v0  }
0x374: {  	[hbm4b:s24+s2] =	stream.linear.scatter [tilespmem:s25], [sflag:$0x1], $0x10, $0x38;
	[tilespmem:$0x7880] =	vst v63  }
0x375: {  	_ =	swait.ge [sflag:s16], $0x10  }
0x376: {  	s17 =	sadd.s32 $0x1, s17;
	s25 =	rddreg [dreg:$0x16]  }
0x377: {  	p0 =	sne.s32 s17, s25  }
.Ltmp6:
0x378: {  	_ = 	snop;
	(pc) =	sbr.rel @p0 .LBB2_1-.Ltmp6, $3  }
0x379: {  	_ =	sdelay $0x1  }
0x37a: {  	[sflag:s16] =	ssyncset.done $0x0  }
0x37b: {  	v8 =	vimm.f32 $+Inf;
	[sflag:s16] =	ssyncadd.s32 $0xFFFFFFF0  }
0x37c: {  	_ =	sfence.sel $0x180000  }
0x37d: {  	[bflag:$0x0] =	sbarrier.arrive $0xFFFF  }
0x37e: {  	_ =	strace $0x90000047  }
0x37f: {  	s0 =	stileid.u32;
	[bflag:$0x2] =	sbarrier.arrive $0xFFFF  }
0x380: {  	p0 =	sne.s32 s0, $0x0;
	s0 =	rddreg [dreg:$0x5]  }
0x381: {  	s0 =	sadd.s32 @!p0 $0x100000, s0  }
0x382: {  	[sflag:s0] =	ssyncadd.tile.s32 @!p0 $0x1;
	_ =	shalt  }
.Lfunc_end2:
_tile_overlayer_lowered:
.L_overlay_start_2:
0x383: {  	(tag) =	ssettag $0x2  }
0x384: {  	s0 =	rddreg [dreg:$0x0];
	s2 =	stileid.u32  }
0x385: {  	s1 =	rddreg [dreg:$0x1];
	p0 =	sne.s32 s2, $0x0  }
0x386: {  	s3 =	rddreg [dreg:$0x2];
	[bflag:$0x3] =	sbarrier.arrive $0xFFFF;
	s2 =	simm.s32 @!p0 $0x1C01  }
0x387: {  	[timem:s3], [sflag:s2] =	dma.local @!p0 [hbm:s0], s1  }
0x388: {  	s0 =	simm.s32 @!p0 $0x1  }
0x389: {  	_ =	swait.ge @!p0 [sflag:s0], s1  }
0x38a: {  	s1 =	ssub.s32 @!p0 $0x0, s1;
	[sflag:s0] =	ssyncset.done @!p0 $0x0  }
0x38b: {  	[sflag:s0] =	ssyncadd.s32 @!p0 s1  }
0x38c: {  	[bflag:$0x3] =	sbarrier.arrive $0xFFFF  }
0x38d: {  	_ =	shalt  }

</sc_bundles>
